<compile_context>
chip_gen: v7x
topology: tpu7x:2x2x1
jax: 0.10.2.dev20260603
libtpu: 0.0.44.dev20260713+nightly
codegen_flags: <defaults>
</compile_context>

<pallas_src>
import functools

import jax
import jax.numpy as jnp
from jax import lax
from jax.experimental import pallas as pl
from jax.experimental.pallas import tpu as pltpu
from jax.experimental.pallas import tpu_sc as plsc

D_MODEL = 64
VOCAB = 1000000
BATCH = 4096
HIST = 50

NC = 2
NS = 16
NW = NC * NS

GRP = BATCH // NW
N_STAGE = HIST

SCALE = 8.0


def _mesh():
    return plsc.VectorSubcoreMesh(core_axis_name="c", subcore_axis_name="s")


@functools.partial(
    pl.kernel,
    mesh=_mesh(),
    out_type=jax.ShapeDtypeStruct((HIST, NW, GRP // 8, 8, D_MODEL),
                                  jnp.float32),
    scratch_types=[
        pltpu.VMEM((N_STAGE, GRP), jnp.int32),
        pltpu.VMEM((2, GRP // 8, 8, D_MODEL), jnp.float32),
        pltpu.SemaphoreType.DMA,
        pltpu.SemaphoreType.DMA,
        pltpu.SemaphoreType.DMA,
        pltpu.SemaphoreType.DMA,
    ],
    compiler_params=pltpu.CompilerParams(needs_layout_passes=False),
)
def _gather_scale(idx_hbm, table_hbm, out_hbm, idx_v, buf, sem0, sem1,
                  osem0, osem1):
    wid = lax.axis_index("s") * NC + lax.axis_index("c")
    b0 = pl.multiple_of(wid * GRP, GRP)
    sems = (sem0, sem1)
    osems = (osem0, osem1)
    pltpu.sync_copy(idx_hbm.at[:, pl.ds(b0, GRP)], idx_v)

    def store_drain(st, p):
        pltpu.make_async_copy(
            buf.at[p], out_hbm.at[st, wid], osems[p]).wait()

    def fire(st, p):
        def c_body(c, carry):
            chunk = idx_v[st, pl.ds(c * 16, 16)]
            hi = lax.shift_right_logical(chunk, 3)
            lo = lax.bitwise_and(chunk, 7)
            for i in range(16):
                pltpu.async_copy(
                    table_hbm.at[hi[i], lo[i]],
                    buf.at[p, 2 * c + i // 8, i % 8],
                    sems[p])
            return carry
        lax.fori_loop(0, GRP // 16, c_body, 0)

    def drain(p):
        pltpu.make_async_copy(
            table_hbm.at[pl.ds(0, GRP // 8)], buf.at[p], sems[p]).wait()

    def scale_store(st, p):
        def r_body(r, carry):
            for j in range(8):
                for q in range(D_MODEL // 16):
                    sl = pl.ds(q * 16, 16)
                    buf[p, r, j, sl] = buf[p, r, j, sl] * SCALE
            return carry
        lax.fori_loop(0, GRP // 8, r_body, 0)
        pltpu.async_copy(buf.at[p], out_hbm.at[st, wid], osems[p])

    fire(0, 0)

    def pair_body(u, carry):
        for q in range(2):
            st = 2 * u + q
            @pl.when(st + 1 < N_STAGE)
            def _fire_next():
                @pl.when(st - 1 >= 0)
                def _wait_store():
                    store_drain(st - 1, 1 - q)
                fire(st + 1, 1 - q)
            drain(q)
            scale_store(st, q)
        return carry
    lax.fori_loop(0, N_STAGE // 2, pair_body, 0)
    store_drain(N_STAGE - 2, 0)
    store_drain(N_STAGE - 1, 1)


def kernel(x, W):
    idx = jnp.transpose(x.reshape(BATCH, HIST)).astype(jnp.int32)
    table = W.reshape(VOCAB // 8, 8, D_MODEL)
    out = _gather_scale(idx, table)
    return jnp.transpose(out.reshape(HIST, BATCH, D_MODEL), (1, 0, 2))

# --- scband reference (transcript-rebuilt; emitter-appended) ---
"""Pipeline reference for scband-embedding-2087354106000 (READ-ONLY COPY).

The authoritative reference and input builder live on the scoring server;
editing this copy changes nothing except your own understanding.
"""

import jax, jax.numpy as jnp
import numpy as np
import math

D_MODEL = 64
VOCAB = 1000000
BATCH = 4096
HIST = 50

def setup_inputs(seed: int = 0) -> dict:
    key = jax.random.key(seed)
    k1, k2 = jax.random.split(key)
    # x mimics the torch forward's indexable container: x[0] is the activity-label
    # index tensor of shape [BATCH, HIST, 1]. We add a leading axis of size 1 so a
    # single array plays the role of the container (only x[0] is used since
    # attributes_meta has no key 1).
    x = jax.random.randint(k1, (1, BATCH, HIST, 1), 0, VOCAB, dtype=jnp.int64 if jax.config.jax_enable_x64 else jnp.int32)
    # nn.Embedding weight init ~ N(0, 1)
    W = jax.random.normal(k2, (VOCAB, D_MODEL), dtype=jnp.float32)
    return {"x": x, "W": W}

def reference(x, W):
    # branch: 1 not in attributes_meta.keys()
    idx = x[0]                              # [BATCH, HIST, 1]
    emb = jnp.take(W, idx, axis=0)          # [BATCH, HIST, 1, D_MODEL]
    emb = jnp.squeeze(emb, axis=2)          # [BATCH, HIST, D_MODEL]
    # dropout p=0.0 is identity
    return emb * math.sqrt(D_MODEL)

if __name__ == "__main__":
    import jax
    _d = setup_inputs()
    print(jax.jit(kernel)(*tuple(_d.values())))

</pallas_src>

<mosaic_0001>
#map = affine_map<(d0, d1) -> (0, 0)>
#map1 = affine_map<(d0, d1) -> (0, 0, 0)>
#map2 = affine_map<(d0, d1) -> (0, 0, 0, 0, 0)>
module attributes {stable_mosaic.version = 14 : i64} {
  func.func @_gather_scale(%arg0: i32, %arg1: i32, %arg2: memref<50x4096xi32, #tpu.memory_space<hbm>>, %arg3: memref<125000x8x64xf32, #tpu.memory_space<hbm>>, %arg4: memref<50x32x16x8x64xf32, #tpu.memory_space<hbm>>, %arg5: memref<50x128xi32, #tpu.memory_space<vmem>>, %arg6: memref<2x16x8x64xf32, #tpu.memory_space<vmem>>, %arg7: memref<!tpu.dma_semaphore, #tpu.memory_space<semaphore_mem>>, %arg8: memref<!tpu.dma_semaphore, #tpu.memory_space<semaphore_mem>>, %arg9: memref<!tpu.dma_semaphore, #tpu.memory_space<semaphore_mem>>, %arg10: memref<!tpu.dma_semaphore, #tpu.memory_space<semaphore_mem>>) attributes {dimension_semantics = [#tpu.dimension_semantics<core_parallel>, #tpu.dimension_semantics<subcore_parallel>], iteration_bounds = array<i64: 2, 16>, scalar_prefetch = 0 : i64, scratch_operands = 6 : i64, tpu.core_type = #tpu.core_type<sc_vector_subcore>, window_params = [{transform_indices = #map}, {transform_indices = #map1}, {transform_indices = #map2}]} {
    %mul3A = arith.constant 2 : i32
    %mul3A_0 = arith.muli %arg1, %mul3A : i32
    %add3A = arith.addi %mul3A_0, %arg0 : i32
    %mul3A_1 = arith.constant 128 : i32
    %mul3A_2 = arith.muli %add3A, %mul3A_1 : i32
    %multiple_of3A = tpu.assume_multiple %mul3A_2, 128 : i32
    "tpu.region"() ({
      %run_scoped3A = tpu.sem_alloc : memref<!tpu.dma_semaphore, #tpu.memory_space<semaphore_mem>>
      %dma_start3A = arith.constant 0 : i32
      %dma_start3A_57 = tpu.memref_slice %arg2[%dma_start3A, %multiple_of3A] : memref<50x4096xi32, #tpu.memory_space<hbm>> -> memref<50x128xi32, #tpu.memory_space<hbm>>
      %dma_start3A_58 = arith.constant 0 : i32
      %dma_start3A_59 = tpu.memref_slice %arg2[%dma_start3A_58, %multiple_of3A] : memref<50x4096xi32, #tpu.memory_space<hbm>> -> memref<50x128xi32, #tpu.memory_space<hbm>>
      tpu.enqueue_dma source(%dma_start3A_59 : memref<50x128xi32, #tpu.memory_space<hbm>>) target(%arg5 : memref<50x128xi32, #tpu.memory_space<vmem>>) target_semaphore(%run_scoped3A : memref<!tpu.dma_semaphore, #tpu.memory_space<semaphore_mem>>)
      %dma_wait3A_60 = arith.constant 0 : i32
      %dma_wait3A_61 = tpu.memref_slice %arg2[%dma_wait3A_60, %multiple_of3A] : memref<50x4096xi32, #tpu.memory_space<hbm>> -> memref<50x128xi32, #tpu.memory_space<hbm>>
      %dma_wait3A_62 = arith.constant 0 : i32
      %dma_wait3A_63 = tpu.memref_slice %arg2[%dma_wait3A_62, %multiple_of3A] : memref<50x4096xi32, #tpu.memory_space<hbm>> -> memref<50x128xi32, #tpu.memory_space<hbm>>
      tpu.wait_dma2 semaphore(%run_scoped3A : memref<!tpu.dma_semaphore, #tpu.memory_space<semaphore_mem>>) src(%dma_wait3A_63 : memref<50x128xi32, #tpu.memory_space<hbm>>) dst(%arg5 : memref<50x128xi32, #tpu.memory_space<vmem>>)
      tpu.yield
    }) : () -> ()
    %scan3A = arith.constant 0 : i32
    %scan3A_3 = arith.constant 0 : i32
    %scan3A_4 = arith.constant 8 : i32
    %scan3A_5 = arith.addi %scan3A_3, %scan3A_4 : i32
    %scan3A_6 = arith.constant 1 : i32
    scf.for %scan3A_57 = %scan3A_3 to %scan3A_5 step %scan3A_6  : i32 {
      %mul3A_58 = arith.constant 16 : i32
      %mul3A_59 = arith.muli %scan3A_57, %mul3A_58 : i32
      %get3A = arith.constant 0 : i32
      %get3A_60 = arith.index_cast %get3A : i32 to index
      %get3A_61 = arith.index_cast %mul3A_59 : i32 to index
      %get3A_62 = tpu.vector_load %arg5[%get3A_60, %get3A_61] {strides = array<i32>} : memref<50x128xi32, #tpu.memory_space<vmem>>, vector<16xi32>,
      %shift_right_logical3A = arith.constant 3 : i32
      %shift_right_logical3A_63 = vector.broadcast %shift_right_logical3A : i32 to vector<16xi32>
      %shift_right_logical3A_64 = arith.shrui %get3A_62, %shift_right_logical3A_63 : vector<16xi32>
      %and3A = arith.constant 7 : i32
      %and3A_65 = vector.broadcast %and3A : i32 to vector<16xi32>
      %and3A_66 = arith.andi %get3A_62, %and3A_65 : vector<16xi32>
      %slice3A = vector.extract_strided_slice %shift_right_logical3A_64 {offsets = [0], sizes = [1], strides = [1]} : vector<16xi32> to vector<1xi32>
      %squeeze3A = vector.extract %slice3A[0] : i32 from vector<1xi32>
      %slice3A_67 = vector.extract_strided_slice %and3A_66 {offsets = [0], sizes = [1], strides = [1]} : vector<16xi32> to vector<1xi32>
      %squeeze3A_68 = vector.extract %slice3A_67[0] : i32 from vector<1xi32>
      %mul3A_69 = arith.constant 2 : i32
      %mul3A_70 = arith.muli %mul3A_69, %scan3A_57 : i32
      %add3A_71 = arith.constant 0 : i32
      %add3A_72 = arith.addi %mul3A_70, %add3A_71 : i32
      %dma_start3A = arith.constant 0 : i32
      %dma_start3A_73 = arith.constant 0 : i32
      %dma_start3A_74 = arith.constant 0 : i32
      %dma_start3A_75 = tpu.memref_slice %arg6[%dma_start3A, %add3A_72, %dma_start3A_73, %dma_start3A_74] : memref<2x16x8x64xf32, #tpu.memory_space<vmem>> -> memref<1x1x1x64xf32, #tpu.memory_space<vmem>>
      %dma_start3A_76 = tpu.memref_squeeze %dma_start3A_75 : memref<1x1x1x64xf32, #tpu.memory_space<vmem>> -> memref<64xf32, #tpu.memory_space<vmem>>
      %dma_start3A_77 = arith.constant 0 : i32
      %dma_start3A_78 = tpu.memref_slice %arg3[%squeeze3A, %squeeze3A_68, %dma_start3A_77] : memref<125000x8x64xf32, #tpu.memory_space<hbm>> -> memref<1x1x64xf32, #tpu.memory_space<hbm>>
      %dma_start3A_79 = tpu.memref_squeeze %dma_start3A_78 : memref<1x1x64xf32, #tpu.memory_space<hbm>> -> memref<64xf32, #tpu.memory_space<hbm>>
      %dma_start3A_80 = arith.constant 0 : i32
      %dma_start3A_81 = tpu.memref_slice %arg6[%dma_start3A, %add3A_72, %dma_start3A_73, %dma_start3A_80] : memref<2x16x8x64xf32, #tpu.memory_space<vmem>> -> memref<1x1x1x64xf32, #tpu.memory_space<vmem>>
      %dma_start3A_82 = tpu.memref_squeeze %dma_start3A_81 : memref<1x1x1x64xf32, #tpu.memory_space<vmem>> -> memref<64xf32, #tpu.memory_space<vmem>>
      %dma_start3A_83 = arith.constant 0 : i32
      %dma_start3A_84 = tpu.memref_slice %arg3[%squeeze3A, %squeeze3A_68, %dma_start3A_83] : memref<125000x8x64xf32, #tpu.memory_space<hbm>> -> memref<1x1x64xf32, #tpu.memory_space<hbm>>
      %dma_start3A_85 = tpu.memref_squeeze %dma_start3A_84 : memref<1x1x64xf32, #tpu.memory_space<hbm>> -> memref<64xf32, #tpu.memory_space<hbm>>
      tpu.enqueue_dma source(%dma_start3A_85 : memref<64xf32, #tpu.memory_space<hbm>>) target(%dma_start3A_82 : memref<64xf32, #tpu.memory_space<vmem>>) target_semaphore(%arg7 : memref<!tpu.dma_semaphore, #tpu.memory_space<semaphore_mem>>)
      %slice3A_86 = vector.extract_strided_slice %shift_right_logical3A_64 {offsets = [1], sizes = [1], strides = [1]} : vector<16xi32> to vector<1xi32>
      %squeeze3A_87 = vector.extract %slice3A_86[0] : i32 from vector<1xi32>
      %slice3A_88 = vector.extract_strided_slice %and3A_66 {offsets = [1], sizes = [1], strides = [1]} : vector<16xi32> to vector<1xi32>
      %squeeze3A_89 = vector.extract %slice3A_88[0] : i32 from vector<1xi32>
      %mul3A_90 = arith.constant 2 : i32
      %mul3A_91 = arith.muli %mul3A_90, %scan3A_57 : i32
      %add3A_92 = arith.constant 0 : i32
      %add3A_93 = arith.addi %mul3A_91, %add3A_92 : i32
      %dma_start3A_94 = arith.constant 0 : i32
      %dma_start3A_95 = arith.constant 1 : i32
      %dma_start3A_96 = arith.constant 0 : i32
      %dma_start3A_97 = tpu.memref_slice %arg6[%dma_start3A_94, %add3A_93, %dma_start3A_95, %dma_start3A_96] : memref<2x16x8x64xf32, #tpu.memory_space<vmem>> -> memref<1x1x1x64xf32, #tpu.memory_space<vmem>>
      %dma_start3A_98 = tpu.memref_squeeze %dma_start3A_97 : memref<1x1x1x64xf32, #tpu.memory_space<vmem>> -> memref<64xf32, #tpu.memory_space<vmem>>
      %dma_start3A_99 = arith.constant 0 : i32
      %dma_start3A_100 = tpu.memref_slice %arg3[%squeeze3A_87, %squeeze3A_89, %dma_start3A_99] : memref<125000x8x64xf32, #tpu.memory_space<hbm>> -> memref<1x1x64xf32, #tpu.memory_space<hbm>>
      %dma_start3A_101 = tpu.memref_squeeze %dma_start3A_100 : memref<1x1x64xf32, #tpu.memory_space<hbm>> -> memref<64xf32, #tpu.memory_space<hbm>>
      %dma_start3A_102 = arith.constant 0 : i32
      %dma_start3A_103 = tpu.memref_slice %arg6[%dma_start3A_94, %add3A_93, %dma_start3A_95, %dma_start3A_102] : memref<2x16x8x64xf32, #tpu.memory_space<vmem>> -> memref<1x1x1x64xf32, #tpu.memory_space<vmem>>
      %dma_start3A_104 = tpu.memref_squeeze %dma_start3A_103 : memref<1x1x1x64xf32, #tpu.memory_space<vmem>> -> memref<64xf32, #tpu.memory_space<vmem>>
      %dma_start3A_105 = arith.constant 0 : i32
      %dma_start3A_106 = tpu.memref_slice %arg3[%squeeze3A_87, %squeeze3A_89, %dma_start3A_105] : memref<125000x8x64xf32, #tpu.memory_space<hbm>> -> memref<1x1x64xf32, #tpu.memory_space<hbm>>
      %dma_start3A_107 = tpu.memref_squeeze %dma_start3A_106 : memref<1x1x64xf32, #tpu.memory_space<hbm>> -> memref<64xf32, #tpu.memory_space<hbm>>
      tpu.enqueue_dma source(%dma_start3A_107 : memref<64xf32, #tpu.memory_space<hbm>>) target(%dma_start3A_104 : memref<64xf32, #tpu.memory_space<vmem>>) target_semaphore(%arg7 : memref<!tpu.dma_semaphore, #tpu.memory_space<semaphore_mem>>)
      %slice3A_108 = vector.extract_strided_slice %shift_right_logical3A_64 {offsets = [2], sizes = [1], strides = [1]} : vector<16xi32> to vector<1xi32>
      %squeeze3A_109 = vector.extract %slice3A_108[0] : i32 from vector<1xi32>
      %slice3A_110 = vector.extract_strided_slice %and3A_66 {offsets = [2], sizes = [1], strides = [1]} : vector<16xi32> to vector<1xi32>
      %squeeze3A_111 = vector.extract %slice3A_110[0] : i32 from vector<1xi32>
      %mul3A_112 = arith.constant 2 : i32
      %mul3A_113 = arith.muli %mul3A_112, %scan3A_57 : i32
      %add3A_114 = arith.constant 0 : i32
      %add3A_115 = arith.addi %mul3A_113, %add3A_114 : i32
      %dma_start3A_116 = arith.constant 0 : i32
      %dma_start3A_117 = arith.constant 2 : i32
      %dma_start3A_118 = arith.constant 0 : i32
      %dma_start3A_119 = tpu.memref_slice %arg6[%dma_start3A_116, %add3A_115, %dma_start3A_117, %dma_start3A_118] : memref<2x16x8x64xf32, #tpu.memory_space<vmem>> -> memref<1x1x1x64xf32, #tpu.memory_space<vmem>>
      %dma_start3A_120 = tpu.memref_squeeze %dma_start3A_119 : memref<1x1x1x64xf32, #tpu.memory_space<vmem>> -> memref<64xf32, #tpu.memory_space<vmem>>
      %dma_start3A_121 = arith.constant 0 : i32
      %dma_start3A_122 = tpu.memref_slice %arg3[%squeeze3A_109, %squeeze3A_111, %dma_start3A_121] : memref<125000x8x64xf32, #tpu.memory_space<hbm>> -> memref<1x1x64xf32, #tpu.memory_space<hbm>>
      %dma_start3A_123 = tpu.memref_squeeze %dma_start3A_122 : memref<1x1x64xf32, #tpu.memory_space<hbm>> -> memref<64xf32, #tpu.memory_space<hbm>>
      %dma_start3A_124 = arith.constant 0 : i32
      %dma_start3A_125 = tpu.memref_slice %arg6[%dma_start3A_116, %add3A_115, %dma_start3A_117, %dma_start3A_124] : memref<2x16x8x64xf32, #tpu.memory_space<vmem>> -> memref<1x1x1x64xf32, #tpu.memory_space<vmem>>
      %dma_start3A_126 = tpu.memref_squeeze %dma_start3A_125 : memref<1x1x1x64xf32, #tpu.memory_space<vmem>> -> memref<64xf32, #tpu.memory_space<vmem>>
      %dma_start3A_127 = arith.constant 0 : i32
      %dma_start3A_128 = tpu.memref_slice %arg3[%squeeze3A_109, %squeeze3A_111, %dma_start3A_127] : memref<125000x8x64xf32, #tpu.memory_space<hbm>> -> memref<1x1x64xf32, #tpu.memory_space<hbm>>
      %dma_start3A_129 = tpu.memref_squeeze %dma_start3A_128 : memref<1x1x64xf32, #tpu.memory_space<hbm>> -> memref<64xf32, #tpu.memory_space<hbm>>
      tpu.enqueue_dma source(%dma_start3A_129 : memref<64xf32, #tpu.memory_space<hbm>>) target(%dma_start3A_126 : memref<64xf32, #tpu.memory_space<vmem>>) target_semaphore(%arg7 : memref<!tpu.dma_semaphore, #tpu.memory_space<semaphore_mem>>)
      %slice3A_130 = vector.extract_strided_slice %shift_right_logical3A_64 {offsets = [3], sizes = [1], strides = [1]} : vector<16xi32> to vector<1xi32>
      %squeeze3A_131 = vector.extract %slice3A_130[0] : i32 from vector<1xi32>
      %slice3A_132 = vector.extract_strided_slice %and3A_66 {offsets = [3], sizes = [1], strides = [1]} : vector<16xi32> to vector<1xi32>
      %squeeze3A_133 = vector.extract %slice3A_132[0] : i32 from vector<1xi32>
      %mul3A_134 = arith.constant 2 : i32
      %mul3A_135 = arith.muli %mul3A_134, %scan3A_57 : i32
      %add3A_136 = arith.constant 0 : i32
      %add3A_137 = arith.addi %mul3A_135, %add3A_136 : i32
      %dma_start3A_138 = arith.constant 0 : i32
      %dma_start3A_139 = arith.constant 3 : i32
      %dma_start3A_140 = arith.constant 0 : i32
      %dma_start3A_141 = tpu.memref_slice %arg6[%dma_start3A_138, %add3A_137, %dma_start3A_139, %dma_start3A_140] : memref<2x16x8x64xf32, #tpu.memory_space<vmem>> -> memref<1x1x1x64xf32, #tpu.memory_space<vmem>>
      %dma_start3A_142 = tpu.memref_squeeze %dma_start3A_141 : memref<1x1x1x64xf32, #tpu.memory_space<vmem>> -> memref<64xf32, #tpu.memory_space<vmem>>
      %dma_start3A_143 = arith.constant 0 : i32
      %dma_start3A_144 = tpu.memref_slice %arg3[%squeeze3A_131, %squeeze3A_133, %dma_start3A_143] : memref<125000x8x64xf32, #tpu.memory_space<hbm>> -> memref<1x1x64xf32, #tpu.memory_space<hbm>>
      %dma_start3A_145 = tpu.memref_squeeze %dma_start3A_144 : memref<1x1x64xf32, #tpu.memory_space<hbm>> -> memref<64xf32, #tpu.memory_space<hbm>>
      %dma_start3A_146 = arith.constant 0 : i32
      %dma_start3A_147 = tpu.memref_slice %arg6[%dma_start3A_138, %add3A_137, %dma_start3A_139, %dma_start3A_146] : memref<2x16x8x64xf32, #tpu.memory_space<vmem>> -> memref<1x1x1x64xf32, #tpu.memory_space<vmem>>
      %dma_start3A_148 = tpu.memref_squeeze %dma_start3A_147 : memref<1x1x1x64xf32, #tpu.memory_space<vmem>> -> memref<64xf32, #tpu.memory_space<vmem>>
      %dma_start3A_149 = arith.constant 0 : i32
      %dma_start3A_150 = tpu.memref_slice %arg3[%squeeze3A_131, %squeeze3A_133, %dma_start3A_149] : memref<125000x8x64xf32, #tpu.memory_space<hbm>> -> memref<1x1x64xf32, #tpu.memory_space<hbm>>
      %dma_start3A_151 = tpu.memref_squeeze %dma_start3A_150 : memref<1x1x64xf32, #tpu.memory_space<hbm>> -> memref<64xf32, #tpu.memory_space<hbm>>
      tpu.enqueue_dma source(%dma_start3A_151 : memref<64xf32, #tpu.memory_space<hbm>>) target(%dma_start3A_148 : memref<64xf32, #tpu.memory_space<vmem>>) target_semaphore(%arg7 : memref<!tpu.dma_semaphore, #tpu.memory_space<semaphore_mem>>)
      %slice3A_152 = vector.extract_strided_slice %shift_right_logical3A_64 {offsets = [4], sizes = [1], strides = [1]} : vector<16xi32> to vector<1xi32>
      %squeeze3A_153 = vector.extract %slice3A_152[0] : i32 from vector<1xi32>
      %slice3A_154 = vector.extract_strided_slice %and3A_66 {offsets = [4], sizes = [1], strides = [1]} : vector<16xi32> to vector<1xi32>
      %squeeze3A_155 = vector.extract %slice3A_154[0] : i32 from vector<1xi32>
      %mul3A_156 = arith.constant 2 : i32
      %mul3A_157 = arith.muli %mul3A_156, %scan3A_57 : i32
      %add3A_158 = arith.constant 0 : i32
      %add3A_159 = arith.addi %mul3A_157, %add3A_158 : i32
      %dma_start3A_160 = arith.constant 0 : i32
      %dma_start3A_161 = arith.constant 4 : i32
      %dma_start3A_162 = arith.constant 0 : i32
      %dma_start3A_163 = tpu.memref_slice %arg6[%dma_start3A_160, %add3A_159, %dma_start3A_161, %dma_start3A_162] : memref<2x16x8x64xf32, #tpu.memory_space<vmem>> -> memref<1x1x1x64xf32, #tpu.memory_space<vmem>>
      %dma_start3A_164 = tpu.memref_squeeze %dma_start3A_163 : memref<1x1x1x64xf32, #tpu.memory_space<vmem>> -> memref<64xf32, #tpu.memory_space<vmem>>
      %dma_start3A_165 = arith.constant 0 : i32
      %dma_start3A_166 = tpu.memref_slice %arg3[%squeeze3A_153, %squeeze3A_155, %dma_start3A_165] : memref<125000x8x64xf32, #tpu.memory_space<hbm>> -> memref<1x1x64xf32, #tpu.memory_space<hbm>>
      %dma_start3A_167 = tpu.memref_squeeze %dma_start3A_166 : memref<1x1x64xf32, #tpu.memory_space<hbm>> -> memref<64xf32, #tpu.memory_space<hbm>>
      %dma_start3A_168 = arith.constant 0 : i32
      %dma_start3A_169 = tpu.memref_slice %arg6[%dma_start3A_160, %add3A_159, %dma_start3A_161, %dma_start3A_168] : memref<2x16x8x64xf32, #tpu.memory_space<vmem>> -> memref<1x1x1x64xf32, #tpu.memory_space<vmem>>
      %dma_start3A_170 = tpu.memref_squeeze %dma_start3A_169 : memref<1x1x1x64xf32, #tpu.memory_space<vmem>> -> memref<64xf32, #tpu.memory_space<vmem>>
      %dma_start3A_171 = arith.constant 0 : i32
      %dma_start3A_172 = tpu.memref_slice %arg3[%squeeze3A_153, %squeeze3A_155, %dma_start3A_171] : memref<125000x8x64xf32, #tpu.memory_space<hbm>> -> memref<1x1x64xf32, #tpu.memory_space<hbm>>
      %dma_start3A_173 = tpu.memref_squeeze %dma_start3A_172 : memref<1x1x64xf32, #tpu.memory_space<hbm>> -> memref<64xf32, #tpu.memory_space<hbm>>
      tpu.enqueue_dma source(%dma_start3A_173 : memref<64xf32, #tpu.memory_space<hbm>>) target(%dma_start3A_170 : memref<64xf32, #tpu.memory_space<vmem>>) target_semaphore(%arg7 : memref<!tpu.dma_semaphore, #tpu.memory_space<semaphore_mem>>)
      %slice3A_174 = vector.extract_strided_slice %shift_right_logical3A_64 {offsets = [5], sizes = [1], strides = [1]} : vector<16xi32> to vector<1xi32>
      %squeeze3A_175 = vector.extract %slice3A_174[0] : i32 from vector<1xi32>
      %slice3A_176 = vector.extract_strided_slice %and3A_66 {offsets = [5], sizes = [1], strides = [1]} : vector<16xi32> to vector<1xi32>
      %squeeze3A_177 = vector.extract %slice3A_176[0] : i32 from vector<1xi32>
      %mul3A_178 = arith.constant 2 : i32
      %mul3A_179 = arith.muli %mul3A_178, %scan3A_57 : i32
      %add3A_180 = arith.constant 0 : i32
      %add3A_181 = arith.addi %mul3A_179, %add3A_180 : i32
      %dma_start3A_182 = arith.constant 0 : i32
      %dma_start3A_183 = arith.constant 5 : i32
      %dma_start3A_184 = arith.constant 0 : i32
      %dma_start3A_185 = tpu.memref_slice %arg6[%dma_start3A_182, %add3A_181, %dma_start3A_183, %dma_start3A_184] : memref<2x16x8x64xf32, #tpu.memory_space<vmem>> -> memref<1x1x1x64xf32, #tpu.memory_space<vmem>>
      %dma_start3A_186 = tpu.memref_squeeze %dma_start3A_185 : memref<1x1x1x64xf32, #tpu.memory_space<vmem>> -> memref<64xf32, #tpu.memory_space<vmem>>
      %dma_start3A_187 = arith.constant 0 : i32
      %dma_start3A_188 = tpu.memref_slice %arg3[%squeeze3A_175, %squeeze3A_177, %dma_start3A_187] : memref<125000x8x64xf32, #tpu.memory_space<hbm>> -> memref<1x1x64xf32, #tpu.memory_space<hbm>>
      %dma_start3A_189 = tpu.memref_squeeze %dma_start3A_188 : memref<1x1x64xf32, #tpu.memory_space<hbm>> -> memref<64xf32, #tpu.memory_space<hbm>>
      %dma_start3A_190 = arith.constant 0 : i32
      %dma_start3A_191 = tpu.memref_slice %arg6[%dma_start3A_182, %add3A_181, %dma_start3A_183, %dma_start3A_190] : memref<2x16x8x64xf32, #tpu.memory_space<vmem>> -> memref<1x1x1x64xf32, #tpu.memory_space<vmem>>
      %dma_start3A_192 = tpu.memref_squeeze %dma_start3A_191 : memref<1x1x1x64xf32, #tpu.memory_space<vmem>> -> memref<64xf32, #tpu.memory_space<vmem>>
      %dma_start3A_193 = arith.constant 0 : i32
      %dma_start3A_194 = tpu.memref_slice %arg3[%squeeze3A_175, %squeeze3A_177, %dma_start3A_193] : memref<125000x8x64xf32, #tpu.memory_space<hbm>> -> memref<1x1x64xf32, #tpu.memory_space<hbm>>
      %dma_start3A_195 = tpu.memref_squeeze %dma_start3A_194 : memref<1x1x64xf32, #tpu.memory_space<hbm>> -> memref<64xf32, #tpu.memory_space<hbm>>
      tpu.enqueue_dma source(%dma_start3A_195 : memref<64xf32, #tpu.memory_space<hbm>>) target(%dma_start3A_192 : memref<64xf32, #tpu.memory_space<vmem>>) target_semaphore(%arg7 : memref<!tpu.dma_semaphore, #tpu.memory_space<semaphore_mem>>)
      %slice3A_196 = vector.extract_strided_slice %shift_right_logical3A_64 {offsets = [6], sizes = [1], strides = [1]} : vector<16xi32> to vector<1xi32>
      %squeeze3A_197 = vector.extract %slice3A_196[0] : i32 from vector<1xi32>
      %slice3A_198 = vector.extract_strided_slice %and3A_66 {offsets = [6], sizes = [1], strides = [1]} : vector<16xi32> to vector<1xi32>
      %squeeze3A_199 = vector.extract %slice3A_198[0] : i32 from vector<1xi32>
      %mul3A_200 = arith.constant 2 : i32
      %mul3A_201 = arith.muli %mul3A_200, %scan3A_57 : i32
      %add3A_202 = arith.constant 0 : i32
      %add3A_203 = arith.addi %mul3A_201, %add3A_202 : i32
      %dma_start3A_204 = arith.constant 0 : i32
      %dma_start3A_205 = arith.constant 6 : i32
      %dma_start3A_206 = arith.constant 0 : i32
      %dma_start3A_207 = tpu.memref_slice %arg6[%dma_start3A_204, %add3A_203, %dma_start3A_205, %dma_start3A_206] : memref<2x16x8x64xf32, #tpu.memory_space<vmem>> -> memref<1x1x1x64xf32, #tpu.memory_space<vmem>>
      %dma_start3A_208 = tpu.memref_squeeze %dma_start3A_207 : memref<1x1x1x64xf32, #tpu.memory_space<vmem>> -> memref<64xf32, #tpu.memory_space<vmem>>
      %dma_start3A_209 = arith.constant 0 : i32
      %dma_start3A_210 = tpu.memref_slice %arg3[%squeeze3A_197, %squeeze3A_199, %dma_start3A_209] : memref<125000x8x64xf32, #tpu.memory_space<hbm>> -> memref<1x1x64xf32, #tpu.memory_space<hbm>>
      %dma_start3A_211 = tpu.memref_squeeze %dma_start3A_210 : memref<1x1x64xf32, #tpu.memory_space<hbm>> -> memref<64xf32, #tpu.memory_space<hbm>>
      %dma_start3A_212 = arith.constant 0 : i32
      %dma_start3A_213 = tpu.memref_slice %arg6[%dma_start3A_204, %add3A_203, %dma_start3A_205, %dma_start3A_212] : memref<2x16x8x64xf32, #tpu.memory_space<vmem>> -> memref<1x1x1x64xf32, #tpu.memory_space<vmem>>
      %dma_start3A_214 = tpu.memref_squeeze %dma_start3A_213 : memref<1x1x1x64xf32, #tpu.memory_space<vmem>> -> memref<64xf32, #tpu.memory_space<vmem>>
      %dma_start3A_215 = arith.constant 0 : i32
      %dma_start3A_216 = tpu.memref_slice %arg3[%squeeze3A_197, %squeeze3A_199, %dma_start3A_215] : memref<125000x8x64xf32, #tpu.memory_space<hbm>> -> memref<1x1x64xf32, #tpu.memory_space<hbm>>
      %dma_start3A_217 = tpu.memref_squeeze %dma_start3A_216 : memref<1x1x64xf32, #tpu.memory_space<hbm>> -> memref<64xf32, #tpu.memory_space<hbm>>
      tpu.enqueue_dma source(%dma_start3A_217 : memref<64xf32, #tpu.memory_space<hbm>>) target(%dma_start3A_214 : memref<64xf32, #tpu.memory_space<vmem>>) target_semaphore(%arg7 : memref<!tpu.dma_semaphore, #tpu.memory_space<semaphore_mem>>)
      %slice3A_218 = vector.extract_strided_slice %shift_right_logical3A_64 {offsets = [7], sizes = [1], strides = [1]} : vector<16xi32> to vector<1xi32>
      %squeeze3A_219 = vector.extract %slice3A_218[0] : i32 from vector<1xi32>
      %slice3A_220 = vector.extract_strided_slice %and3A_66 {offsets = [7], sizes = [1], strides = [1]} : vector<16xi32> to vector<1xi32>
      %squeeze3A_221 = vector.extract %slice3A_220[0] : i32 from vector<1xi32>
      %mul3A_222 = arith.constant 2 : i32
      %mul3A_223 = arith.muli %mul3A_222, %scan3A_57 : i32
      %add3A_224 = arith.constant 0 : i32
      %add3A_225 = arith.addi %mul3A_223, %add3A_224 : i32
      %dma_start3A_226 = arith.constant 0 : i32
      %dma_start3A_227 = arith.constant 7 : i32
      %dma_start3A_228 = arith.constant 0 : i32
      %dma_start3A_229 = tpu.memref_slice %arg6[%dma_start3A_226, %add3A_225, %dma_start3A_227, %dma_start3A_228] : memref<2x16x8x64xf32, #tpu.memory_space<vmem>> -> memref<1x1x1x64xf32, #tpu.memory_space<vmem>>
      %dma_start3A_230 = tpu.memref_squeeze %dma_start3A_229 : memref<1x1x1x64xf32, #tpu.memory_space<vmem>> -> memref<64xf32, #tpu.memory_space<vmem>>
      %dma_start3A_231 = arith.constant 0 : i32
      %dma_start3A_232 = tpu.memref_slice %arg3[%squeeze3A_219, %squeeze3A_221, %dma_start3A_231] : memref<125000x8x64xf32, #tpu.memory_space<hbm>> -> memref<1x1x64xf32, #tpu.memory_space<hbm>>
      %dma_start3A_233 = tpu.memref_squeeze %dma_start3A_232 : memref<1x1x64xf32, #tpu.memory_space<hbm>> -> memref<64xf32, #tpu.memory_space<hbm>>
      %dma_start3A_234 = arith.constant 0 : i32
      %dma_start3A_235 = tpu.memref_slice %arg6[%dma_start3A_226, %add3A_225, %dma_start3A_227, %dma_start3A_234] : memref<2x16x8x64xf32, #tpu.memory_space<vmem>> -> memref<1x1x1x64xf32, #tpu.memory_space<vmem>>
      %dma_start3A_236 = tpu.memref_squeeze %dma_start3A_235 : memref<1x1x1x64xf32, #tpu.memory_space<vmem>> -> memref<64xf32, #tpu.memory_space<vmem>>
      %dma_start3A_237 = arith.constant 0 : i32
      %dma_start3A_238 = tpu.memref_slice %arg3[%squeeze3A_219, %squeeze3A_221, %dma_start3A_237] : memref<125000x8x64xf32, #tpu.memory_space<hbm>> -> memref<1x1x64xf32, #tpu.memory_space<hbm>>
      %dma_start3A_239 = tpu.memref_squeeze %dma_start3A_238 : memref<1x1x64xf32, #tpu.memory_space<hbm>> -> memref<64xf32, #tpu.memory_space<hbm>>
      tpu.enqueue_dma source(%dma_start3A_239 : memref<64xf32, #tpu.memory_space<hbm>>) target(%dma_start3A_236 : memref<64xf32, #tpu.memory_space<vmem>>) target_semaphore(%arg7 : memref<!tpu.dma_semaphore, #tpu.memory_space<semaphore_mem>>)
      %slice3A_240 = vector.extract_strided_slice %shift_right_logical3A_64 {offsets = [8], sizes = [1], strides = [1]} : vector<16xi32> to vector<1xi32>
      %squeeze3A_241 = vector.extract %slice3A_240[0] : i32 from vector<1xi32>
      %slice3A_242 = vector.extract_strided_slice %and3A_66 {offsets = [8], sizes = [1], strides = [1]} : vector<16xi32> to vector<1xi32>
      %squeeze3A_243 = vector.extract %slice3A_242[0] : i32 from vector<1xi32>
      %mul3A_244 = arith.constant 2 : i32
      %mul3A_245 = arith.muli %mul3A_244, %scan3A_57 : i32
      %add3A_246 = arith.constant 1 : i32
      %add3A_247 = arith.addi %mul3A_245, %add3A_246 : i32
      %dma_start3A_248 = arith.constant 0 : i32
      %dma_start3A_249 = arith.constant 0 : i32
      %dma_start3A_250 = arith.constant 0 : i32
      %dma_start3A_251 = tpu.memref_slice %arg6[%dma_start3A_248, %add3A_247, %dma_start3A_249, %dma_start3A_250] : memref<2x16x8x64xf32, #tpu.memory_space<vmem>> -> memref<1x1x1x64xf32, #tpu.memory_space<vmem>>
      %dma_start3A_252 = tpu.memref_squeeze %dma_start3A_251 : memref<1x1x1x64xf32, #tpu.memory_space<vmem>> -> memref<64xf32, #tpu.memory_space<vmem>>
      %dma_start3A_253 = arith.constant 0 : i32
      %dma_start3A_254 = tpu.memref_slice %arg3[%squeeze3A_241, %squeeze3A_243, %dma_start3A_253] : memref<125000x8x64xf32, #tpu.memory_space<hbm>> -> memref<1x1x64xf32, #tpu.memory_space<hbm>>
      %dma_start3A_255 = tpu.memref_squeeze %dma_start3A_254 : memref<1x1x64xf32, #tpu.memory_space<hbm>> -> memref<64xf32, #tpu.memory_space<hbm>>
      %dma_start3A_256 = arith.constant 0 : i32
      %dma_start3A_257 = tpu.memref_slice %arg6[%dma_start3A_248, %add3A_247, %dma_start3A_249, %dma_start3A_256] : memref<2x16x8x64xf32, #tpu.memory_space<vmem>> -> memref<1x1x1x64xf32, #tpu.memory_space<vmem>>
      %dma_start3A_258 = tpu.memref_squeeze %dma_start3A_257 : memref<1x1x1x64xf32, #tpu.memory_space<vmem>> -> memref<64xf32, #tpu.memory_space<vmem>>
      %dma_start3A_259 = arith.constant 0 : i32
      %dma_start3A_260 = tpu.memref_slice %arg3[%squeeze3A_241, %squeeze3A_243, %dma_start3A_259] : memref<125000x8x64xf32, #tpu.memory_space<hbm>> -> memref<1x1x64xf32, #tpu.memory_space<hbm>>
      %dma_start3A_261 = tpu.memref_squeeze %dma_start3A_260 : memref<1x1x64xf32, #tpu.memory_space<hbm>> -> memref<64xf32, #tpu.memory_space<hbm>>
      tpu.enqueue_dma source(%dma_start3A_261 : memref<64xf32, #tpu.memory_space<hbm>>) target(%dma_start3A_258 : memref<64xf32, #tpu.memory_space<vmem>>) target_semaphore(%arg7 : memref<!tpu.dma_semaphore, #tpu.memory_space<semaphore_mem>>)
      %slice3A_262 = vector.extract_strided_slice %shift_right_logical3A_64 {offsets = [9], sizes = [1], strides = [1]} : vector<16xi32> to vector<1xi32>
      %squeeze3A_263 = vector.extract %slice3A_262[0] : i32 from vector<1xi32>
      %slice3A_264 = vector.extract_strided_slice %and3A_66 {offsets = [9], sizes = [1], strides = [1]} : vector<16xi32> to vector<1xi32>
      %squeeze3A_265 = vector.extract %slice3A_264[0] : i32 from vector<1xi32>
      %mul3A_266 = arith.constant 2 : i32
      %mul3A_267 = arith.muli %mul3A_266, %scan3A_57 : i32
      %add3A_268 = arith.constant 1 : i32
      %add3A_269 = arith.addi %mul3A_267, %add3A_268 : i32
      %dma_start3A_270 = arith.constant 0 : i32
      %dma_start3A_271 = arith.constant 1 : i32
      %dma_start3A_272 = arith.constant 0 : i32
      %dma_start3A_273 = tpu.memref_slice %arg6[%dma_start3A_270, %add3A_269, %dma_start3A_271, %dma_start3A_272] : memref<2x16x8x64xf32, #tpu.memory_space<vmem>> -> memref<1x1x1x64xf32, #tpu.memory_space<vmem>>
      %dma_start3A_274 = tpu.memref_squeeze %dma_start3A_273 : memref<1x1x1x64xf32, #tpu.memory_space<vmem>> -> memref<64xf32, #tpu.memory_space<vmem>>
      %dma_start3A_275 = arith.constant 0 : i32
      %dma_start3A_276 = tpu.memref_slice %arg3[%squeeze3A_263, %squeeze3A_265, %dma_start3A_275] : memref<125000x8x64xf32, #tpu.memory_space<hbm>> -> memref<1x1x64xf32, #tpu.memory_space<hbm>>
      %dma_start3A_277 = tpu.memref_squeeze %dma_start3A_276 : memref<1x1x64xf32, #tpu.memory_space<hbm>> -> memref<64xf32, #tpu.memory_space<hbm>>
      %dma_start3A_278 = arith.constant 0 : i32
      %dma_start3A_279 = tpu.memref_slice %arg6[%dma_start3A_270, %add3A_269, %dma_start3A_271, %dma_start3A_278] : memref<2x16x8x64xf32, #tpu.memory_space<vmem>> -> memref<1x1x1x64xf32, #tpu.memory_space<vmem>>
      %dma_start3A_280 = tpu.memref_squeeze %dma_start3A_279 : memref<1x1x1x64xf32, #tpu.memory_space<vmem>> -> memref<64xf32, #tpu.memory_space<vmem>>
      %dma_start3A_281 = arith.constant 0 : i32
      %dma_start3A_282 = tpu.memref_slice %arg3[%squeeze3A_263, %squeeze3A_265, %dma_start3A_281] : memref<125000x8x64xf32, #tpu.memory_space<hbm>> -> memref<1x1x64xf32, #tpu.memory_space<hbm>>
      %dma_start3A_283 = tpu.memref_squeeze %dma_start3A_282 : memref<1x1x64xf32, #tpu.memory_space<hbm>> -> memref<64xf32, #tpu.memory_space<hbm>>
      tpu.enqueue_dma source(%dma_start3A_283 : memref<64xf32, #tpu.memory_space<hbm>>) target(%dma_start3A_280 : memref<64xf32, #tpu.memory_space<vmem>>) target_semaphore(%arg7 : memref<!tpu.dma_semaphore, #tpu.memory_space<semaphore_mem>>)
      %slice3A_284 = vector.extract_strided_slice %shift_right_logical3A_64 {offsets = [10], sizes = [1], strides = [1]} : vector<16xi32> to vector<1xi32>
      %squeeze3A_285 = vector.extract %slice3A_284[0] : i32 from vector<1xi32>
      %slice3A_286 = vector.extract_strided_slice %and3A_66 {offsets = [10], sizes = [1], strides = [1]} : vector<16xi32> to vector<1xi32>
      %squeeze3A_287 = vector.extract %slice3A_286[0] : i32 from vector<1xi32>
      %mul3A_288 = arith.constant 2 : i32
      %mul3A_289 = arith.muli %mul3A_288, %scan3A_57 : i32
      %add3A_290 = arith.constant 1 : i32
      %add3A_291 = arith.addi %mul3A_289, %add3A_290 : i32
      %dma_start3A_292 = arith.constant 0 : i32
      %dma_start3A_293 = arith.constant 2 : i32
      %dma_start3A_294 = arith.constant 0 : i32
      %dma_start3A_295 = tpu.memref_slice %arg6[%dma_start3A_292, %add3A_291, %dma_start3A_293, %dma_start3A_294] : memref<2x16x8x64xf32, #tpu.memory_space<vmem>> -> memref<1x1x1x64xf32, #tpu.memory_space<vmem>>
      %dma_start3A_296 = tpu.memref_squeeze %dma_start3A_295 : memref<1x1x1x64xf32, #tpu.memory_space<vmem>> -> memref<64xf32, #tpu.memory_space<vmem>>
      %dma_start3A_297 = arith.constant 0 : i32
      %dma_start3A_298 = tpu.memref_slice %arg3[%squeeze3A_285, %squeeze3A_287, %dma_start3A_297] : memref<125000x8x64xf32, #tpu.memory_space<hbm>> -> memref<1x1x64xf32, #tpu.memory_space<hbm>>
      %dma_start3A_299 = tpu.memref_squeeze %dma_start3A_298 : memref<1x1x64xf32, #tpu.memory_space<hbm>> -> memref<64xf32, #tpu.memory_space<hbm>>
      %dma_start3A_300 = arith.constant 0 : i32
      %dma_start3A_301 = tpu.memref_slice %arg6[%dma_start3A_292, %add3A_291, %dma_start3A_293, %dma_start3A_300] : memref<2x16x8x64xf32, #tpu.memory_space<vmem>> -> memref<1x1x1x64xf32, #tpu.memory_space<vmem>>
      %dma_start3A_302 = tpu.memref_squeeze %dma_start3A_301 : memref<1x1x1x64xf32, #tpu.memory_space<vmem>> -> memref<64xf32, #tpu.memory_space<vmem>>
      %dma_start3A_303 = arith.constant 0 : i32
      %dma_start3A_304 = tpu.memref_slice %arg3[%squeeze3A_285, %squeeze3A_287, %dma_start3A_303] : memref<125000x8x64xf32, #tpu.memory_space<hbm>> -> memref<1x1x64xf32, #tpu.memory_space<hbm>>
      %dma_start3A_305 = tpu.memref_squeeze %dma_start3A_304 : memref<1x1x64xf32, #tpu.memory_space<hbm>> -> memref<64xf32, #tpu.memory_space<hbm>>
      tpu.enqueue_dma source(%dma_start3A_305 : memref<64xf32, #tpu.memory_space<hbm>>) target(%dma_start3A_302 : memref<64xf32, #tpu.memory_space<vmem>>) target_semaphore(%arg7 : memref<!tpu.dma_semaphore, #tpu.memory_space<semaphore_mem>>)
      %slice3A_306 = vector.extract_strided_slice %shift_right_logical3A_64 {offsets = [11], sizes = [1], strides = [1]} : vector<16xi32> to vector<1xi32>
      %squeeze3A_307 = vector.extract %slice3A_306[0] : i32 from vector<1xi32>
      %slice3A_308 = vector.extract_strided_slice %and3A_66 {offsets = [11], sizes = [1], strides = [1]} : vector<16xi32> to vector<1xi32>
      %squeeze3A_309 = vector.extract %slice3A_308[0] : i32 from vector<1xi32>
      %mul3A_310 = arith.constant 2 : i32
      %mul3A_311 = arith.muli %mul3A_310, %scan3A_57 : i32
      %add3A_312 = arith.constant 1 : i32
      %add3A_313 = arith.addi %mul3A_311, %add3A_312 : i32
      %dma_start3A_314 = arith.constant 0 : i32
      %dma_start3A_315 = arith.constant 3 : i32
      %dma_start3A_316 = arith.constant 0 : i32
      %dma_start3A_317 = tpu.memref_slice %arg6[%dma_start3A_314, %add3A_313, %dma_start3A_315, %dma_start3A_316] : memref<2x16x8x64xf32, #tpu.memory_space<vmem>> -> memref<1x1x1x64xf32, #tpu.memory_space<vmem>>
      %dma_start3A_318 = tpu.memref_squeeze %dma_start3A_317 : memref<1x1x1x64xf32, #tpu.memory_space<vmem>> -> memref<64xf32, #tpu.memory_space<vmem>>
      %dma_start3A_319 = arith.constant 0 : i32
      %dma_start3A_320 = tpu.memref_slice %arg3[%squeeze3A_307, %squeeze3A_309, %dma_start3A_319] : memref<125000x8x64xf32, #tpu.memory_space<hbm>> -> memref<1x1x64xf32, #tpu.memory_space<hbm>>
      %dma_start3A_321 = tpu.memref_squeeze %dma_start3A_320 : memref<1x1x64xf32, #tpu.memory_space<hbm>> -> memref<64xf32, #tpu.memory_space<hbm>>
      %dma_start3A_322 = arith.constant 0 : i32
      %dma_start3A_323 = tpu.memref_slice %arg6[%dma_start3A_314, %add3A_313, %dma_start3A_315, %dma_start3A_322] : memref<2x16x8x64xf32, #tpu.memory_space<vmem>> -> memref<1x1x1x64xf32, #tpu.memory_space<vmem>>
      %dma_start3A_324 = tpu.memref_squeeze %dma_start3A_323 : memref<1x1x1x64xf32, #tpu.memory_space<vmem>> -> memref<64xf32, #tpu.memory_space<vmem>>
      %dma_start3A_325 = arith.constant 0 : i32
      %dma_start3A_326 = tpu.memref_slice %arg3[%squeeze3A_307, %squeeze3A_309, %dma_start3A_325] : memref<125000x8x64xf32, #tpu.memory_space<hbm>> -> memref<1x1x64xf32, #tpu.memory_space<hbm>>
      %dma_start3A_327 = tpu.memref_squeeze %dma_start3A_326 : memref<1x1x64xf32, #tpu.memory_space<hbm>> -> memref<64xf32, #tpu.memory_space<hbm>>
      tpu.enqueue_dma source(%dma_start3A_327 : memref<64xf32, #tpu.memory_space<hbm>>) target(%dma_start3A_324 : memref<64xf32, #tpu.memory_space<vmem>>) target_semaphore(%arg7 : memref<!tpu.dma_semaphore, #tpu.memory_space<semaphore_mem>>)
      %slice3A_328 = vector.extract_strided_slice %shift_right_logical3A_64 {offsets = [12], sizes = [1], strides = [1]} : vector<16xi32> to vector<1xi32>
      %squeeze3A_329 = vector.extract %slice3A_328[0] : i32 from vector<1xi32>
      %slice3A_330 = vector.extract_strided_slice %and3A_66 {offsets = [12], sizes = [1], strides = [1]} : vector<16xi32> to vector<1xi32>
      %squeeze3A_331 = vector.extract %slice3A_330[0] : i32 from vector<1xi32>
      %mul3A_332 = arith.constant 2 : i32
      %mul3A_333 = arith.muli %mul3A_332, %scan3A_57 : i32
      %add3A_334 = arith.constant 1 : i32
      %add3A_335 = arith.addi %mul3A_333, %add3A_334 : i32
      %dma_start3A_336 = arith.constant 0 : i32
      %dma_start3A_337 = arith.constant 4 : i32
      %dma_start3A_338 = arith.constant 0 : i32
      %dma_start3A_339 = tpu.memref_slice %arg6[%dma_start3A_336, %add3A_335, %dma_start3A_337, %dma_start3A_338] : memref<2x16x8x64xf32, #tpu.memory_space<vmem>> -> memref<1x1x1x64xf32, #tpu.memory_space<vmem>>
      %dma_start3A_340 = tpu.memref_squeeze %dma_start3A_339 : memref<1x1x1x64xf32, #tpu.memory_space<vmem>> -> memref<64xf32, #tpu.memory_space<vmem>>
      %dma_start3A_341 = arith.constant 0 : i32
      %dma_start3A_342 = tpu.memref_slice %arg3[%squeeze3A_329, %squeeze3A_331, %dma_start3A_341] : memref<125000x8x64xf32, #tpu.memory_space<hbm>> -> memref<1x1x64xf32, #tpu.memory_space<hbm>>
      %dma_start3A_343 = tpu.memref_squeeze %dma_start3A_342 : memref<1x1x64xf32, #tpu.memory_space<hbm>> -> memref<64xf32, #tpu.memory_space<hbm>>
      %dma_start3A_344 = arith.constant 0 : i32
      %dma_start3A_345 = tpu.memref_slice %arg6[%dma_start3A_336, %add3A_335, %dma_start3A_337, %dma_start3A_344] : memref<2x16x8x64xf32, #tpu.memory_space<vmem>> -> memref<1x1x1x64xf32, #tpu.memory_space<vmem>>
      %dma_start3A_346 = tpu.memref_squeeze %dma_start3A_345 : memref<1x1x1x64xf32, #tpu.memory_space<vmem>> -> memref<64xf32, #tpu.memory_space<vmem>>
      %dma_start3A_347 = arith.constant 0 : i32
      %dma_start3A_348 = tpu.memref_slice %arg3[%squeeze3A_329, %squeeze3A_331, %dma_start3A_347] : memref<125000x8x64xf32, #tpu.memory_space<hbm>> -> memref<1x1x64xf32, #tpu.memory_space<hbm>>
      %dma_start3A_349 = tpu.memref_squeeze %dma_start3A_348 : memref<1x1x64xf32, #tpu.memory_space<hbm>> -> memref<64xf32, #tpu.memory_space<hbm>>
      tpu.enqueue_dma source(%dma_start3A_349 : memref<64xf32, #tpu.memory_space<hbm>>) target(%dma_start3A_346 : memref<64xf32, #tpu.memory_space<vmem>>) target_semaphore(%arg7 : memref<!tpu.dma_semaphore, #tpu.memory_space<semaphore_mem>>)
      %slice3A_350 = vector.extract_strided_slice %shift_right_logical3A_64 {offsets = [13], sizes = [1], strides = [1]} : vector<16xi32> to vector<1xi32>
      %squeeze3A_351 = vector.extract %slice3A_350[0] : i32 from vector<1xi32>
      %slice3A_352 = vector.extract_strided_slice %and3A_66 {offsets = [13], sizes = [1], strides = [1]} : vector<16xi32> to vector<1xi32>
      %squeeze3A_353 = vector.extract %slice3A_352[0] : i32 from vector<1xi32>
      %mul3A_354 = arith.constant 2 : i32
      %mul3A_355 = arith.muli %mul3A_354, %scan3A_57 : i32
      %add3A_356 = arith.constant 1 : i32
      %add3A_357 = arith.addi %mul3A_355, %add3A_356 : i32
      %dma_start3A_358 = arith.constant 0 : i32
      %dma_start3A_359 = arith.constant 5 : i32
      %dma_start3A_360 = arith.constant 0 : i32
      %dma_start3A_361 = tpu.memref_slice %arg6[%dma_start3A_358, %add3A_357, %dma_start3A_359, %dma_start3A_360] : memref<2x16x8x64xf32, #tpu.memory_space<vmem>> -> memref<1x1x1x64xf32, #tpu.memory_space<vmem>>
      %dma_start3A_362 = tpu.memref_squeeze %dma_start3A_361 : memref<1x1x1x64xf32, #tpu.memory_space<vmem>> -> memref<64xf32, #tpu.memory_space<vmem>>
      %dma_start3A_363 = arith.constant 0 : i32
      %dma_start3A_364 = tpu.memref_slice %arg3[%squeeze3A_351, %squeeze3A_353, %dma_start3A_363] : memref<125000x8x64xf32, #tpu.memory_space<hbm>> -> memref<1x1x64xf32, #tpu.memory_space<hbm>>
      %dma_start3A_365 = tpu.memref_squeeze %dma_start3A_364 : memref<1x1x64xf32, #tpu.memory_space<hbm>> -> memref<64xf32, #tpu.memory_space<hbm>>
      %dma_start3A_366 = arith.constant 0 : i32
      %dma_start3A_367 = tpu.memref_slice %arg6[%dma_start3A_358, %add3A_357, %dma_start3A_359, %dma_start3A_366] : memref<2x16x8x64xf32, #tpu.memory_space<vmem>> -> memref<1x1x1x64xf32, #tpu.memory_space<vmem>>
      %dma_start3A_368 = tpu.memref_squeeze %dma_start3A_367 : memref<1x1x1x64xf32, #tpu.memory_space<vmem>> -> memref<64xf32, #tpu.memory_space<vmem>>
      %dma_start3A_369 = arith.constant 0 : i32
      %dma_start3A_370 = tpu.memref_slice %arg3[%squeeze3A_351, %squeeze3A_353, %dma_start3A_369] : memref<125000x8x64xf32, #tpu.memory_space<hbm>> -> memref<1x1x64xf32, #tpu.memory_space<hbm>>
      %dma_start3A_371 = tpu.memref_squeeze %dma_start3A_370 : memref<1x1x64xf32, #tpu.memory_space<hbm>> -> memref<64xf32, #tpu.memory_space<hbm>>
      tpu.enqueue_dma source(%dma_start3A_371 : memref<64xf32, #tpu.memory_space<hbm>>) target(%dma_start3A_368 : memref<64xf32, #tpu.memory_space<vmem>>) target_semaphore(%arg7 : memref<!tpu.dma_semaphore, #tpu.memory_space<semaphore_mem>>)
      %slice3A_372 = vector.extract_strided_slice %shift_right_logical3A_64 {offsets = [14], sizes = [1], strides = [1]} : vector<16xi32> to vector<1xi32>
      %squeeze3A_373 = vector.extract %slice3A_372[0] : i32 from vector<1xi32>
      %slice3A_374 = vector.extract_strided_slice %and3A_66 {offsets = [14], sizes = [1], strides = [1]} : vector<16xi32> to vector<1xi32>
      %squeeze3A_375 = vector.extract %slice3A_374[0] : i32 from vector<1xi32>
      %mul3A_376 = arith.constant 2 : i32
      %mul3A_377 = arith.muli %mul3A_376, %scan3A_57 : i32
      %add3A_378 = arith.constant 1 : i32
      %add3A_379 = arith.addi %mul3A_377, %add3A_378 : i32
      %dma_start3A_380 = arith.constant 0 : i32
      %dma_start3A_381 = arith.constant 6 : i32
      %dma_start3A_382 = arith.constant 0 : i32
      %dma_start3A_383 = tpu.memref_slice %arg6[%dma_start3A_380, %add3A_379, %dma_start3A_381, %dma_start3A_382] : memref<2x16x8x64xf32, #tpu.memory_space<vmem>> -> memref<1x1x1x64xf32, #tpu.memory_space<vmem>>
      %dma_start3A_384 = tpu.memref_squeeze %dma_start3A_383 : memref<1x1x1x64xf32, #tpu.memory_space<vmem>> -> memref<64xf32, #tpu.memory_space<vmem>>
      %dma_start3A_385 = arith.constant 0 : i32
      %dma_start3A_386 = tpu.memref_slice %arg3[%squeeze3A_373, %squeeze3A_375, %dma_start3A_385] : memref<125000x8x64xf32, #tpu.memory_space<hbm>> -> memref<1x1x64xf32, #tpu.memory_space<hbm>>
      %dma_start3A_387 = tpu.memref_squeeze %dma_start3A_386 : memref<1x1x64xf32, #tpu.memory_space<hbm>> -> memref<64xf32, #tpu.memory_space<hbm>>
      %dma_start3A_388 = arith.constant 0 : i32
      %dma_start3A_389 = tpu.memref_slice %arg6[%dma_start3A_380, %add3A_379, %dma_start3A_381, %dma_start3A_388] : memref<2x16x8x64xf32, #tpu.memory_space<vmem>> -> memref<1x1x1x64xf32, #tpu.memory_space<vmem>>
      %dma_start3A_390 = tpu.memref_squeeze %dma_start3A_389 : memref<1x1x1x64xf32, #tpu.memory_space<vmem>> -> memref<64xf32, #tpu.memory_space<vmem>>
      %dma_start3A_391 = arith.constant 0 : i32
      %dma_start3A_392 = tpu.memref_slice %arg3[%squeeze3A_373, %squeeze3A_375, %dma_start3A_391] : memref<125000x8x64xf32, #tpu.memory_space<hbm>> -> memref<1x1x64xf32, #tpu.memory_space<hbm>>
      %dma_start3A_393 = tpu.memref_squeeze %dma_start3A_392 : memref<1x1x64xf32, #tpu.memory_space<hbm>> -> memref<64xf32, #tpu.memory_space<hbm>>
      tpu.enqueue_dma source(%dma_start3A_393 : memref<64xf32, #tpu.memory_space<hbm>>) target(%dma_start3A_390 : memref<64xf32, #tpu.memory_space<vmem>>) target_semaphore(%arg7 : memref<!tpu.dma_semaphore, #tpu.memory_space<semaphore_mem>>)
      %slice3A_394 = vector.extract_strided_slice %shift_right_logical3A_64 {offsets = [15], sizes = [1], strides = [1]} : vector<16xi32> to vector<1xi32>
      %squeeze3A_395 = vector.extract %slice3A_394[0] : i32 from vector<1xi32>
      %slice3A_396 = vector.extract_strided_slice %and3A_66 {offsets = [15], sizes = [1], strides = [1]} : vector<16xi32> to vector<1xi32>
      %squeeze3A_397 = vector.extract %slice3A_396[0] : i32 from vector<1xi32>
      %mul3A_398 = arith.constant 2 : i32
      %mul3A_399 = arith.muli %mul3A_398, %scan3A_57 : i32
      %add3A_400 = arith.constant 1 : i32
      %add3A_401 = arith.addi %mul3A_399, %add3A_400 : i32
      %dma_start3A_402 = arith.constant 0 : i32
      %dma_start3A_403 = arith.constant 7 : i32
      %dma_start3A_404 = arith.constant 0 : i32
      %dma_start3A_405 = tpu.memref_slice %arg6[%dma_start3A_402, %add3A_401, %dma_start3A_403, %dma_start3A_404] : memref<2x16x8x64xf32, #tpu.memory_space<vmem>> -> memref<1x1x1x64xf32, #tpu.memory_space<vmem>>
      %dma_start3A_406 = tpu.memref_squeeze %dma_start3A_405 : memref<1x1x1x64xf32, #tpu.memory_space<vmem>> -> memref<64xf32, #tpu.memory_space<vmem>>
      %dma_start3A_407 = arith.constant 0 : i32
      %dma_start3A_408 = tpu.memref_slice %arg3[%squeeze3A_395, %squeeze3A_397, %dma_start3A_407] : memref<125000x8x64xf32, #tpu.memory_space<hbm>> -> memref<1x1x64xf32, #tpu.memory_space<hbm>>
      %dma_start3A_409 = tpu.memref_squeeze %dma_start3A_408 : memref<1x1x64xf32, #tpu.memory_space<hbm>> -> memref<64xf32, #tpu.memory_space<hbm>>
      %dma_start3A_410 = arith.constant 0 : i32
      %dma_start3A_411 = tpu.memref_slice %arg6[%dma_start3A_402, %add3A_401, %dma_start3A_403, %dma_start3A_410] : memref<2x16x8x64xf32, #tpu.memory_space<vmem>> -> memref<1x1x1x64xf32, #tpu.memory_space<vmem>>
      %dma_start3A_412 = tpu.memref_squeeze %dma_start3A_411 : memref<1x1x1x64xf32, #tpu.memory_space<vmem>> -> memref<64xf32, #tpu.memory_space<vmem>>
      %dma_start3A_413 = arith.constant 0 : i32
      %dma_start3A_414 = tpu.memref_slice %arg3[%squeeze3A_395, %squeeze3A_397, %dma_start3A_413] : memref<125000x8x64xf32, #tpu.memory_space<hbm>> -> memref<1x1x64xf32, #tpu.memory_space<hbm>>
      %dma_start3A_415 = tpu.memref_squeeze %dma_start3A_414 : memref<1x1x64xf32, #tpu.memory_space<hbm>> -> memref<64xf32, #tpu.memory_space<hbm>>
      tpu.enqueue_dma source(%dma_start3A_415 : memref<64xf32, #tpu.memory_space<hbm>>) target(%dma_start3A_412 : memref<64xf32, #tpu.memory_space<vmem>>) target_semaphore(%arg7 : memref<!tpu.dma_semaphore, #tpu.memory_space<semaphore_mem>>)
    }
    %scan3A_7 = arith.constant 8 : i32
    %scan3A_8 = arith.constant 0 : i32
    %scan3A_9 = arith.constant 0 : i32
    %scan3A_10 = arith.constant 25 : i32
    %scan3A_11 = arith.addi %scan3A_9, %scan3A_10 : i32
    %scan3A_12 = arith.constant 1 : i32
    scf.for %scan3A_57 = %scan3A_9 to %scan3A_11 step %scan3A_12  : i32 {
      %mul3A_58 = arith.constant 2 : i32
      %mul3A_59 = arith.muli %mul3A_58, %scan3A_57 : i32
      %add3A_60 = arith.constant 0 : i32
      %add3A_61 = arith.addi %mul3A_59, %add3A_60 : i32
      %add3A_62 = arith.constant 1 : i32
      %add3A_63 = arith.addi %add3A_61, %add3A_62 : i32
      %lt3A = arith.constant 50 : i32
      %lt3A_64 = arith.cmpi slt, %add3A_63, %lt3A : i32
      %convert_element_type3A = arith.extui %lt3A_64 : i1 to i32
      %cond3A = arith.constant 0 : i32
      %cond3A_65 = arith.cmpi ne, %convert_element_type3A, %cond3A : i32
      scf.if %cond3A_65 {
        %sub3A = arith.constant 1 : i32
        %sub3A_168 = arith.subi %add3A_61, %sub3A : i32
        %ge3A = arith.constant 0 : i32
        %ge3A_169 = arith.cmpi sge, %sub3A_168, %ge3A : i32
        %convert_element_type3A_170 = arith.extui %ge3A_169 : i1 to i32
        %cond3A_171 = arith.constant 0 : i32
        %cond3A_172 = arith.cmpi ne, %convert_element_type3A_170, %cond3A_171 : i32
        scf.if %cond3A_172 {
          %sub3A_181 = arith.constant 1 : i32
          %sub3A_182 = arith.subi %add3A_61, %sub3A_181 : i32
          %dma_wait3A_183 = arith.constant 1 : i32
          %dma_wait3A_184 = arith.constant 0 : i32
          %dma_wait3A_185 = arith.constant 0 : i32
          %dma_wait3A_186 = arith.constant 0 : i32
          %dma_wait3A_187 = tpu.memref_slice %arg6[%dma_wait3A_183, %dma_wait3A_184, %dma_wait3A_185, %dma_wait3A_186] : memref<2x16x8x64xf32, #tpu.memory_space<vmem>> -> memref<1x16x8x64xf32, #tpu.memory_space<vmem>>
          %dma_wait3A_188 = tpu.memref_squeeze %dma_wait3A_187 : memref<1x16x8x64xf32, #tpu.memory_space<vmem>> -> memref<16x8x64xf32, #tpu.memory_space<vmem>>
          %dma_wait3A_189 = arith.constant 0 : i32
          %dma_wait3A_190 = arith.constant 0 : i32
          %dma_wait3A_191 = arith.constant 0 : i32
          %dma_wait3A_192 = tpu.memref_slice %arg4[%sub3A_182, %add3A, %dma_wait3A_189, %dma_wait3A_190, %dma_wait3A_191] : memref<50x32x16x8x64xf32, #tpu.memory_space<hbm>> -> memref<1x1x16x8x64xf32, #tpu.memory_space<hbm>>
          %dma_wait3A_193 = tpu.memref_squeeze %dma_wait3A_192 : memref<1x1x16x8x64xf32, #tpu.memory_space<hbm>> -> memref<16x8x64xf32, #tpu.memory_space<hbm>>
          %dma_wait3A_194 = arith.constant 0 : i32
          %dma_wait3A_195 = arith.constant 0 : i32
          %dma_wait3A_196 = arith.constant 0 : i32
          %dma_wait3A_197 = tpu.memref_slice %arg4[%sub3A_182, %add3A, %dma_wait3A_194, %dma_wait3A_195, %dma_wait3A_196] : memref<50x32x16x8x64xf32, #tpu.memory_space<hbm>> -> memref<1x1x16x8x64xf32, #tpu.memory_space<hbm>>
          %dma_wait3A_198 = tpu.memref_squeeze %dma_wait3A_197 : memref<1x1x16x8x64xf32, #tpu.memory_space<hbm>> -> memref<16x8x64xf32, #tpu.memory_space<hbm>>
          %dma_wait3A_199 = arith.constant 0 : i32
          %dma_wait3A_200 = arith.constant 0 : i32
          %dma_wait3A_201 = arith.constant 0 : i32
          %dma_wait3A_202 = tpu.memref_slice %arg6[%dma_wait3A_183, %dma_wait3A_199, %dma_wait3A_200, %dma_wait3A_201] : memref<2x16x8x64xf32, #tpu.memory_space<vmem>> -> memref<1x16x8x64xf32, #tpu.memory_space<vmem>>
          %dma_wait3A_203 = tpu.memref_squeeze %dma_wait3A_202 : memref<1x16x8x64xf32, #tpu.memory_space<vmem>> -> memref<16x8x64xf32, #tpu.memory_space<vmem>>
          tpu.wait_dma2 semaphore(%arg10 : memref<!tpu.dma_semaphore, #tpu.memory_space<semaphore_mem>>) src(%dma_wait3A_203 : memref<16x8x64xf32, #tpu.memory_space<vmem>>) dst(%dma_wait3A_198 : memref<16x8x64xf32, #tpu.memory_space<hbm>>)
        } else {
        }
        %add3A_173 = arith.constant 1 : i32
        %add3A_174 = arith.addi %add3A_61, %add3A_173 : i32
        %scan3A_175 = arith.constant 0 : i32
        %scan3A_176 = arith.constant 0 : i32
        %scan3A_177 = arith.constant 8 : i32
        %scan3A_178 = arith.addi %scan3A_176, %scan3A_177 : i32
        %scan3A_179 = arith.constant 1 : i32
        scf.for %scan3A_181 = %scan3A_176 to %scan3A_178 step %scan3A_179  : i32 {
          %mul3A_182 = arith.constant 16 : i32
          %mul3A_183 = arith.muli %scan3A_181, %mul3A_182 : i32
          %get3A = arith.index_cast %add3A_174 : i32 to index
          %get3A_184 = arith.index_cast %mul3A_183 : i32 to index
          %get3A_185 = tpu.vector_load %arg5[%get3A, %get3A_184] {strides = array<i32>} : memref<50x128xi32, #tpu.memory_space<vmem>>, vector<16xi32>,
          %shift_right_logical3A = arith.constant 3 : i32
          %shift_right_logical3A_186 = vector.broadcast %shift_right_logical3A : i32 to vector<16xi32>
          %shift_right_logical3A_187 = arith.shrui %get3A_185, %shift_right_logical3A_186 : vector<16xi32>
          %and3A = arith.constant 7 : i32
          %and3A_188 = vector.broadcast %and3A : i32 to vector<16xi32>
          %and3A_189 = arith.andi %get3A_185, %and3A_188 : vector<16xi32>
          %slice3A = vector.extract_strided_slice %shift_right_logical3A_187 {offsets = [0], sizes = [1], strides = [1]} : vector<16xi32> to vector<1xi32>
          %squeeze3A = vector.extract %slice3A[0] : i32 from vector<1xi32>
          %slice3A_190 = vector.extract_strided_slice %and3A_189 {offsets = [0], sizes = [1], strides = [1]} : vector<16xi32> to vector<1xi32>
          %squeeze3A_191 = vector.extract %slice3A_190[0] : i32 from vector<1xi32>
          %mul3A_192 = arith.constant 2 : i32
          %mul3A_193 = arith.muli %mul3A_192, %scan3A_181 : i32
          %add3A_194 = arith.constant 0 : i32
          %add3A_195 = arith.addi %mul3A_193, %add3A_194 : i32
          %dma_start3A_196 = arith.constant 1 : i32
          %dma_start3A_197 = arith.constant 0 : i32
          %dma_start3A_198 = arith.constant 0 : i32
          %dma_start3A_199 = tpu.memref_slice %arg6[%dma_start3A_196, %add3A_195, %dma_start3A_197, %dma_start3A_198] : memref<2x16x8x64xf32, #tpu.memory_space<vmem>> -> memref<1x1x1x64xf32, #tpu.memory_space<vmem>>
          %dma_start3A_200 = tpu.memref_squeeze %dma_start3A_199 : memref<1x1x1x64xf32, #tpu.memory_space<vmem>> -> memref<64xf32, #tpu.memory_space<vmem>>
          %dma_start3A_201 = arith.constant 0 : i32
          %dma_start3A_202 = tpu.memref_slice %arg3[%squeeze3A, %squeeze3A_191, %dma_start3A_201] : memref<125000x8x64xf32, #tpu.memory_space<hbm>> -> memref<1x1x64xf32, #tpu.memory_space<hbm>>
          %dma_start3A_203 = tpu.memref_squeeze %dma_start3A_202 : memref<1x1x64xf32, #tpu.memory_space<hbm>> -> memref<64xf32, #tpu.memory_space<hbm>>
          %dma_start3A_204 = arith.constant 0 : i32
          %dma_start3A_205 = tpu.memref_slice %arg6[%dma_start3A_196, %add3A_195, %dma_start3A_197, %dma_start3A_204] : memref<2x16x8x64xf32, #tpu.memory_space<vmem>> -> memref<1x1x1x64xf32, #tpu.memory_space<vmem>>
          %dma_start3A_206 = tpu.memref_squeeze %dma_start3A_205 : memref<1x1x1x64xf32, #tpu.memory_space<vmem>> -> memref<64xf32, #tpu.memory_space<vmem>>
          %dma_start3A_207 = arith.constant 0 : i32
          %dma_start3A_208 = tpu.memref_slice %arg3[%squeeze3A, %squeeze3A_191, %dma_start3A_207] : memref<125000x8x64xf32, #tpu.memory_space<hbm>> -> memref<1x1x64xf32, #tpu.memory_space<hbm>>
          %dma_start3A_209 = tpu.memref_squeeze %dma_start3A_208 : memref<1x1x64xf32, #tpu.memory_space<hbm>> -> memref<64xf32, #tpu.memory_space<hbm>>
          tpu.enqueue_dma source(%dma_start3A_209 : memref<64xf32, #tpu.memory_space<hbm>>) target(%dma_start3A_206 : memref<64xf32, #tpu.memory_space<vmem>>) target_semaphore(%arg8 : memref<!tpu.dma_semaphore, #tpu.memory_space<semaphore_mem>>)
          %slice3A_210 = vector.extract_strided_slice %shift_right_logical3A_187 {offsets = [1], sizes = [1], strides = [1]} : vector<16xi32> to vector<1xi32>
          %squeeze3A_211 = vector.extract %slice3A_210[0] : i32 from vector<1xi32>
          %slice3A_212 = vector.extract_strided_slice %and3A_189 {offsets = [1], sizes = [1], strides = [1]} : vector<16xi32> to vector<1xi32>
          %squeeze3A_213 = vector.extract %slice3A_212[0] : i32 from vector<1xi32>
          %mul3A_214 = arith.constant 2 : i32
          %mul3A_215 = arith.muli %mul3A_214, %scan3A_181 : i32
          %add3A_216 = arith.constant 0 : i32
          %add3A_217 = arith.addi %mul3A_215, %add3A_216 : i32
          %dma_start3A_218 = arith.constant 1 : i32
          %dma_start3A_219 = arith.constant 1 : i32
          %dma_start3A_220 = arith.constant 0 : i32
          %dma_start3A_221 = tpu.memref_slice %arg6[%dma_start3A_218, %add3A_217, %dma_start3A_219, %dma_start3A_220] : memref<2x16x8x64xf32, #tpu.memory_space<vmem>> -> memref<1x1x1x64xf32, #tpu.memory_space<vmem>>
          %dma_start3A_222 = tpu.memref_squeeze %dma_start3A_221 : memref<1x1x1x64xf32, #tpu.memory_space<vmem>> -> memref<64xf32, #tpu.memory_space<vmem>>
          %dma_start3A_223 = arith.constant 0 : i32
          %dma_start3A_224 = tpu.memref_slice %arg3[%squeeze3A_211, %squeeze3A_213, %dma_start3A_223] : memref<125000x8x64xf32, #tpu.memory_space<hbm>> -> memref<1x1x64xf32, #tpu.memory_space<hbm>>
          %dma_start3A_225 = tpu.memref_squeeze %dma_start3A_224 : memref<1x1x64xf32, #tpu.memory_space<hbm>> -> memref<64xf32, #tpu.memory_space<hbm>>
          %dma_start3A_226 = arith.constant 0 : i32
          %dma_start3A_227 = tpu.memref_slice %arg6[%dma_start3A_218, %add3A_217, %dma_start3A_219, %dma_start3A_226] : memref<2x16x8x64xf32, #tpu.memory_space<vmem>> -> memref<1x1x1x64xf32, #tpu.memory_space<vmem>>
          %dma_start3A_228 = tpu.memref_squeeze %dma_start3A_227 : memref<1x1x1x64xf32, #tpu.memory_space<vmem>> -> memref<64xf32, #tpu.memory_space<vmem>>
          %dma_start3A_229 = arith.constant 0 : i32
          %dma_start3A_230 = tpu.memref_slice %arg3[%squeeze3A_211, %squeeze3A_213, %dma_start3A_229] : memref<125000x8x64xf32, #tpu.memory_space<hbm>> -> memref<1x1x64xf32, #tpu.memory_space<hbm>>
          %dma_start3A_231 = tpu.memref_squeeze %dma_start3A_230 : memref<1x1x64xf32, #tpu.memory_space<hbm>> -> memref<64xf32, #tpu.memory_space<hbm>>
          tpu.enqueue_dma source(%dma_start3A_231 : memref<64xf32, #tpu.memory_space<hbm>>) target(%dma_start3A_228 : memref<64xf32, #tpu.memory_space<vmem>>) target_semaphore(%arg8 : memref<!tpu.dma_semaphore, #tpu.memory_space<semaphore_mem>>)
          %slice3A_232 = vector.extract_strided_slice %shift_right_logical3A_187 {offsets = [2], sizes = [1], strides = [1]} : vector<16xi32> to vector<1xi32>
          %squeeze3A_233 = vector.extract %slice3A_232[0] : i32 from vector<1xi32>
          %slice3A_234 = vector.extract_strided_slice %and3A_189 {offsets = [2], sizes = [1], strides = [1]} : vector<16xi32> to vector<1xi32>
          %squeeze3A_235 = vector.extract %slice3A_234[0] : i32 from vector<1xi32>
          %mul3A_236 = arith.constant 2 : i32
          %mul3A_237 = arith.muli %mul3A_236, %scan3A_181 : i32
          %add3A_238 = arith.constant 0 : i32
          %add3A_239 = arith.addi %mul3A_237, %add3A_238 : i32
          %dma_start3A_240 = arith.constant 1 : i32
          %dma_start3A_241 = arith.constant 2 : i32
          %dma_start3A_242 = arith.constant 0 : i32
          %dma_start3A_243 = tpu.memref_slice %arg6[%dma_start3A_240, %add3A_239, %dma_start3A_241, %dma_start3A_242] : memref<2x16x8x64xf32, #tpu.memory_space<vmem>> -> memref<1x1x1x64xf32, #tpu.memory_space<vmem>>
          %dma_start3A_244 = tpu.memref_squeeze %dma_start3A_243 : memref<1x1x1x64xf32, #tpu.memory_space<vmem>> -> memref<64xf32, #tpu.memory_space<vmem>>
          %dma_start3A_245 = arith.constant 0 : i32
          %dma_start3A_246 = tpu.memref_slice %arg3[%squeeze3A_233, %squeeze3A_235, %dma_start3A_245] : memref<125000x8x64xf32, #tpu.memory_space<hbm>> -> memref<1x1x64xf32, #tpu.memory_space<hbm>>
          %dma_start3A_247 = tpu.memref_squeeze %dma_start3A_246 : memref<1x1x64xf32, #tpu.memory_space<hbm>> -> memref<64xf32, #tpu.memory_space<hbm>>
          %dma_start3A_248 = arith.constant 0 : i32
          %dma_start3A_249 = tpu.memref_slice %arg6[%dma_start3A_240, %add3A_239, %dma_start3A_241, %dma_start3A_248] : memref<2x16x8x64xf32, #tpu.memory_space<vmem>> -> memref<1x1x1x64xf32, #tpu.memory_space<vmem>>
          %dma_start3A_250 = tpu.memref_squeeze %dma_start3A_249 : memref<1x1x1x64xf32, #tpu.memory_space<vmem>> -> memref<64xf32, #tpu.memory_space<vmem>>
          %dma_start3A_251 = arith.constant 0 : i32
          %dma_start3A_252 = tpu.memref_slice %arg3[%squeeze3A_233, %squeeze3A_235, %dma_start3A_251] : memref<125000x8x64xf32, #tpu.memory_space<hbm>> -> memref<1x1x64xf32, #tpu.memory_space<hbm>>
          %dma_start3A_253 = tpu.memref_squeeze %dma_start3A_252 : memref<1x1x64xf32, #tpu.memory_space<hbm>> -> memref<64xf32, #tpu.memory_space<hbm>>
          tpu.enqueue_dma source(%dma_start3A_253 : memref<64xf32, #tpu.memory_space<hbm>>) target(%dma_start3A_250 : memref<64xf32, #tpu.memory_space<vmem>>) target_semaphore(%arg8 : memref<!tpu.dma_semaphore, #tpu.memory_space<semaphore_mem>>)
          %slice3A_254 = vector.extract_strided_slice %shift_right_logical3A_187 {offsets = [3], sizes = [1], strides = [1]} : vector<16xi32> to vector<1xi32>
          %squeeze3A_255 = vector.extract %slice3A_254[0] : i32 from vector<1xi32>
          %slice3A_256 = vector.extract_strided_slice %and3A_189 {offsets = [3], sizes = [1], strides = [1]} : vector<16xi32> to vector<1xi32>
          %squeeze3A_257 = vector.extract %slice3A_256[0] : i32 from vector<1xi32>
          %mul3A_258 = arith.constant 2 : i32
          %mul3A_259 = arith.muli %mul3A_258, %scan3A_181 : i32
          %add3A_260 = arith.constant 0 : i32
          %add3A_261 = arith.addi %mul3A_259, %add3A_260 : i32
          %dma_start3A_262 = arith.constant 1 : i32
          %dma_start3A_263 = arith.constant 3 : i32
          %dma_start3A_264 = arith.constant 0 : i32
          %dma_start3A_265 = tpu.memref_slice %arg6[%dma_start3A_262, %add3A_261, %dma_start3A_263, %dma_start3A_264] : memref<2x16x8x64xf32, #tpu.memory_space<vmem>> -> memref<1x1x1x64xf32, #tpu.memory_space<vmem>>
          %dma_start3A_266 = tpu.memref_squeeze %dma_start3A_265 : memref<1x1x1x64xf32, #tpu.memory_space<vmem>> -> memref<64xf32, #tpu.memory_space<vmem>>
          %dma_start3A_267 = arith.constant 0 : i32
          %dma_start3A_268 = tpu.memref_slice %arg3[%squeeze3A_255, %squeeze3A_257, %dma_start3A_267] : memref<125000x8x64xf32, #tpu.memory_space<hbm>> -> memref<1x1x64xf32, #tpu.memory_space<hbm>>
          %dma_start3A_269 = tpu.memref_squeeze %dma_start3A_268 : memref<1x1x64xf32, #tpu.memory_space<hbm>> -> memref<64xf32, #tpu.memory_space<hbm>>
          %dma_start3A_270 = arith.constant 0 : i32
          %dma_start3A_271 = tpu.memref_slice %arg6[%dma_start3A_262, %add3A_261, %dma_start3A_263, %dma_start3A_270] : memref<2x16x8x64xf32, #tpu.memory_space<vmem>> -> memref<1x1x1x64xf32, #tpu.memory_space<vmem>>
          %dma_start3A_272 = tpu.memref_squeeze %dma_start3A_271 : memref<1x1x1x64xf32, #tpu.memory_space<vmem>> -> memref<64xf32, #tpu.memory_space<vmem>>
          %dma_start3A_273 = arith.constant 0 : i32
          %dma_start3A_274 = tpu.memref_slice %arg3[%squeeze3A_255, %squeeze3A_257, %dma_start3A_273] : memref<125000x8x64xf32, #tpu.memory_space<hbm>> -> memref<1x1x64xf32, #tpu.memory_space<hbm>>
          %dma_start3A_275 = tpu.memref_squeeze %dma_start3A_274 : memref<1x1x64xf32, #tpu.memory_space<hbm>> -> memref<64xf32, #tpu.memory_space<hbm>>
          tpu.enqueue_dma source(%dma_start3A_275 : memref<64xf32, #tpu.memory_space<hbm>>) target(%dma_start3A_272 : memref<64xf32, #tpu.memory_space<vmem>>) target_semaphore(%arg8 : memref<!tpu.dma_semaphore, #tpu.memory_space<semaphore_mem>>)
          %slice3A_276 = vector.extract_strided_slice %shift_right_logical3A_187 {offsets = [4], sizes = [1], strides = [1]} : vector<16xi32> to vector<1xi32>
          %squeeze3A_277 = vector.extract %slice3A_276[0] : i32 from vector<1xi32>
          %slice3A_278 = vector.extract_strided_slice %and3A_189 {offsets = [4], sizes = [1], strides = [1]} : vector<16xi32> to vector<1xi32>
          %squeeze3A_279 = vector.extract %slice3A_278[0] : i32 from vector<1xi32>
          %mul3A_280 = arith.constant 2 : i32
          %mul3A_281 = arith.muli %mul3A_280, %scan3A_181 : i32
          %add3A_282 = arith.constant 0 : i32
          %add3A_283 = arith.addi %mul3A_281, %add3A_282 : i32
          %dma_start3A_284 = arith.constant 1 : i32
          %dma_start3A_285 = arith.constant 4 : i32
          %dma_start3A_286 = arith.constant 0 : i32
          %dma_start3A_287 = tpu.memref_slice %arg6[%dma_start3A_284, %add3A_283, %dma_start3A_285, %dma_start3A_286] : memref<2x16x8x64xf32, #tpu.memory_space<vmem>> -> memref<1x1x1x64xf32, #tpu.memory_space<vmem>>
          %dma_start3A_288 = tpu.memref_squeeze %dma_start3A_287 : memref<1x1x1x64xf32, #tpu.memory_space<vmem>> -> memref<64xf32, #tpu.memory_space<vmem>>
          %dma_start3A_289 = arith.constant 0 : i32
          %dma_start3A_290 = tpu.memref_slice %arg3[%squeeze3A_277, %squeeze3A_279, %dma_start3A_289] : memref<125000x8x64xf32, #tpu.memory_space<hbm>> -> memref<1x1x64xf32, #tpu.memory_space<hbm>>
          %dma_start3A_291 = tpu.memref_squeeze %dma_start3A_290 : memref<1x1x64xf32, #tpu.memory_space<hbm>> -> memref<64xf32, #tpu.memory_space<hbm>>
          %dma_start3A_292 = arith.constant 0 : i32
          %dma_start3A_293 = tpu.memref_slice %arg6[%dma_start3A_284, %add3A_283, %dma_start3A_285, %dma_start3A_292] : memref<2x16x8x64xf32, #tpu.memory_space<vmem>> -> memref<1x1x1x64xf32, #tpu.memory_space<vmem>>
          %dma_start3A_294 = tpu.memref_squeeze %dma_start3A_293 : memref<1x1x1x64xf32, #tpu.memory_space<vmem>> -> memref<64xf32, #tpu.memory_space<vmem>>
          %dma_start3A_295 = arith.constant 0 : i32
          %dma_start3A_296 = tpu.memref_slice %arg3[%squeeze3A_277, %squeeze3A_279, %dma_start3A_295] : memref<125000x8x64xf32, #tpu.memory_space<hbm>> -> memref<1x1x64xf32, #tpu.memory_space<hbm>>
          %dma_start3A_297 = tpu.memref_squeeze %dma_start3A_296 : memref<1x1x64xf32, #tpu.memory_space<hbm>> -> memref<64xf32, #tpu.memory_space<hbm>>
          tpu.enqueue_dma source(%dma_start3A_297 : memref<64xf32, #tpu.memory_space<hbm>>) target(%dma_start3A_294 : memref<64xf32, #tpu.memory_space<vmem>>) target_semaphore(%arg8 : memref<!tpu.dma_semaphore, #tpu.memory_space<semaphore_mem>>)
          %slice3A_298 = vector.extract_strided_slice %shift_right_logical3A_187 {offsets = [5], sizes = [1], strides = [1]} : vector<16xi32> to vector<1xi32>
          %squeeze3A_299 = vector.extract %slice3A_298[0] : i32 from vector<1xi32>
          %slice3A_300 = vector.extract_strided_slice %and3A_189 {offsets = [5], sizes = [1], strides = [1]} : vector<16xi32> to vector<1xi32>
          %squeeze3A_301 = vector.extract %slice3A_300[0] : i32 from vector<1xi32>
          %mul3A_302 = arith.constant 2 : i32
          %mul3A_303 = arith.muli %mul3A_302, %scan3A_181 : i32
          %add3A_304 = arith.constant 0 : i32
          %add3A_305 = arith.addi %mul3A_303, %add3A_304 : i32
          %dma_start3A_306 = arith.constant 1 : i32
          %dma_start3A_307 = arith.constant 5 : i32
          %dma_start3A_308 = arith.constant 0 : i32
          %dma_start3A_309 = tpu.memref_slice %arg6[%dma_start3A_306, %add3A_305, %dma_start3A_307, %dma_start3A_308] : memref<2x16x8x64xf32, #tpu.memory_space<vmem>> -> memref<1x1x1x64xf32, #tpu.memory_space<vmem>>
          %dma_start3A_310 = tpu.memref_squeeze %dma_start3A_309 : memref<1x1x1x64xf32, #tpu.memory_space<vmem>> -> memref<64xf32, #tpu.memory_space<vmem>>
          %dma_start3A_311 = arith.constant 0 : i32
          %dma_start3A_312 = tpu.memref_slice %arg3[%squeeze3A_299, %squeeze3A_301, %dma_start3A_311] : memref<125000x8x64xf32, #tpu.memory_space<hbm>> -> memref<1x1x64xf32, #tpu.memory_space<hbm>>
          %dma_start3A_313 = tpu.memref_squeeze %dma_start3A_312 : memref<1x1x64xf32, #tpu.memory_space<hbm>> -> memref<64xf32, #tpu.memory_space<hbm>>
          %dma_start3A_314 = arith.constant 0 : i32
          %dma_start3A_315 = tpu.memref_slice %arg6[%dma_start3A_306, %add3A_305, %dma_start3A_307, %dma_start3A_314] : memref<2x16x8x64xf32, #tpu.memory_space<vmem>> -> memref<1x1x1x64xf32, #tpu.memory_space<vmem>>
          %dma_start3A_316 = tpu.memref_squeeze %dma_start3A_315 : memref<1x1x1x64xf32, #tpu.memory_space<vmem>> -> memref<64xf32, #tpu.memory_space<vmem>>
          %dma_start3A_317 = arith.constant 0 : i32
          %dma_start3A_318 = tpu.memref_slice %arg3[%squeeze3A_299, %squeeze3A_301, %dma_start3A_317] : memref<125000x8x64xf32, #tpu.memory_space<hbm>> -> memref<1x1x64xf32, #tpu.memory_space<hbm>>
          %dma_start3A_319 = tpu.memref_squeeze %dma_start3A_318 : memref<1x1x64xf32, #tpu.memory_space<hbm>> -> memref<64xf32, #tpu.memory_space<hbm>>
          tpu.enqueue_dma source(%dma_start3A_319 : memref<64xf32, #tpu.memory_space<hbm>>) target(%dma_start3A_316 : memref<64xf32, #tpu.memory_space<vmem>>) target_semaphore(%arg8 : memref<!tpu.dma_semaphore, #tpu.memory_space<semaphore_mem>>)
          %slice3A_320 = vector.extract_strided_slice %shift_right_logical3A_187 {offsets = [6], sizes = [1], strides = [1]} : vector<16xi32> to vector<1xi32>
          %squeeze3A_321 = vector.extract %slice3A_320[0] : i32 from vector<1xi32>
          %slice3A_322 = vector.extract_strided_slice %and3A_189 {offsets = [6], sizes = [1], strides = [1]} : vector<16xi32> to vector<1xi32>
          %squeeze3A_323 = vector.extract %slice3A_322[0] : i32 from vector<1xi32>
          %mul3A_324 = arith.constant 2 : i32
          %mul3A_325 = arith.muli %mul3A_324, %scan3A_181 : i32
          %add3A_326 = arith.constant 0 : i32
          %add3A_327 = arith.addi %mul3A_325, %add3A_326 : i32
          %dma_start3A_328 = arith.constant 1 : i32
          %dma_start3A_329 = arith.constant 6 : i32
          %dma_start3A_330 = arith.constant 0 : i32
          %dma_start3A_331 = tpu.memref_slice %arg6[%dma_start3A_328, %add3A_327, %dma_start3A_329, %dma_start3A_330] : memref<2x16x8x64xf32, #tpu.memory_space<vmem>> -> memref<1x1x1x64xf32, #tpu.memory_space<vmem>>
          %dma_start3A_332 = tpu.memref_squeeze %dma_start3A_331 : memref<1x1x1x64xf32, #tpu.memory_space<vmem>> -> memref<64xf32, #tpu.memory_space<vmem>>
          %dma_start3A_333 = arith.constant 0 : i32
          %dma_start3A_334 = tpu.memref_slice %arg3[%squeeze3A_321, %squeeze3A_323, %dma_start3A_333] : memref<125000x8x64xf32, #tpu.memory_space<hbm>> -> memref<1x1x64xf32, #tpu.memory_space<hbm>>
          %dma_start3A_335 = tpu.memref_squeeze %dma_start3A_334 : memref<1x1x64xf32, #tpu.memory_space<hbm>> -> memref<64xf32, #tpu.memory_space<hbm>>
          %dma_start3A_336 = arith.constant 0 : i32
          %dma_start3A_337 = tpu.memref_slice %arg6[%dma_start3A_328, %add3A_327, %dma_start3A_329, %dma_start3A_336] : memref<2x16x8x64xf32, #tpu.memory_space<vmem>> -> memref<1x1x1x64xf32, #tpu.memory_space<vmem>>
          %dma_start3A_338 = tpu.memref_squeeze %dma_start3A_337 : memref<1x1x1x64xf32, #tpu.memory_space<vmem>> -> memref<64xf32, #tpu.memory_space<vmem>>
          %dma_start3A_339 = arith.constant 0 : i32
          %dma_start3A_340 = tpu.memref_slice %arg3[%squeeze3A_321, %squeeze3A_323, %dma_start3A_339] : memref<125000x8x64xf32, #tpu.memory_space<hbm>> -> memref<1x1x64xf32, #tpu.memory_space<hbm>>
          %dma_start3A_341 = tpu.memref_squeeze %dma_start3A_340 : memref<1x1x64xf32, #tpu.memory_space<hbm>> -> memref<64xf32, #tpu.memory_space<hbm>>
          tpu.enqueue_dma source(%dma_start3A_341 : memref<64xf32, #tpu.memory_space<hbm>>) target(%dma_start3A_338 : memref<64xf32, #tpu.memory_space<vmem>>) target_semaphore(%arg8 : memref<!tpu.dma_semaphore, #tpu.memory_space<semaphore_mem>>)
          %slice3A_342 = vector.extract_strided_slice %shift_right_logical3A_187 {offsets = [7], sizes = [1], strides = [1]} : vector<16xi32> to vector<1xi32>
          %squeeze3A_343 = vector.extract %slice3A_342[0] : i32 from vector<1xi32>
          %slice3A_344 = vector.extract_strided_slice %and3A_189 {offsets = [7], sizes = [1], strides = [1]} : vector<16xi32> to vector<1xi32>
          %squeeze3A_345 = vector.extract %slice3A_344[0] : i32 from vector<1xi32>
          %mul3A_346 = arith.constant 2 : i32
          %mul3A_347 = arith.muli %mul3A_346, %scan3A_181 : i32
          %add3A_348 = arith.constant 0 : i32
          %add3A_349 = arith.addi %mul3A_347, %add3A_348 : i32
          %dma_start3A_350 = arith.constant 1 : i32
          %dma_start3A_351 = arith.constant 7 : i32
          %dma_start3A_352 = arith.constant 0 : i32
          %dma_start3A_353 = tpu.memref_slice %arg6[%dma_start3A_350, %add3A_349, %dma_start3A_351, %dma_start3A_352] : memref<2x16x8x64xf32, #tpu.memory_space<vmem>> -> memref<1x1x1x64xf32, #tpu.memory_space<vmem>>
          %dma_start3A_354 = tpu.memref_squeeze %dma_start3A_353 : memref<1x1x1x64xf32, #tpu.memory_space<vmem>> -> memref<64xf32, #tpu.memory_space<vmem>>
          %dma_start3A_355 = arith.constant 0 : i32
          %dma_start3A_356 = tpu.memref_slice %arg3[%squeeze3A_343, %squeeze3A_345, %dma_start3A_355] : memref<125000x8x64xf32, #tpu.memory_space<hbm>> -> memref<1x1x64xf32, #tpu.memory_space<hbm>>
          %dma_start3A_357 = tpu.memref_squeeze %dma_start3A_356 : memref<1x1x64xf32, #tpu.memory_space<hbm>> -> memref<64xf32, #tpu.memory_space<hbm>>
          %dma_start3A_358 = arith.constant 0 : i32
          %dma_start3A_359 = tpu.memref_slice %arg6[%dma_start3A_350, %add3A_349, %dma_start3A_351, %dma_start3A_358] : memref<2x16x8x64xf32, #tpu.memory_space<vmem>> -> memref<1x1x1x64xf32, #tpu.memory_space<vmem>>
          %dma_start3A_360 = tpu.memref_squeeze %dma_start3A_359 : memref<1x1x1x64xf32, #tpu.memory_space<vmem>> -> memref<64xf32, #tpu.memory_space<vmem>>
          %dma_start3A_361 = arith.constant 0 : i32
          %dma_start3A_362 = tpu.memref_slice %arg3[%squeeze3A_343, %squeeze3A_345, %dma_start3A_361] : memref<125000x8x64xf32, #tpu.memory_space<hbm>> -> memref<1x1x64xf32, #tpu.memory_space<hbm>>
          %dma_start3A_363 = tpu.memref_squeeze %dma_start3A_362 : memref<1x1x64xf32, #tpu.memory_space<hbm>> -> memref<64xf32, #tpu.memory_space<hbm>>
          tpu.enqueue_dma source(%dma_start3A_363 : memref<64xf32, #tpu.memory_space<hbm>>) target(%dma_start3A_360 : memref<64xf32, #tpu.memory_space<vmem>>) target_semaphore(%arg8 : memref<!tpu.dma_semaphore, #tpu.memory_space<semaphore_mem>>)
          %slice3A_364 = vector.extract_strided_slice %shift_right_logical3A_187 {offsets = [8], sizes = [1], strides = [1]} : vector<16xi32> to vector<1xi32>
          %squeeze3A_365 = vector.extract %slice3A_364[0] : i32 from vector<1xi32>
          %slice3A_366 = vector.extract_strided_slice %and3A_189 {offsets = [8], sizes = [1], strides = [1]} : vector<16xi32> to vector<1xi32>
          %squeeze3A_367 = vector.extract %slice3A_366[0] : i32 from vector<1xi32>
          %mul3A_368 = arith.constant 2 : i32
          %mul3A_369 = arith.muli %mul3A_368, %scan3A_181 : i32
          %add3A_370 = arith.constant 1 : i32
          %add3A_371 = arith.addi %mul3A_369, %add3A_370 : i32
          %dma_start3A_372 = arith.constant 1 : i32
          %dma_start3A_373 = arith.constant 0 : i32
          %dma_start3A_374 = arith.constant 0 : i32
          %dma_start3A_375 = tpu.memref_slice %arg6[%dma_start3A_372, %add3A_371, %dma_start3A_373, %dma_start3A_374] : memref<2x16x8x64xf32, #tpu.memory_space<vmem>> -> memref<1x1x1x64xf32, #tpu.memory_space<vmem>>
          %dma_start3A_376 = tpu.memref_squeeze %dma_start3A_375 : memref<1x1x1x64xf32, #tpu.memory_space<vmem>> -> memref<64xf32, #tpu.memory_space<vmem>>
          %dma_start3A_377 = arith.constant 0 : i32
          %dma_start3A_378 = tpu.memref_slice %arg3[%squeeze3A_365, %squeeze3A_367, %dma_start3A_377] : memref<125000x8x64xf32, #tpu.memory_space<hbm>> -> memref<1x1x64xf32, #tpu.memory_space<hbm>>
          %dma_start3A_379 = tpu.memref_squeeze %dma_start3A_378 : memref<1x1x64xf32, #tpu.memory_space<hbm>> -> memref<64xf32, #tpu.memory_space<hbm>>
          %dma_start3A_380 = arith.constant 0 : i32
          %dma_start3A_381 = tpu.memref_slice %arg6[%dma_start3A_372, %add3A_371, %dma_start3A_373, %dma_start3A_380] : memref<2x16x8x64xf32, #tpu.memory_space<vmem>> -> memref<1x1x1x64xf32, #tpu.memory_space<vmem>>
          %dma_start3A_382 = tpu.memref_squeeze %dma_start3A_381 : memref<1x1x1x64xf32, #tpu.memory_space<vmem>> -> memref<64xf32, #tpu.memory_space<vmem>>
          %dma_start3A_383 = arith.constant 0 : i32
          %dma_start3A_384 = tpu.memref_slice %arg3[%squeeze3A_365, %squeeze3A_367, %dma_start3A_383] : memref<125000x8x64xf32, #tpu.memory_space<hbm>> -> memref<1x1x64xf32, #tpu.memory_space<hbm>>
          %dma_start3A_385 = tpu.memref_squeeze %dma_start3A_384 : memref<1x1x64xf32, #tpu.memory_space<hbm>> -> memref<64xf32, #tpu.memory_space<hbm>>
          tpu.enqueue_dma source(%dma_start3A_385 : memref<64xf32, #tpu.memory_space<hbm>>) target(%dma_start3A_382 : memref<64xf32, #tpu.memory_space<vmem>>) target_semaphore(%arg8 : memref<!tpu.dma_semaphore, #tpu.memory_space<semaphore_mem>>)
          %slice3A_386 = vector.extract_strided_slice %shift_right_logical3A_187 {offsets = [9], sizes = [1], strides = [1]} : vector<16xi32> to vector<1xi32>
          %squeeze3A_387 = vector.extract %slice3A_386[0] : i32 from vector<1xi32>
          %slice3A_388 = vector.extract_strided_slice %and3A_189 {offsets = [9], sizes = [1], strides = [1]} : vector<16xi32> to vector<1xi32>
          %squeeze3A_389 = vector.extract %slice3A_388[0] : i32 from vector<1xi32>
          %mul3A_390 = arith.constant 2 : i32
          %mul3A_391 = arith.muli %mul3A_390, %scan3A_181 : i32
          %add3A_392 = arith.constant 1 : i32
          %add3A_393 = arith.addi %mul3A_391, %add3A_392 : i32
          %dma_start3A_394 = arith.constant 1 : i32
          %dma_start3A_395 = arith.constant 1 : i32
          %dma_start3A_396 = arith.constant 0 : i32
          %dma_start3A_397 = tpu.memref_slice %arg6[%dma_start3A_394, %add3A_393, %dma_start3A_395, %dma_start3A_396] : memref<2x16x8x64xf32, #tpu.memory_space<vmem>> -> memref<1x1x1x64xf32, #tpu.memory_space<vmem>>
          %dma_start3A_398 = tpu.memref_squeeze %dma_start3A_397 : memref<1x1x1x64xf32, #tpu.memory_space<vmem>> -> memref<64xf32, #tpu.memory_space<vmem>>
          %dma_start3A_399 = arith.constant 0 : i32
          %dma_start3A_400 = tpu.memref_slice %arg3[%squeeze3A_387, %squeeze3A_389, %dma_start3A_399] : memref<125000x8x64xf32, #tpu.memory_space<hbm>> -> memref<1x1x64xf32, #tpu.memory_space<hbm>>
          %dma_start3A_401 = tpu.memref_squeeze %dma_start3A_400 : memref<1x1x64xf32, #tpu.memory_space<hbm>> -> memref<64xf32, #tpu.memory_space<hbm>>
          %dma_start3A_402 = arith.constant 0 : i32
          %dma_start3A_403 = tpu.memref_slice %arg6[%dma_start3A_394, %add3A_393, %dma_start3A_395, %dma_start3A_402] : memref<2x16x8x64xf32, #tpu.memory_space<vmem>> -> memref<1x1x1x64xf32, #tpu.memory_space<vmem>>
          %dma_start3A_404 = tpu.memref_squeeze %dma_start3A_403 : memref<1x1x1x64xf32, #tpu.memory_space<vmem>> -> memref<64xf32, #tpu.memory_space<vmem>>
          %dma_start3A_405 = arith.constant 0 : i32
          %dma_start3A_406 = tpu.memref_slice %arg3[%squeeze3A_387, %squeeze3A_389, %dma_start3A_405] : memref<125000x8x64xf32, #tpu.memory_space<hbm>> -> memref<1x1x64xf32, #tpu.memory_space<hbm>>
          %dma_start3A_407 = tpu.memref_squeeze %dma_start3A_406 : memref<1x1x64xf32, #tpu.memory_space<hbm>> -> memref<64xf32, #tpu.memory_space<hbm>>
          tpu.enqueue_dma source(%dma_start3A_407 : memref<64xf32, #tpu.memory_space<hbm>>) target(%dma_start3A_404 : memref<64xf32, #tpu.memory_space<vmem>>) target_semaphore(%arg8 : memref<!tpu.dma_semaphore, #tpu.memory_space<semaphore_mem>>)
          %slice3A_408 = vector.extract_strided_slice %shift_right_logical3A_187 {offsets = [10], sizes = [1], strides = [1]} : vector<16xi32> to vector<1xi32>
          %squeeze3A_409 = vector.extract %slice3A_408[0] : i32 from vector<1xi32>
          %slice3A_410 = vector.extract_strided_slice %and3A_189 {offsets = [10], sizes = [1], strides = [1]} : vector<16xi32> to vector<1xi32>
          %squeeze3A_411 = vector.extract %slice3A_410[0] : i32 from vector<1xi32>
          %mul3A_412 = arith.constant 2 : i32
          %mul3A_413 = arith.muli %mul3A_412, %scan3A_181 : i32
          %add3A_414 = arith.constant 1 : i32
          %add3A_415 = arith.addi %mul3A_413, %add3A_414 : i32
          %dma_start3A_416 = arith.constant 1 : i32
          %dma_start3A_417 = arith.constant 2 : i32
          %dma_start3A_418 = arith.constant 0 : i32
          %dma_start3A_419 = tpu.memref_slice %arg6[%dma_start3A_416, %add3A_415, %dma_start3A_417, %dma_start3A_418] : memref<2x16x8x64xf32, #tpu.memory_space<vmem>> -> memref<1x1x1x64xf32, #tpu.memory_space<vmem>>
          %dma_start3A_420 = tpu.memref_squeeze %dma_start3A_419 : memref<1x1x1x64xf32, #tpu.memory_space<vmem>> -> memref<64xf32, #tpu.memory_space<vmem>>
          %dma_start3A_421 = arith.constant 0 : i32
          %dma_start3A_422 = tpu.memref_slice %arg3[%squeeze3A_409, %squeeze3A_411, %dma_start3A_421] : memref<125000x8x64xf32, #tpu.memory_space<hbm>> -> memref<1x1x64xf32, #tpu.memory_space<hbm>>
          %dma_start3A_423 = tpu.memref_squeeze %dma_start3A_422 : memref<1x1x64xf32, #tpu.memory_space<hbm>> -> memref<64xf32, #tpu.memory_space<hbm>>
          %dma_start3A_424 = arith.constant 0 : i32
          %dma_start3A_425 = tpu.memref_slice %arg6[%dma_start3A_416, %add3A_415, %dma_start3A_417, %dma_start3A_424] : memref<2x16x8x64xf32, #tpu.memory_space<vmem>> -> memref<1x1x1x64xf32, #tpu.memory_space<vmem>>
          %dma_start3A_426 = tpu.memref_squeeze %dma_start3A_425 : memref<1x1x1x64xf32, #tpu.memory_space<vmem>> -> memref<64xf32, #tpu.memory_space<vmem>>
          %dma_start3A_427 = arith.constant 0 : i32
          %dma_start3A_428 = tpu.memref_slice %arg3[%squeeze3A_409, %squeeze3A_411, %dma_start3A_427] : memref<125000x8x64xf32, #tpu.memory_space<hbm>> -> memref<1x1x64xf32, #tpu.memory_space<hbm>>
          %dma_start3A_429 = tpu.memref_squeeze %dma_start3A_428 : memref<1x1x64xf32, #tpu.memory_space<hbm>> -> memref<64xf32, #tpu.memory_space<hbm>>
          tpu.enqueue_dma source(%dma_start3A_429 : memref<64xf32, #tpu.memory_space<hbm>>) target(%dma_start3A_426 : memref<64xf32, #tpu.memory_space<vmem>>) target_semaphore(%arg8 : memref<!tpu.dma_semaphore, #tpu.memory_space<semaphore_mem>>)
          %slice3A_430 = vector.extract_strided_slice %shift_right_logical3A_187 {offsets = [11], sizes = [1], strides = [1]} : vector<16xi32> to vector<1xi32>
          %squeeze3A_431 = vector.extract %slice3A_430[0] : i32 from vector<1xi32>
          %slice3A_432 = vector.extract_strided_slice %and3A_189 {offsets = [11], sizes = [1], strides = [1]} : vector<16xi32> to vector<1xi32>
          %squeeze3A_433 = vector.extract %slice3A_432[0] : i32 from vector<1xi32>
          %mul3A_434 = arith.constant 2 : i32
          %mul3A_435 = arith.muli %mul3A_434, %scan3A_181 : i32
          %add3A_436 = arith.constant 1 : i32
          %add3A_437 = arith.addi %mul3A_435, %add3A_436 : i32
          %dma_start3A_438 = arith.constant 1 : i32
          %dma_start3A_439 = arith.constant 3 : i32
          %dma_start3A_440 = arith.constant 0 : i32
          %dma_start3A_441 = tpu.memref_slice %arg6[%dma_start3A_438, %add3A_437, %dma_start3A_439, %dma_start3A_440] : memref<2x16x8x64xf32, #tpu.memory_space<vmem>> -> memref<1x1x1x64xf32, #tpu.memory_space<vmem>>
          %dma_start3A_442 = tpu.memref_squeeze %dma_start3A_441 : memref<1x1x1x64xf32, #tpu.memory_space<vmem>> -> memref<64xf32, #tpu.memory_space<vmem>>
          %dma_start3A_443 = arith.constant 0 : i32
          %dma_start3A_444 = tpu.memref_slice %arg3[%squeeze3A_431, %squeeze3A_433, %dma_start3A_443] : memref<125000x8x64xf32, #tpu.memory_space<hbm>> -> memref<1x1x64xf32, #tpu.memory_space<hbm>>
          %dma_start3A_445 = tpu.memref_squeeze %dma_start3A_444 : memref<1x1x64xf32, #tpu.memory_space<hbm>> -> memref<64xf32, #tpu.memory_space<hbm>>
          %dma_start3A_446 = arith.constant 0 : i32
          %dma_start3A_447 = tpu.memref_slice %arg6[%dma_start3A_438, %add3A_437, %dma_start3A_439, %dma_start3A_446] : memref<2x16x8x64xf32, #tpu.memory_space<vmem>> -> memref<1x1x1x64xf32, #tpu.memory_space<vmem>>
          %dma_start3A_448 = tpu.memref_squeeze %dma_start3A_447 : memref<1x1x1x64xf32, #tpu.memory_space<vmem>> -> memref<64xf32, #tpu.memory_space<vmem>>
          %dma_start3A_449 = arith.constant 0 : i32
          %dma_start3A_450 = tpu.memref_slice %arg3[%squeeze3A_431, %squeeze3A_433, %dma_start3A_449] : memref<125000x8x64xf32, #tpu.memory_space<hbm>> -> memref<1x1x64xf32, #tpu.memory_space<hbm>>
          %dma_start3A_451 = tpu.memref_squeeze %dma_start3A_450 : memref<1x1x64xf32, #tpu.memory_space<hbm>> -> memref<64xf32, #tpu.memory_space<hbm>>
          tpu.enqueue_dma source(%dma_start3A_451 : memref<64xf32, #tpu.memory_space<hbm>>) target(%dma_start3A_448 : memref<64xf32, #tpu.memory_space<vmem>>) target_semaphore(%arg8 : memref<!tpu.dma_semaphore, #tpu.memory_space<semaphore_mem>>)
          %slice3A_452 = vector.extract_strided_slice %shift_right_logical3A_187 {offsets = [12], sizes = [1], strides = [1]} : vector<16xi32> to vector<1xi32>
          %squeeze3A_453 = vector.extract %slice3A_452[0] : i32 from vector<1xi32>
          %slice3A_454 = vector.extract_strided_slice %and3A_189 {offsets = [12], sizes = [1], strides = [1]} : vector<16xi32> to vector<1xi32>
          %squeeze3A_455 = vector.extract %slice3A_454[0] : i32 from vector<1xi32>
          %mul3A_456 = arith.constant 2 : i32
          %mul3A_457 = arith.muli %mul3A_456, %scan3A_181 : i32
          %add3A_458 = arith.constant 1 : i32
          %add3A_459 = arith.addi %mul3A_457, %add3A_458 : i32
          %dma_start3A_460 = arith.constant 1 : i32
          %dma_start3A_461 = arith.constant 4 : i32
          %dma_start3A_462 = arith.constant 0 : i32
          %dma_start3A_463 = tpu.memref_slice %arg6[%dma_start3A_460, %add3A_459, %dma_start3A_461, %dma_start3A_462] : memref<2x16x8x64xf32, #tpu.memory_space<vmem>> -> memref<1x1x1x64xf32, #tpu.memory_space<vmem>>
          %dma_start3A_464 = tpu.memref_squeeze %dma_start3A_463 : memref<1x1x1x64xf32, #tpu.memory_space<vmem>> -> memref<64xf32, #tpu.memory_space<vmem>>
          %dma_start3A_465 = arith.constant 0 : i32
          %dma_start3A_466 = tpu.memref_slice %arg3[%squeeze3A_453, %squeeze3A_455, %dma_start3A_465] : memref<125000x8x64xf32, #tpu.memory_space<hbm>> -> memref<1x1x64xf32, #tpu.memory_space<hbm>>
          %dma_start3A_467 = tpu.memref_squeeze %dma_start3A_466 : memref<1x1x64xf32, #tpu.memory_space<hbm>> -> memref<64xf32, #tpu.memory_space<hbm>>
          %dma_start3A_468 = arith.constant 0 : i32
          %dma_start3A_469 = tpu.memref_slice %arg6[%dma_start3A_460, %add3A_459, %dma_start3A_461, %dma_start3A_468] : memref<2x16x8x64xf32, #tpu.memory_space<vmem>> -> memref<1x1x1x64xf32, #tpu.memory_space<vmem>>
          %dma_start3A_470 = tpu.memref_squeeze %dma_start3A_469 : memref<1x1x1x64xf32, #tpu.memory_space<vmem>> -> memref<64xf32, #tpu.memory_space<vmem>>
          %dma_start3A_471 = arith.constant 0 : i32
          %dma_start3A_472 = tpu.memref_slice %arg3[%squeeze3A_453, %squeeze3A_455, %dma_start3A_471] : memref<125000x8x64xf32, #tpu.memory_space<hbm>> -> memref<1x1x64xf32, #tpu.memory_space<hbm>>
          %dma_start3A_473 = tpu.memref_squeeze %dma_start3A_472 : memref<1x1x64xf32, #tpu.memory_space<hbm>> -> memref<64xf32, #tpu.memory_space<hbm>>
          tpu.enqueue_dma source(%dma_start3A_473 : memref<64xf32, #tpu.memory_space<hbm>>) target(%dma_start3A_470 : memref<64xf32, #tpu.memory_space<vmem>>) target_semaphore(%arg8 : memref<!tpu.dma_semaphore, #tpu.memory_space<semaphore_mem>>)
          %slice3A_474 = vector.extract_strided_slice %shift_right_logical3A_187 {offsets = [13], sizes = [1], strides = [1]} : vector<16xi32> to vector<1xi32>
          %squeeze3A_475 = vector.extract %slice3A_474[0] : i32 from vector<1xi32>
          %slice3A_476 = vector.extract_strided_slice %and3A_189 {offsets = [13], sizes = [1], strides = [1]} : vector<16xi32> to vector<1xi32>
          %squeeze3A_477 = vector.extract %slice3A_476[0] : i32 from vector<1xi32>
          %mul3A_478 = arith.constant 2 : i32
          %mul3A_479 = arith.muli %mul3A_478, %scan3A_181 : i32
          %add3A_480 = arith.constant 1 : i32
          %add3A_481 = arith.addi %mul3A_479, %add3A_480 : i32
          %dma_start3A_482 = arith.constant 1 : i32
          %dma_start3A_483 = arith.constant 5 : i32
          %dma_start3A_484 = arith.constant 0 : i32
          %dma_start3A_485 = tpu.memref_slice %arg6[%dma_start3A_482, %add3A_481, %dma_start3A_483, %dma_start3A_484] : memref<2x16x8x64xf32, #tpu.memory_space<vmem>> -> memref<1x1x1x64xf32, #tpu.memory_space<vmem>>
          %dma_start3A_486 = tpu.memref_squeeze %dma_start3A_485 : memref<1x1x1x64xf32, #tpu.memory_space<vmem>> -> memref<64xf32, #tpu.memory_space<vmem>>
          %dma_start3A_487 = arith.constant 0 : i32
          %dma_start3A_488 = tpu.memref_slice %arg3[%squeeze3A_475, %squeeze3A_477, %dma_start3A_487] : memref<125000x8x64xf32, #tpu.memory_space<hbm>> -> memref<1x1x64xf32, #tpu.memory_space<hbm>>
          %dma_start3A_489 = tpu.memref_squeeze %dma_start3A_488 : memref<1x1x64xf32, #tpu.memory_space<hbm>> -> memref<64xf32, #tpu.memory_space<hbm>>
          %dma_start3A_490 = arith.constant 0 : i32
          %dma_start3A_491 = tpu.memref_slice %arg6[%dma_start3A_482, %add3A_481, %dma_start3A_483, %dma_start3A_490] : memref<2x16x8x64xf32, #tpu.memory_space<vmem>> -> memref<1x1x1x64xf32, #tpu.memory_space<vmem>>
          %dma_start3A_492 = tpu.memref_squeeze %dma_start3A_491 : memref<1x1x1x64xf32, #tpu.memory_space<vmem>> -> memref<64xf32, #tpu.memory_space<vmem>>
          %dma_start3A_493 = arith.constant 0 : i32
          %dma_start3A_494 = tpu.memref_slice %arg3[%squeeze3A_475, %squeeze3A_477, %dma_start3A_493] : memref<125000x8x64xf32, #tpu.memory_space<hbm>> -> memref<1x1x64xf32, #tpu.memory_space<hbm>>
          %dma_start3A_495 = tpu.memref_squeeze %dma_start3A_494 : memref<1x1x64xf32, #tpu.memory_space<hbm>> -> memref<64xf32, #tpu.memory_space<hbm>>
          tpu.enqueue_dma source(%dma_start3A_495 : memref<64xf32, #tpu.memory_space<hbm>>) target(%dma_start3A_492 : memref<64xf32, #tpu.memory_space<vmem>>) target_semaphore(%arg8 : memref<!tpu.dma_semaphore, #tpu.memory_space<semaphore_mem>>)
          %slice3A_496 = vector.extract_strided_slice %shift_right_logical3A_187 {offsets = [14], sizes = [1], strides = [1]} : vector<16xi32> to vector<1xi32>
          %squeeze3A_497 = vector.extract %slice3A_496[0] : i32 from vector<1xi32>
          %slice3A_498 = vector.extract_strided_slice %and3A_189 {offsets = [14], sizes = [1], strides = [1]} : vector<16xi32> to vector<1xi32>
          %squeeze3A_499 = vector.extract %slice3A_498[0] : i32 from vector<1xi32>
          %mul3A_500 = arith.constant 2 : i32
          %mul3A_501 = arith.muli %mul3A_500, %scan3A_181 : i32
          %add3A_502 = arith.constant 1 : i32
          %add3A_503 = arith.addi %mul3A_501, %add3A_502 : i32
          %dma_start3A_504 = arith.constant 1 : i32
          %dma_start3A_505 = arith.constant 6 : i32
          %dma_start3A_506 = arith.constant 0 : i32
          %dma_start3A_507 = tpu.memref_slice %arg6[%dma_start3A_504, %add3A_503, %dma_start3A_505, %dma_start3A_506] : memref<2x16x8x64xf32, #tpu.memory_space<vmem>> -> memref<1x1x1x64xf32, #tpu.memory_space<vmem>>
          %dma_start3A_508 = tpu.memref_squeeze %dma_start3A_507 : memref<1x1x1x64xf32, #tpu.memory_space<vmem>> -> memref<64xf32, #tpu.memory_space<vmem>>
          %dma_start3A_509 = arith.constant 0 : i32
          %dma_start3A_510 = tpu.memref_slice %arg3[%squeeze3A_497, %squeeze3A_499, %dma_start3A_509] : memref<125000x8x64xf32, #tpu.memory_space<hbm>> -> memref<1x1x64xf32, #tpu.memory_space<hbm>>
          %dma_start3A_511 = tpu.memref_squeeze %dma_start3A_510 : memref<1x1x64xf32, #tpu.memory_space<hbm>> -> memref<64xf32, #tpu.memory_space<hbm>>
          %dma_start3A_512 = arith.constant 0 : i32
          %dma_start3A_513 = tpu.memref_slice %arg6[%dma_start3A_504, %add3A_503, %dma_start3A_505, %dma_start3A_512] : memref<2x16x8x64xf32, #tpu.memory_space<vmem>> -> memref<1x1x1x64xf32, #tpu.memory_space<vmem>>
          %dma_start3A_514 = tpu.memref_squeeze %dma_start3A_513 : memref<1x1x1x64xf32, #tpu.memory_space<vmem>> -> memref<64xf32, #tpu.memory_space<vmem>>
          %dma_start3A_515 = arith.constant 0 : i32
          %dma_start3A_516 = tpu.memref_slice %arg3[%squeeze3A_497, %squeeze3A_499, %dma_start3A_515] : memref<125000x8x64xf32, #tpu.memory_space<hbm>> -> memref<1x1x64xf32, #tpu.memory_space<hbm>>
          %dma_start3A_517 = tpu.memref_squeeze %dma_start3A_516 : memref<1x1x64xf32, #tpu.memory_space<hbm>> -> memref<64xf32, #tpu.memory_space<hbm>>
          tpu.enqueue_dma source(%dma_start3A_517 : memref<64xf32, #tpu.memory_space<hbm>>) target(%dma_start3A_514 : memref<64xf32, #tpu.memory_space<vmem>>) target_semaphore(%arg8 : memref<!tpu.dma_semaphore, #tpu.memory_space<semaphore_mem>>)
          %slice3A_518 = vector.extract_strided_slice %shift_right_logical3A_187 {offsets = [15], sizes = [1], strides = [1]} : vector<16xi32> to vector<1xi32>
          %squeeze3A_519 = vector.extract %slice3A_518[0] : i32 from vector<1xi32>
          %slice3A_520 = vector.extract_strided_slice %and3A_189 {offsets = [15], sizes = [1], strides = [1]} : vector<16xi32> to vector<1xi32>
          %squeeze3A_521 = vector.extract %slice3A_520[0] : i32 from vector<1xi32>
          %mul3A_522 = arith.constant 2 : i32
          %mul3A_523 = arith.muli %mul3A_522, %scan3A_181 : i32
          %add3A_524 = arith.constant 1 : i32
          %add3A_525 = arith.addi %mul3A_523, %add3A_524 : i32
          %dma_start3A_526 = arith.constant 1 : i32
          %dma_start3A_527 = arith.constant 7 : i32
          %dma_start3A_528 = arith.constant 0 : i32
          %dma_start3A_529 = tpu.memref_slice %arg6[%dma_start3A_526, %add3A_525, %dma_start3A_527, %dma_start3A_528] : memref<2x16x8x64xf32, #tpu.memory_space<vmem>> -> memref<1x1x1x64xf32, #tpu.memory_space<vmem>>
          %dma_start3A_530 = tpu.memref_squeeze %dma_start3A_529 : memref<1x1x1x64xf32, #tpu.memory_space<vmem>> -> memref<64xf32, #tpu.memory_space<vmem>>
          %dma_start3A_531 = arith.constant 0 : i32
          %dma_start3A_532 = tpu.memref_slice %arg3[%squeeze3A_519, %squeeze3A_521, %dma_start3A_531] : memref<125000x8x64xf32, #tpu.memory_space<hbm>> -> memref<1x1x64xf32, #tpu.memory_space<hbm>>
          %dma_start3A_533 = tpu.memref_squeeze %dma_start3A_532 : memref<1x1x64xf32, #tpu.memory_space<hbm>> -> memref<64xf32, #tpu.memory_space<hbm>>
          %dma_start3A_534 = arith.constant 0 : i32
          %dma_start3A_535 = tpu.memref_slice %arg6[%dma_start3A_526, %add3A_525, %dma_start3A_527, %dma_start3A_534] : memref<2x16x8x64xf32, #tpu.memory_space<vmem>> -> memref<1x1x1x64xf32, #tpu.memory_space<vmem>>
          %dma_start3A_536 = tpu.memref_squeeze %dma_start3A_535 : memref<1x1x1x64xf32, #tpu.memory_space<vmem>> -> memref<64xf32, #tpu.memory_space<vmem>>
          %dma_start3A_537 = arith.constant 0 : i32
          %dma_start3A_538 = tpu.memref_slice %arg3[%squeeze3A_519, %squeeze3A_521, %dma_start3A_537] : memref<125000x8x64xf32, #tpu.memory_space<hbm>> -> memref<1x1x64xf32, #tpu.memory_space<hbm>>
          %dma_start3A_539 = tpu.memref_squeeze %dma_start3A_538 : memref<1x1x64xf32, #tpu.memory_space<hbm>> -> memref<64xf32, #tpu.memory_space<hbm>>
          tpu.enqueue_dma source(%dma_start3A_539 : memref<64xf32, #tpu.memory_space<hbm>>) target(%dma_start3A_536 : memref<64xf32, #tpu.memory_space<vmem>>) target_semaphore(%arg8 : memref<!tpu.dma_semaphore, #tpu.memory_space<semaphore_mem>>)
        }
        %scan3A_180 = arith.constant 8 : i32
      } else {
      }
      %dma_wait3A_66 = arith.constant 0 : i32
      %dma_wait3A_67 = arith.constant 0 : i32
      %dma_wait3A_68 = arith.constant 0 : i32
      %dma_wait3A_69 = arith.constant 0 : i32
      %dma_wait3A_70 = tpu.memref_slice %arg6[%dma_wait3A_66, %dma_wait3A_67, %dma_wait3A_68, %dma_wait3A_69] : memref<2x16x8x64xf32, #tpu.memory_space<vmem>> -> memref<1x16x8x64xf32, #tpu.memory_space<vmem>>
      %dma_wait3A_71 = tpu.memref_squeeze %dma_wait3A_70 : memref<1x16x8x64xf32, #tpu.memory_space<vmem>> -> memref<16x8x64xf32, #tpu.memory_space<vmem>>
      %dma_wait3A_72 = arith.constant 0 : i32
      %dma_wait3A_73 = arith.constant 0 : i32
      %dma_wait3A_74 = arith.constant 0 : i32
      %dma_wait3A_75 = tpu.memref_slice %arg3[%dma_wait3A_72, %dma_wait3A_73, %dma_wait3A_74] : memref<125000x8x64xf32, #tpu.memory_space<hbm>> -> memref<16x8x64xf32, #tpu.memory_space<hbm>>
      %dma_wait3A_76 = arith.constant 0 : i32
      %dma_wait3A_77 = arith.constant 0 : i32
      %dma_wait3A_78 = arith.constant 0 : i32
      %dma_wait3A_79 = tpu.memref_slice %arg6[%dma_wait3A_66, %dma_wait3A_76, %dma_wait3A_77, %dma_wait3A_78] : memref<2x16x8x64xf32, #tpu.memory_space<vmem>> -> memref<1x16x8x64xf32, #tpu.memory_space<vmem>>
      %dma_wait3A_80 = tpu.memref_squeeze %dma_wait3A_79 : memref<1x16x8x64xf32, #tpu.memory_space<vmem>> -> memref<16x8x64xf32, #tpu.memory_space<vmem>>
      %dma_wait3A_81 = arith.constant 0 : i32
      %dma_wait3A_82 = arith.constant 0 : i32
      %dma_wait3A_83 = arith.constant 0 : i32
      %dma_wait3A_84 = tpu.memref_slice %arg3[%dma_wait3A_81, %dma_wait3A_82, %dma_wait3A_83] : memref<125000x8x64xf32, #tpu.memory_space<hbm>> -> memref<16x8x64xf32, #tpu.memory_space<hbm>>
      tpu.wait_dma2 semaphore(%arg7 : memref<!tpu.dma_semaphore, #tpu.memory_space<semaphore_mem>>) src(%dma_wait3A_84 : memref<16x8x64xf32, #tpu.memory_space<hbm>>) dst(%dma_wait3A_80 : memref<16x8x64xf32, #tpu.memory_space<vmem>>)
      %scan3A_85 = arith.constant 0 : i32
      %scan3A_86 = arith.constant 0 : i32
      %scan3A_87 = arith.constant 16 : i32
      %scan3A_88 = arith.addi %scan3A_86, %scan3A_87 : i32
      %scan3A_89 = arith.constant 1 : i32
      scf.for %scan3A_168 = %scan3A_86 to %scan3A_88 step %scan3A_89  : i32 {
        %get3A = arith.constant 0 : i32
        %get3A_169 = arith.constant 0 : i32
        %get3A_170 = arith.index_cast %get3A : i32 to index
        %get3A_171 = arith.index_cast %scan3A_168 : i32 to index
        %get3A_172 = arith.index_cast %get3A_169 : i32 to index
        %get3A_173 = arith.constant 0 : index
        %get3A_174 = tpu.vector_load %arg6[%get3A_170, %get3A_171, %get3A_172, %get3A_173] {strides = array<i32>} : memref<2x16x8x64xf32, #tpu.memory_space<vmem>>, vector<16xf32>,
        %mul3A_175 = arith.constant 8.000000e+00 : f32
        %mul3A_176 = vector.broadcast %mul3A_175 : f32 to vector<16xf32>
        %mul3A_177 = arith.mulf %get3A_174, %mul3A_176 : vector<16xf32>
        %swap3A = arith.constant 0 : i32
        %swap3A_178 = arith.constant 0 : i32
        %swap3A_179 = arith.index_cast %swap3A : i32 to index
        %swap3A_180 = arith.index_cast %scan3A_168 : i32 to index
        %swap3A_181 = arith.index_cast %swap3A_178 : i32 to index
        %swap3A_182 = arith.constant 0 : index
        %swap3A_183 = tpu.vector_load %arg6[%swap3A_179, %swap3A_180, %swap3A_181, %swap3A_182] {strides = array<i32>} : memref<2x16x8x64xf32, #tpu.memory_space<vmem>>, vector<16xf32>,
        tpu.vector_store %arg6[%swap3A_179, %swap3A_180, %swap3A_181, %swap3A_182], %mul3A_177 {strides = array<i32>} : memref<2x16x8x64xf32, #tpu.memory_space<vmem>>, vector<16xf32>,
        %get3A_184 = arith.constant 0 : i32
        %get3A_185 = arith.constant 0 : i32
        %get3A_186 = arith.index_cast %get3A_184 : i32 to index
        %get3A_187 = arith.index_cast %scan3A_168 : i32 to index
        %get3A_188 = arith.index_cast %get3A_185 : i32 to index
        %get3A_189 = arith.constant 16 : index
        %get3A_190 = tpu.vector_load %arg6[%get3A_186, %get3A_187, %get3A_188, %get3A_189] {strides = array<i32>} : memref<2x16x8x64xf32, #tpu.memory_space<vmem>>, vector<16xf32>,
        %mul3A_191 = arith.constant 8.000000e+00 : f32
        %mul3A_192 = vector.broadcast %mul3A_191 : f32 to vector<16xf32>
        %mul3A_193 = arith.mulf %get3A_190, %mul3A_192 : vector<16xf32>
        %swap3A_194 = arith.constant 0 : i32
        %swap3A_195 = arith.constant 0 : i32
        %swap3A_196 = arith.index_cast %swap3A_194 : i32 to index
        %swap3A_197 = arith.index_cast %scan3A_168 : i32 to index
        %swap3A_198 = arith.index_cast %swap3A_195 : i32 to index
        %swap3A_199 = arith.constant 16 : index
        %swap3A_200 = tpu.vector_load %arg6[%swap3A_196, %swap3A_197, %swap3A_198, %swap3A_199] {strides = array<i32>} : memref<2x16x8x64xf32, #tpu.memory_space<vmem>>, vector<16xf32>,
        tpu.vector_store %arg6[%swap3A_196, %swap3A_197, %swap3A_198, %swap3A_199], %mul3A_193 {strides = array<i32>} : memref<2x16x8x64xf32, #tpu.memory_space<vmem>>, vector<16xf32>,
        %get3A_201 = arith.constant 0 : i32
        %get3A_202 = arith.constant 0 : i32
        %get3A_203 = arith.index_cast %get3A_201 : i32 to index
        %get3A_204 = arith.index_cast %scan3A_168 : i32 to index
        %get3A_205 = arith.index_cast %get3A_202 : i32 to index
        %get3A_206 = arith.constant 32 : index
        %get3A_207 = tpu.vector_load %arg6[%get3A_203, %get3A_204, %get3A_205, %get3A_206] {strides = array<i32>} : memref<2x16x8x64xf32, #tpu.memory_space<vmem>>, vector<16xf32>,
        %mul3A_208 = arith.constant 8.000000e+00 : f32
        %mul3A_209 = vector.broadcast %mul3A_208 : f32 to vector<16xf32>
        %mul3A_210 = arith.mulf %get3A_207, %mul3A_209 : vector<16xf32>
        %swap3A_211 = arith.constant 0 : i32
        %swap3A_212 = arith.constant 0 : i32
        %swap3A_213 = arith.index_cast %swap3A_211 : i32 to index
        %swap3A_214 = arith.index_cast %scan3A_168 : i32 to index
        %swap3A_215 = arith.index_cast %swap3A_212 : i32 to index
        %swap3A_216 = arith.constant 32 : index
        %swap3A_217 = tpu.vector_load %arg6[%swap3A_213, %swap3A_214, %swap3A_215, %swap3A_216] {strides = array<i32>} : memref<2x16x8x64xf32, #tpu.memory_space<vmem>>, vector<16xf32>,
        tpu.vector_store %arg6[%swap3A_213, %swap3A_214, %swap3A_215, %swap3A_216], %mul3A_210 {strides = array<i32>} : memref<2x16x8x64xf32, #tpu.memory_space<vmem>>, vector<16xf32>,
        %get3A_218 = arith.constant 0 : i32
        %get3A_219 = arith.constant 0 : i32
        %get3A_220 = arith.index_cast %get3A_218 : i32 to index
        %get3A_221 = arith.index_cast %scan3A_168 : i32 to index
        %get3A_222 = arith.index_cast %get3A_219 : i32 to index
        %get3A_223 = arith.constant 48 : index
        %get3A_224 = tpu.vector_load %arg6[%get3A_220, %get3A_221, %get3A_222, %get3A_223] {strides = array<i32>} : memref<2x16x8x64xf32, #tpu.memory_space<vmem>>, vector<16xf32>,
        %mul3A_225 = arith.constant 8.000000e+00 : f32
        %mul3A_226 = vector.broadcast %mul3A_225 : f32 to vector<16xf32>
        %mul3A_227 = arith.mulf %get3A_224, %mul3A_226 : vector<16xf32>
        %swap3A_228 = arith.constant 0 : i32
        %swap3A_229 = arith.constant 0 : i32
        %swap3A_230 = arith.index_cast %swap3A_228 : i32 to index
        %swap3A_231 = arith.index_cast %scan3A_168 : i32 to index
        %swap3A_232 = arith.index_cast %swap3A_229 : i32 to index
        %swap3A_233 = arith.constant 48 : index
        %swap3A_234 = tpu.vector_load %arg6[%swap3A_230, %swap3A_231, %swap3A_232, %swap3A_233] {strides = array<i32>} : memref<2x16x8x64xf32, #tpu.memory_space<vmem>>, vector<16xf32>,
        tpu.vector_store %arg6[%swap3A_230, %swap3A_231, %swap3A_232, %swap3A_233], %mul3A_227 {strides = array<i32>} : memref<2x16x8x64xf32, #tpu.memory_space<vmem>>, vector<16xf32>,
        %get3A_235 = arith.constant 0 : i32
        %get3A_236 = arith.constant 1 : i32
        %get3A_237 = arith.index_cast %get3A_235 : i32 to index
        %get3A_238 = arith.index_cast %scan3A_168 : i32 to index
        %get3A_239 = arith.index_cast %get3A_236 : i32 to index
        %get3A_240 = arith.constant 0 : index
        %get3A_241 = tpu.vector_load %arg6[%get3A_237, %get3A_238, %get3A_239, %get3A_240] {strides = array<i32>} : memref<2x16x8x64xf32, #tpu.memory_space<vmem>>, vector<16xf32>,
        %mul3A_242 = arith.constant 8.000000e+00 : f32
        %mul3A_243 = vector.broadcast %mul3A_242 : f32 to vector<16xf32>
        %mul3A_244 = arith.mulf %get3A_241, %mul3A_243 : vector<16xf32>
        %swap3A_245 = arith.constant 0 : i32
        %swap3A_246 = arith.constant 1 : i32
        %swap3A_247 = arith.index_cast %swap3A_245 : i32 to index
        %swap3A_248 = arith.index_cast %scan3A_168 : i32 to index
        %swap3A_249 = arith.index_cast %swap3A_246 : i32 to index
        %swap3A_250 = arith.constant 0 : index
        %swap3A_251 = tpu.vector_load %arg6[%swap3A_247, %swap3A_248, %swap3A_249, %swap3A_250] {strides = array<i32>} : memref<2x16x8x64xf32, #tpu.memory_space<vmem>>, vector<16xf32>,
        tpu.vector_store %arg6[%swap3A_247, %swap3A_248, %swap3A_249, %swap3A_250], %mul3A_244 {strides = array<i32>} : memref<2x16x8x64xf32, #tpu.memory_space<vmem>>, vector<16xf32>,
        %get3A_252 = arith.constant 0 : i32
        %get3A_253 = arith.constant 1 : i32
        %get3A_254 = arith.index_cast %get3A_252 : i32 to index
        %get3A_255 = arith.index_cast %scan3A_168 : i32 to index
        %get3A_256 = arith.index_cast %get3A_253 : i32 to index
        %get3A_257 = arith.constant 16 : index
        %get3A_258 = tpu.vector_load %arg6[%get3A_254, %get3A_255, %get3A_256, %get3A_257] {strides = array<i32>} : memref<2x16x8x64xf32, #tpu.memory_space<vmem>>, vector<16xf32>,
        %mul3A_259 = arith.constant 8.000000e+00 : f32
        %mul3A_260 = vector.broadcast %mul3A_259 : f32 to vector<16xf32>
        %mul3A_261 = arith.mulf %get3A_258, %mul3A_260 : vector<16xf32>
        %swap3A_262 = arith.constant 0 : i32
        %swap3A_263 = arith.constant 1 : i32
        %swap3A_264 = arith.index_cast %swap3A_262 : i32 to index
        %swap3A_265 = arith.index_cast %scan3A_168 : i32 to index
        %swap3A_266 = arith.index_cast %swap3A_263 : i32 to index
        %swap3A_267 = arith.constant 16 : index
        %swap3A_268 = tpu.vector_load %arg6[%swap3A_264, %swap3A_265, %swap3A_266, %swap3A_267] {strides = array<i32>} : memref<2x16x8x64xf32, #tpu.memory_space<vmem>>, vector<16xf32>,
        tpu.vector_store %arg6[%swap3A_264, %swap3A_265, %swap3A_266, %swap3A_267], %mul3A_261 {strides = array<i32>} : memref<2x16x8x64xf32, #tpu.memory_space<vmem>>, vector<16xf32>,
        %get3A_269 = arith.constant 0 : i32
        %get3A_270 = arith.constant 1 : i32
        %get3A_271 = arith.index_cast %get3A_269 : i32 to index
        %get3A_272 = arith.index_cast %scan3A_168 : i32 to index
        %get3A_273 = arith.index_cast %get3A_270 : i32 to index
        %get3A_274 = arith.constant 32 : index
        %get3A_275 = tpu.vector_load %arg6[%get3A_271, %get3A_272, %get3A_273, %get3A_274] {strides = array<i32>} : memref<2x16x8x64xf32, #tpu.memory_space<vmem>>, vector<16xf32>,
        %mul3A_276 = arith.constant 8.000000e+00 : f32
        %mul3A_277 = vector.broadcast %mul3A_276 : f32 to vector<16xf32>
        %mul3A_278 = arith.mulf %get3A_275, %mul3A_277 : vector<16xf32>
        %swap3A_279 = arith.constant 0 : i32
        %swap3A_280 = arith.constant 1 : i32
        %swap3A_281 = arith.index_cast %swap3A_279 : i32 to index
        %swap3A_282 = arith.index_cast %scan3A_168 : i32 to index
        %swap3A_283 = arith.index_cast %swap3A_280 : i32 to index
        %swap3A_284 = arith.constant 32 : index
        %swap3A_285 = tpu.vector_load %arg6[%swap3A_281, %swap3A_282, %swap3A_283, %swap3A_284] {strides = array<i32>} : memref<2x16x8x64xf32, #tpu.memory_space<vmem>>, vector<16xf32>,
        tpu.vector_store %arg6[%swap3A_281, %swap3A_282, %swap3A_283, %swap3A_284], %mul3A_278 {strides = array<i32>} : memref<2x16x8x64xf32, #tpu.memory_space<vmem>>, vector<16xf32>,
        %get3A_286 = arith.constant 0 : i32
        %get3A_287 = arith.constant 1 : i32
        %get3A_288 = arith.index_cast %get3A_286 : i32 to index
        %get3A_289 = arith.index_cast %scan3A_168 : i32 to index
        %get3A_290 = arith.index_cast %get3A_287 : i32 to index
        %get3A_291 = arith.constant 48 : index
        %get3A_292 = tpu.vector_load %arg6[%get3A_288, %get3A_289, %get3A_290, %get3A_291] {strides = array<i32>} : memref<2x16x8x64xf32, #tpu.memory_space<vmem>>, vector<16xf32>,
        %mul3A_293 = arith.constant 8.000000e+00 : f32
        %mul3A_294 = vector.broadcast %mul3A_293 : f32 to vector<16xf32>
        %mul3A_295 = arith.mulf %get3A_292, %mul3A_294 : vector<16xf32>
        %swap3A_296 = arith.constant 0 : i32
        %swap3A_297 = arith.constant 1 : i32
        %swap3A_298 = arith.index_cast %swap3A_296 : i32 to index
        %swap3A_299 = arith.index_cast %scan3A_168 : i32 to index
        %swap3A_300 = arith.index_cast %swap3A_297 : i32 to index
        %swap3A_301 = arith.constant 48 : index
        %swap3A_302 = tpu.vector_load %arg6[%swap3A_298, %swap3A_299, %swap3A_300, %swap3A_301] {strides = array<i32>} : memref<2x16x8x64xf32, #tpu.memory_space<vmem>>, vector<16xf32>,
        tpu.vector_store %arg6[%swap3A_298, %swap3A_299, %swap3A_300, %swap3A_301], %mul3A_295 {strides = array<i32>} : memref<2x16x8x64xf32, #tpu.memory_space<vmem>>, vector<16xf32>,
        %get3A_303 = arith.constant 0 : i32
        %get3A_304 = arith.constant 2 : i32
        %get3A_305 = arith.index_cast %get3A_303 : i32 to index
        %get3A_306 = arith.index_cast %scan3A_168 : i32 to index
        %get3A_307 = arith.index_cast %get3A_304 : i32 to index
        %get3A_308 = arith.constant 0 : index
        %get3A_309 = tpu.vector_load %arg6[%get3A_305, %get3A_306, %get3A_307, %get3A_308] {strides = array<i32>} : memref<2x16x8x64xf32, #tpu.memory_space<vmem>>, vector<16xf32>,
        %mul3A_310 = arith.constant 8.000000e+00 : f32
        %mul3A_311 = vector.broadcast %mul3A_310 : f32 to vector<16xf32>
        %mul3A_312 = arith.mulf %get3A_309, %mul3A_311 : vector<16xf32>
        %swap3A_313 = arith.constant 0 : i32
        %swap3A_314 = arith.constant 2 : i32
        %swap3A_315 = arith.index_cast %swap3A_313 : i32 to index
        %swap3A_316 = arith.index_cast %scan3A_168 : i32 to index
        %swap3A_317 = arith.index_cast %swap3A_314 : i32 to index
        %swap3A_318 = arith.constant 0 : index
        %swap3A_319 = tpu.vector_load %arg6[%swap3A_315, %swap3A_316, %swap3A_317, %swap3A_318] {strides = array<i32>} : memref<2x16x8x64xf32, #tpu.memory_space<vmem>>, vector<16xf32>,
        tpu.vector_store %arg6[%swap3A_315, %swap3A_316, %swap3A_317, %swap3A_318], %mul3A_312 {strides = array<i32>} : memref<2x16x8x64xf32, #tpu.memory_space<vmem>>, vector<16xf32>,
        %get3A_320 = arith.constant 0 : i32
        %get3A_321 = arith.constant 2 : i32
        %get3A_322 = arith.index_cast %get3A_320 : i32 to index
        %get3A_323 = arith.index_cast %scan3A_168 : i32 to index
        %get3A_324 = arith.index_cast %get3A_321 : i32 to index
        %get3A_325 = arith.constant 16 : index
        %get3A_326 = tpu.vector_load %arg6[%get3A_322, %get3A_323, %get3A_324, %get3A_325] {strides = array<i32>} : memref<2x16x8x64xf32, #tpu.memory_space<vmem>>, vector<16xf32>,
        %mul3A_327 = arith.constant 8.000000e+00 : f32
        %mul3A_328 = vector.broadcast %mul3A_327 : f32 to vector<16xf32>
        %mul3A_329 = arith.mulf %get3A_326, %mul3A_328 : vector<16xf32>
        %swap3A_330 = arith.constant 0 : i32
        %swap3A_331 = arith.constant 2 : i32
        %swap3A_332 = arith.index_cast %swap3A_330 : i32 to index
        %swap3A_333 = arith.index_cast %scan3A_168 : i32 to index
        %swap3A_334 = arith.index_cast %swap3A_331 : i32 to index
        %swap3A_335 = arith.constant 16 : index
        %swap3A_336 = tpu.vector_load %arg6[%swap3A_332, %swap3A_333, %swap3A_334, %swap3A_335] {strides = array<i32>} : memref<2x16x8x64xf32, #tpu.memory_space<vmem>>, vector<16xf32>,
        tpu.vector_store %arg6[%swap3A_332, %swap3A_333, %swap3A_334, %swap3A_335], %mul3A_329 {strides = array<i32>} : memref<2x16x8x64xf32, #tpu.memory_space<vmem>>, vector<16xf32>,
        %get3A_337 = arith.constant 0 : i32
        %get3A_338 = arith.constant 2 : i32
        %get3A_339 = arith.index_cast %get3A_337 : i32 to index
        %get3A_340 = arith.index_cast %scan3A_168 : i32 to index
        %get3A_341 = arith.index_cast %get3A_338 : i32 to index
        %get3A_342 = arith.constant 32 : index
        %get3A_343 = tpu.vector_load %arg6[%get3A_339, %get3A_340, %get3A_341, %get3A_342] {strides = array<i32>} : memref<2x16x8x64xf32, #tpu.memory_space<vmem>>, vector<16xf32>,
        %mul3A_344 = arith.constant 8.000000e+00 : f32
        %mul3A_345 = vector.broadcast %mul3A_344 : f32 to vector<16xf32>
        %mul3A_346 = arith.mulf %get3A_343, %mul3A_345 : vector<16xf32>
        %swap3A_347 = arith.constant 0 : i32
        %swap3A_348 = arith.constant 2 : i32
        %swap3A_349 = arith.index_cast %swap3A_347 : i32 to index
        %swap3A_350 = arith.index_cast %scan3A_168 : i32 to index
        %swap3A_351 = arith.index_cast %swap3A_348 : i32 to index
        %swap3A_352 = arith.constant 32 : index
        %swap3A_353 = tpu.vector_load %arg6[%swap3A_349, %swap3A_350, %swap3A_351, %swap3A_352] {strides = array<i32>} : memref<2x16x8x64xf32, #tpu.memory_space<vmem>>, vector<16xf32>,
        tpu.vector_store %arg6[%swap3A_349, %swap3A_350, %swap3A_351, %swap3A_352], %mul3A_346 {strides = array<i32>} : memref<2x16x8x64xf32, #tpu.memory_space<vmem>>, vector<16xf32>,
        %get3A_354 = arith.constant 0 : i32
        %get3A_355 = arith.constant 2 : i32
        %get3A_356 = arith.index_cast %get3A_354 : i32 to index
        %get3A_357 = arith.index_cast %scan3A_168 : i32 to index
        %get3A_358 = arith.index_cast %get3A_355 : i32 to index
        %get3A_359 = arith.constant 48 : index
        %get3A_360 = tpu.vector_load %arg6[%get3A_356, %get3A_357, %get3A_358, %get3A_359] {strides = array<i32>} : memref<2x16x8x64xf32, #tpu.memory_space<vmem>>, vector<16xf32>,
        %mul3A_361 = arith.constant 8.000000e+00 : f32
        %mul3A_362 = vector.broadcast %mul3A_361 : f32 to vector<16xf32>
        %mul3A_363 = arith.mulf %get3A_360, %mul3A_362 : vector<16xf32>
        %swap3A_364 = arith.constant 0 : i32
        %swap3A_365 = arith.constant 2 : i32
        %swap3A_366 = arith.index_cast %swap3A_364 : i32 to index
        %swap3A_367 = arith.index_cast %scan3A_168 : i32 to index
        %swap3A_368 = arith.index_cast %swap3A_365 : i32 to index
        %swap3A_369 = arith.constant 48 : index
        %swap3A_370 = tpu.vector_load %arg6[%swap3A_366, %swap3A_367, %swap3A_368, %swap3A_369] {strides = array<i32>} : memref<2x16x8x64xf32, #tpu.memory_space<vmem>>, vector<16xf32>,
        tpu.vector_store %arg6[%swap3A_366, %swap3A_367, %swap3A_368, %swap3A_369], %mul3A_363 {strides = array<i32>} : memref<2x16x8x64xf32, #tpu.memory_space<vmem>>, vector<16xf32>,
        %get3A_371 = arith.constant 0 : i32
        %get3A_372 = arith.constant 3 : i32
        %get3A_373 = arith.index_cast %get3A_371 : i32 to index
        %get3A_374 = arith.index_cast %scan3A_168 : i32 to index
        %get3A_375 = arith.index_cast %get3A_372 : i32 to index
        %get3A_376 = arith.constant 0 : index
        %get3A_377 = tpu.vector_load %arg6[%get3A_373, %get3A_374, %get3A_375, %get3A_376] {strides = array<i32>} : memref<2x16x8x64xf32, #tpu.memory_space<vmem>>, vector<16xf32>,
        %mul3A_378 = arith.constant 8.000000e+00 : f32
        %mul3A_379 = vector.broadcast %mul3A_378 : f32 to vector<16xf32>
        %mul3A_380 = arith.mulf %get3A_377, %mul3A_379 : vector<16xf32>
        %swap3A_381 = arith.constant 0 : i32
        %swap3A_382 = arith.constant 3 : i32
        %swap3A_383 = arith.index_cast %swap3A_381 : i32 to index
        %swap3A_384 = arith.index_cast %scan3A_168 : i32 to index
        %swap3A_385 = arith.index_cast %swap3A_382 : i32 to index
        %swap3A_386 = arith.constant 0 : index
        %swap3A_387 = tpu.vector_load %arg6[%swap3A_383, %swap3A_384, %swap3A_385, %swap3A_386] {strides = array<i32>} : memref<2x16x8x64xf32, #tpu.memory_space<vmem>>, vector<16xf32>,
        tpu.vector_store %arg6[%swap3A_383, %swap3A_384, %swap3A_385, %swap3A_386], %mul3A_380 {strides = array<i32>} : memref<2x16x8x64xf32, #tpu.memory_space<vmem>>, vector<16xf32>,
        %get3A_388 = arith.constant 0 : i32
        %get3A_389 = arith.constant 3 : i32
        %get3A_390 = arith.index_cast %get3A_388 : i32 to index
        %get3A_391 = arith.index_cast %scan3A_168 : i32 to index
        %get3A_392 = arith.index_cast %get3A_389 : i32 to index
        %get3A_393 = arith.constant 16 : index
        %get3A_394 = tpu.vector_load %arg6[%get3A_390, %get3A_391, %get3A_392, %get3A_393] {strides = array<i32>} : memref<2x16x8x64xf32, #tpu.memory_space<vmem>>, vector<16xf32>,
        %mul3A_395 = arith.constant 8.000000e+00 : f32
        %mul3A_396 = vector.broadcast %mul3A_395 : f32 to vector<16xf32>
        %mul3A_397 = arith.mulf %get3A_394, %mul3A_396 : vector<16xf32>
        %swap3A_398 = arith.constant 0 : i32
        %swap3A_399 = arith.constant 3 : i32
        %swap3A_400 = arith.index_cast %swap3A_398 : i32 to index
        %swap3A_401 = arith.index_cast %scan3A_168 : i32 to index
        %swap3A_402 = arith.index_cast %swap3A_399 : i32 to index
        %swap3A_403 = arith.constant 16 : index
        %swap3A_404 = tpu.vector_load %arg6[%swap3A_400, %swap3A_401, %swap3A_402, %swap3A_403] {strides = array<i32>} : memref<2x16x8x64xf32, #tpu.memory_space<vmem>>, vector<16xf32>,
        tpu.vector_store %arg6[%swap3A_400, %swap3A_401, %swap3A_402, %swap3A_403], %mul3A_397 {strides = array<i32>} : memref<2x16x8x64xf32, #tpu.memory_space<vmem>>, vector<16xf32>,
        %get3A_405 = arith.constant 0 : i32
        %get3A_406 = arith.constant 3 : i32
        %get3A_407 = arith.index_cast %get3A_405 : i32 to index
        %get3A_408 = arith.index_cast %scan3A_168 : i32 to index
        %get3A_409 = arith.index_cast %get3A_406 : i32 to index
        %get3A_410 = arith.constant 32 : index
        %get3A_411 = tpu.vector_load %arg6[%get3A_407, %get3A_408, %get3A_409, %get3A_410] {strides = array<i32>} : memref<2x16x8x64xf32, #tpu.memory_space<vmem>>, vector<16xf32>,
        %mul3A_412 = arith.constant 8.000000e+00 : f32
        %mul3A_413 = vector.broadcast %mul3A_412 : f32 to vector<16xf32>
        %mul3A_414 = arith.mulf %get3A_411, %mul3A_413 : vector<16xf32>
        %swap3A_415 = arith.constant 0 : i32
        %swap3A_416 = arith.constant 3 : i32
        %swap3A_417 = arith.index_cast %swap3A_415 : i32 to index
        %swap3A_418 = arith.index_cast %scan3A_168 : i32 to index
        %swap3A_419 = arith.index_cast %swap3A_416 : i32 to index
        %swap3A_420 = arith.constant 32 : index
        %swap3A_421 = tpu.vector_load %arg6[%swap3A_417, %swap3A_418, %swap3A_419, %swap3A_420] {strides = array<i32>} : memref<2x16x8x64xf32, #tpu.memory_space<vmem>>, vector<16xf32>,
        tpu.vector_store %arg6[%swap3A_417, %swap3A_418, %swap3A_419, %swap3A_420], %mul3A_414 {strides = array<i32>} : memref<2x16x8x64xf32, #tpu.memory_space<vmem>>, vector<16xf32>,
        %get3A_422 = arith.constant 0 : i32
        %get3A_423 = arith.constant 3 : i32
        %get3A_424 = arith.index_cast %get3A_422 : i32 to index
        %get3A_425 = arith.index_cast %scan3A_168 : i32 to index
        %get3A_426 = arith.index_cast %get3A_423 : i32 to index
        %get3A_427 = arith.constant 48 : index
        %get3A_428 = tpu.vector_load %arg6[%get3A_424, %get3A_425, %get3A_426, %get3A_427] {strides = array<i32>} : memref<2x16x8x64xf32, #tpu.memory_space<vmem>>, vector<16xf32>,
        %mul3A_429 = arith.constant 8.000000e+00 : f32
        %mul3A_430 = vector.broadcast %mul3A_429 : f32 to vector<16xf32>
        %mul3A_431 = arith.mulf %get3A_428, %mul3A_430 : vector<16xf32>
        %swap3A_432 = arith.constant 0 : i32
        %swap3A_433 = arith.constant 3 : i32
        %swap3A_434 = arith.index_cast %swap3A_432 : i32 to index
        %swap3A_435 = arith.index_cast %scan3A_168 : i32 to index
        %swap3A_436 = arith.index_cast %swap3A_433 : i32 to index
        %swap3A_437 = arith.constant 48 : index
        %swap3A_438 = tpu.vector_load %arg6[%swap3A_434, %swap3A_435, %swap3A_436, %swap3A_437] {strides = array<i32>} : memref<2x16x8x64xf32, #tpu.memory_space<vmem>>, vector<16xf32>,
        tpu.vector_store %arg6[%swap3A_434, %swap3A_435, %swap3A_436, %swap3A_437], %mul3A_431 {strides = array<i32>} : memref<2x16x8x64xf32, #tpu.memory_space<vmem>>, vector<16xf32>,
        %get3A_439 = arith.constant 0 : i32
        %get3A_440 = arith.constant 4 : i32
        %get3A_441 = arith.index_cast %get3A_439 : i32 to index
        %get3A_442 = arith.index_cast %scan3A_168 : i32 to index
        %get3A_443 = arith.index_cast %get3A_440 : i32 to index
        %get3A_444 = arith.constant 0 : index
        %get3A_445 = tpu.vector_load %arg6[%get3A_441, %get3A_442, %get3A_443, %get3A_444] {strides = array<i32>} : memref<2x16x8x64xf32, #tpu.memory_space<vmem>>, vector<16xf32>,
        %mul3A_446 = arith.constant 8.000000e+00 : f32
        %mul3A_447 = vector.broadcast %mul3A_446 : f32 to vector<16xf32>
        %mul3A_448 = arith.mulf %get3A_445, %mul3A_447 : vector<16xf32>
        %swap3A_449 = arith.constant 0 : i32
        %swap3A_450 = arith.constant 4 : i32
        %swap3A_451 = arith.index_cast %swap3A_449 : i32 to index
        %swap3A_452 = arith.index_cast %scan3A_168 : i32 to index
        %swap3A_453 = arith.index_cast %swap3A_450 : i32 to index
        %swap3A_454 = arith.constant 0 : index
        %swap3A_455 = tpu.vector_load %arg6[%swap3A_451, %swap3A_452, %swap3A_453, %swap3A_454] {strides = array<i32>} : memref<2x16x8x64xf32, #tpu.memory_space<vmem>>, vector<16xf32>,
        tpu.vector_store %arg6[%swap3A_451, %swap3A_452, %swap3A_453, %swap3A_454], %mul3A_448 {strides = array<i32>} : memref<2x16x8x64xf32, #tpu.memory_space<vmem>>, vector<16xf32>,
        %get3A_456 = arith.constant 0 : i32
        %get3A_457 = arith.constant 4 : i32
        %get3A_458 = arith.index_cast %get3A_456 : i32 to index
        %get3A_459 = arith.index_cast %scan3A_168 : i32 to index
        %get3A_460 = arith.index_cast %get3A_457 : i32 to index
        %get3A_461 = arith.constant 16 : index
        %get3A_462 = tpu.vector_load %arg6[%get3A_458, %get3A_459, %get3A_460, %get3A_461] {strides = array<i32>} : memref<2x16x8x64xf32, #tpu.memory_space<vmem>>, vector<16xf32>,
        %mul3A_463 = arith.constant 8.000000e+00 : f32
        %mul3A_464 = vector.broadcast %mul3A_463 : f32 to vector<16xf32>
        %mul3A_465 = arith.mulf %get3A_462, %mul3A_464 : vector<16xf32>
        %swap3A_466 = arith.constant 0 : i32
        %swap3A_467 = arith.constant 4 : i32
        %swap3A_468 = arith.index_cast %swap3A_466 : i32 to index
        %swap3A_469 = arith.index_cast %scan3A_168 : i32 to index
        %swap3A_470 = arith.index_cast %swap3A_467 : i32 to index
        %swap3A_471 = arith.constant 16 : index
        %swap3A_472 = tpu.vector_load %arg6[%swap3A_468, %swap3A_469, %swap3A_470, %swap3A_471] {strides = array<i32>} : memref<2x16x8x64xf32, #tpu.memory_space<vmem>>, vector<16xf32>,
        tpu.vector_store %arg6[%swap3A_468, %swap3A_469, %swap3A_470, %swap3A_471], %mul3A_465 {strides = array<i32>} : memref<2x16x8x64xf32, #tpu.memory_space<vmem>>, vector<16xf32>,
        %get3A_473 = arith.constant 0 : i32
        %get3A_474 = arith.constant 4 : i32
        %get3A_475 = arith.index_cast %get3A_473 : i32 to index
        %get3A_476 = arith.index_cast %scan3A_168 : i32 to index
        %get3A_477 = arith.index_cast %get3A_474 : i32 to index
        %get3A_478 = arith.constant 32 : index
        %get3A_479 = tpu.vector_load %arg6[%get3A_475, %get3A_476, %get3A_477, %get3A_478] {strides = array<i32>} : memref<2x16x8x64xf32, #tpu.memory_space<vmem>>, vector<16xf32>,
        %mul3A_480 = arith.constant 8.000000e+00 : f32
        %mul3A_481 = vector.broadcast %mul3A_480 : f32 to vector<16xf32>
        %mul3A_482 = arith.mulf %get3A_479, %mul3A_481 : vector<16xf32>
        %swap3A_483 = arith.constant 0 : i32
        %swap3A_484 = arith.constant 4 : i32
        %swap3A_485 = arith.index_cast %swap3A_483 : i32 to index
        %swap3A_486 = arith.index_cast %scan3A_168 : i32 to index
        %swap3A_487 = arith.index_cast %swap3A_484 : i32 to index
        %swap3A_488 = arith.constant 32 : index
        %swap3A_489 = tpu.vector_load %arg6[%swap3A_485, %swap3A_486, %swap3A_487, %swap3A_488] {strides = array<i32>} : memref<2x16x8x64xf32, #tpu.memory_space<vmem>>, vector<16xf32>,
        tpu.vector_store %arg6[%swap3A_485, %swap3A_486, %swap3A_487, %swap3A_488], %mul3A_482 {strides = array<i32>} : memref<2x16x8x64xf32, #tpu.memory_space<vmem>>, vector<16xf32>,
        %get3A_490 = arith.constant 0 : i32
        %get3A_491 = arith.constant 4 : i32
        %get3A_492 = arith.index_cast %get3A_490 : i32 to index
        %get3A_493 = arith.index_cast %scan3A_168 : i32 to index
        %get3A_494 = arith.index_cast %get3A_491 : i32 to index
        %get3A_495 = arith.constant 48 : index
        %get3A_496 = tpu.vector_load %arg6[%get3A_492, %get3A_493, %get3A_494, %get3A_495] {strides = array<i32>} : memref<2x16x8x64xf32, #tpu.memory_space<vmem>>, vector<16xf32>,
        %mul3A_497 = arith.constant 8.000000e+00 : f32
        %mul3A_498 = vector.broadcast %mul3A_497 : f32 to vector<16xf32>
        %mul3A_499 = arith.mulf %get3A_496, %mul3A_498 : vector<16xf32>
        %swap3A_500 = arith.constant 0 : i32
        %swap3A_501 = arith.constant 4 : i32
        %swap3A_502 = arith.index_cast %swap3A_500 : i32 to index
        %swap3A_503 = arith.index_cast %scan3A_168 : i32 to index
        %swap3A_504 = arith.index_cast %swap3A_501 : i32 to index
        %swap3A_505 = arith.constant 48 : index
        %swap3A_506 = tpu.vector_load %arg6[%swap3A_502, %swap3A_503, %swap3A_504, %swap3A_505] {strides = array<i32>} : memref<2x16x8x64xf32, #tpu.memory_space<vmem>>, vector<16xf32>,
        tpu.vector_store %arg6[%swap3A_502, %swap3A_503, %swap3A_504, %swap3A_505], %mul3A_499 {strides = array<i32>} : memref<2x16x8x64xf32, #tpu.memory_space<vmem>>, vector<16xf32>,
        %get3A_507 = arith.constant 0 : i32
        %get3A_508 = arith.constant 5 : i32
        %get3A_509 = arith.index_cast %get3A_507 : i32 to index
        %get3A_510 = arith.index_cast %scan3A_168 : i32 to index
        %get3A_511 = arith.index_cast %get3A_508 : i32 to index
        %get3A_512 = arith.constant 0 : index
        %get3A_513 = tpu.vector_load %arg6[%get3A_509, %get3A_510, %get3A_511, %get3A_512] {strides = array<i32>} : memref<2x16x8x64xf32, #tpu.memory_space<vmem>>, vector<16xf32>,
        %mul3A_514 = arith.constant 8.000000e+00 : f32
        %mul3A_515 = vector.broadcast %mul3A_514 : f32 to vector<16xf32>
        %mul3A_516 = arith.mulf %get3A_513, %mul3A_515 : vector<16xf32>
        %swap3A_517 = arith.constant 0 : i32
        %swap3A_518 = arith.constant 5 : i32
        %swap3A_519 = arith.index_cast %swap3A_517 : i32 to index
        %swap3A_520 = arith.index_cast %scan3A_168 : i32 to index
        %swap3A_521 = arith.index_cast %swap3A_518 : i32 to index
        %swap3A_522 = arith.constant 0 : index
        %swap3A_523 = tpu.vector_load %arg6[%swap3A_519, %swap3A_520, %swap3A_521, %swap3A_522] {strides = array<i32>} : memref<2x16x8x64xf32, #tpu.memory_space<vmem>>, vector<16xf32>,
        tpu.vector_store %arg6[%swap3A_519, %swap3A_520, %swap3A_521, %swap3A_522], %mul3A_516 {strides = array<i32>} : memref<2x16x8x64xf32, #tpu.memory_space<vmem>>, vector<16xf32>,
        %get3A_524 = arith.constant 0 : i32
        %get3A_525 = arith.constant 5 : i32
        %get3A_526 = arith.index_cast %get3A_524 : i32 to index
        %get3A_527 = arith.index_cast %scan3A_168 : i32 to index
        %get3A_528 = arith.index_cast %get3A_525 : i32 to index
        %get3A_529 = arith.constant 16 : index
        %get3A_530 = tpu.vector_load %arg6[%get3A_526, %get3A_527, %get3A_528, %get3A_529] {strides = array<i32>} : memref<2x16x8x64xf32, #tpu.memory_space<vmem>>, vector<16xf32>,
        %mul3A_531 = arith.constant 8.000000e+00 : f32
        %mul3A_532 = vector.broadcast %mul3A_531 : f32 to vector<16xf32>
        %mul3A_533 = arith.mulf %get3A_530, %mul3A_532 : vector<16xf32>
        %swap3A_534 = arith.constant 0 : i32
        %swap3A_535 = arith.constant 5 : i32
        %swap3A_536 = arith.index_cast %swap3A_534 : i32 to index
        %swap3A_537 = arith.index_cast %scan3A_168 : i32 to index
        %swap3A_538 = arith.index_cast %swap3A_535 : i32 to index
        %swap3A_539 = arith.constant 16 : index
        %swap3A_540 = tpu.vector_load %arg6[%swap3A_536, %swap3A_537, %swap3A_538, %swap3A_539] {strides = array<i32>} : memref<2x16x8x64xf32, #tpu.memory_space<vmem>>, vector<16xf32>,
        tpu.vector_store %arg6[%swap3A_536, %swap3A_537, %swap3A_538, %swap3A_539], %mul3A_533 {strides = array<i32>} : memref<2x16x8x64xf32, #tpu.memory_space<vmem>>, vector<16xf32>,
        %get3A_541 = arith.constant 0 : i32
        %get3A_542 = arith.constant 5 : i32
        %get3A_543 = arith.index_cast %get3A_541 : i32 to index
        %get3A_544 = arith.index_cast %scan3A_168 : i32 to index
        %get3A_545 = arith.index_cast %get3A_542 : i32 to index
        %get3A_546 = arith.constant 32 : index
        %get3A_547 = tpu.vector_load %arg6[%get3A_543, %get3A_544, %get3A_545, %get3A_546] {strides = array<i32>} : memref<2x16x8x64xf32, #tpu.memory_space<vmem>>, vector<16xf32>,
        %mul3A_548 = arith.constant 8.000000e+00 : f32
        %mul3A_549 = vector.broadcast %mul3A_548 : f32 to vector<16xf32>
        %mul3A_550 = arith.mulf %get3A_547, %mul3A_549 : vector<16xf32>
        %swap3A_551 = arith.constant 0 : i32
        %swap3A_552 = arith.constant 5 : i32
        %swap3A_553 = arith.index_cast %swap3A_551 : i32 to index
        %swap3A_554 = arith.index_cast %scan3A_168 : i32 to index
        %swap3A_555 = arith.index_cast %swap3A_552 : i32 to index
        %swap3A_556 = arith.constant 32 : index
        %swap3A_557 = tpu.vector_load %arg6[%swap3A_553, %swap3A_554, %swap3A_555, %swap3A_556] {strides = array<i32>} : memref<2x16x8x64xf32, #tpu.memory_space<vmem>>, vector<16xf32>,
        tpu.vector_store %arg6[%swap3A_553, %swap3A_554, %swap3A_555, %swap3A_556], %mul3A_550 {strides = array<i32>} : memref<2x16x8x64xf32, #tpu.memory_space<vmem>>, vector<16xf32>,
        %get3A_558 = arith.constant 0 : i32
        %get3A_559 = arith.constant 5 : i32
        %get3A_560 = arith.index_cast %get3A_558 : i32 to index
        %get3A_561 = arith.index_cast %scan3A_168 : i32 to index
        %get3A_562 = arith.index_cast %get3A_559 : i32 to index
        %get3A_563 = arith.constant 48 : index
        %get3A_564 = tpu.vector_load %arg6[%get3A_560, %get3A_561, %get3A_562, %get3A_563] {strides = array<i32>} : memref<2x16x8x64xf32, #tpu.memory_space<vmem>>, vector<16xf32>,
        %mul3A_565 = arith.constant 8.000000e+00 : f32
        %mul3A_566 = vector.broadcast %mul3A_565 : f32 to vector<16xf32>
        %mul3A_567 = arith.mulf %get3A_564, %mul3A_566 : vector<16xf32>
        %swap3A_568 = arith.constant 0 : i32
        %swap3A_569 = arith.constant 5 : i32
        %swap3A_570 = arith.index_cast %swap3A_568 : i32 to index
        %swap3A_571 = arith.index_cast %scan3A_168 : i32 to index
        %swap3A_572 = arith.index_cast %swap3A_569 : i32 to index
        %swap3A_573 = arith.constant 48 : index
        %swap3A_574 = tpu.vector_load %arg6[%swap3A_570, %swap3A_571, %swap3A_572, %swap3A_573] {strides = array<i32>} : memref<2x16x8x64xf32, #tpu.memory_space<vmem>>, vector<16xf32>,
        tpu.vector_store %arg6[%swap3A_570, %swap3A_571, %swap3A_572, %swap3A_573], %mul3A_567 {strides = array<i32>} : memref<2x16x8x64xf32, #tpu.memory_space<vmem>>, vector<16xf32>,
        %get3A_575 = arith.constant 0 : i32
        %get3A_576 = arith.constant 6 : i32
        %get3A_577 = arith.index_cast %get3A_575 : i32 to index
        %get3A_578 = arith.index_cast %scan3A_168 : i32 to index
        %get3A_579 = arith.index_cast %get3A_576 : i32 to index
        %get3A_580 = arith.constant 0 : index
        %get3A_581 = tpu.vector_load %arg6[%get3A_577, %get3A_578, %get3A_579, %get3A_580] {strides = array<i32>} : memref<2x16x8x64xf32, #tpu.memory_space<vmem>>, vector<16xf32>,
        %mul3A_582 = arith.constant 8.000000e+00 : f32
        %mul3A_583 = vector.broadcast %mul3A_582 : f32 to vector<16xf32>
        %mul3A_584 = arith.mulf %get3A_581, %mul3A_583 : vector<16xf32>
        %swap3A_585 = arith.constant 0 : i32
        %swap3A_586 = arith.constant 6 : i32
        %swap3A_587 = arith.index_cast %swap3A_585 : i32 to index
        %swap3A_588 = arith.index_cast %scan3A_168 : i32 to index
        %swap3A_589 = arith.index_cast %swap3A_586 : i32 to index
        %swap3A_590 = arith.constant 0 : index
        %swap3A_591 = tpu.vector_load %arg6[%swap3A_587, %swap3A_588, %swap3A_589, %swap3A_590] {strides = array<i32>} : memref<2x16x8x64xf32, #tpu.memory_space<vmem>>, vector<16xf32>,
        tpu.vector_store %arg6[%swap3A_587, %swap3A_588, %swap3A_589, %swap3A_590], %mul3A_584 {strides = array<i32>} : memref<2x16x8x64xf32, #tpu.memory_space<vmem>>, vector<16xf32>,
        %get3A_592 = arith.constant 0 : i32
        %get3A_593 = arith.constant 6 : i32
        %get3A_594 = arith.index_cast %get3A_592 : i32 to index
        %get3A_595 = arith.index_cast %scan3A_168 : i32 to index
        %get3A_596 = arith.index_cast %get3A_593 : i32 to index
        %get3A_597 = arith.constant 16 : index
        %get3A_598 = tpu.vector_load %arg6[%get3A_594, %get3A_595, %get3A_596, %get3A_597] {strides = array<i32>} : memref<2x16x8x64xf32, #tpu.memory_space<vmem>>, vector<16xf32>,
        %mul3A_599 = arith.constant 8.000000e+00 : f32
        %mul3A_600 = vector.broadcast %mul3A_599 : f32 to vector<16xf32>
        %mul3A_601 = arith.mulf %get3A_598, %mul3A_600 : vector<16xf32>
        %swap3A_602 = arith.constant 0 : i32
        %swap3A_603 = arith.constant 6 : i32
        %swap3A_604 = arith.index_cast %swap3A_602 : i32 to index
        %swap3A_605 = arith.index_cast %scan3A_168 : i32 to index
        %swap3A_606 = arith.index_cast %swap3A_603 : i32 to index
        %swap3A_607 = arith.constant 16 : index
        %swap3A_608 = tpu.vector_load %arg6[%swap3A_604, %swap3A_605, %swap3A_606, %swap3A_607] {strides = array<i32>} : memref<2x16x8x64xf32, #tpu.memory_space<vmem>>, vector<16xf32>,
        tpu.vector_store %arg6[%swap3A_604, %swap3A_605, %swap3A_606, %swap3A_607], %mul3A_601 {strides = array<i32>} : memref<2x16x8x64xf32, #tpu.memory_space<vmem>>, vector<16xf32>,
        %get3A_609 = arith.constant 0 : i32
        %get3A_610 = arith.constant 6 : i32
        %get3A_611 = arith.index_cast %get3A_609 : i32 to index
        %get3A_612 = arith.index_cast %scan3A_168 : i32 to index
        %get3A_613 = arith.index_cast %get3A_610 : i32 to index
        %get3A_614 = arith.constant 32 : index
        %get3A_615 = tpu.vector_load %arg6[%get3A_611, %get3A_612, %get3A_613, %get3A_614] {strides = array<i32>} : memref<2x16x8x64xf32, #tpu.memory_space<vmem>>, vector<16xf32>,
        %mul3A_616 = arith.constant 8.000000e+00 : f32
        %mul3A_617 = vector.broadcast %mul3A_616 : f32 to vector<16xf32>
        %mul3A_618 = arith.mulf %get3A_615, %mul3A_617 : vector<16xf32>
        %swap3A_619 = arith.constant 0 : i32
        %swap3A_620 = arith.constant 6 : i32
        %swap3A_621 = arith.index_cast %swap3A_619 : i32 to index
        %swap3A_622 = arith.index_cast %scan3A_168 : i32 to index
        %swap3A_623 = arith.index_cast %swap3A_620 : i32 to index
        %swap3A_624 = arith.constant 32 : index
        %swap3A_625 = tpu.vector_load %arg6[%swap3A_621, %swap3A_622, %swap3A_623, %swap3A_624] {strides = array<i32>} : memref<2x16x8x64xf32, #tpu.memory_space<vmem>>, vector<16xf32>,
        tpu.vector_store %arg6[%swap3A_621, %swap3A_622, %swap3A_623, %swap3A_624], %mul3A_618 {strides = array<i32>} : memref<2x16x8x64xf32, #tpu.memory_space<vmem>>, vector<16xf32>,
        %get3A_626 = arith.constant 0 : i32
        %get3A_627 = arith.constant 6 : i32
        %get3A_628 = arith.index_cast %get3A_626 : i32 to index
        %get3A_629 = arith.index_cast %scan3A_168 : i32 to index
        %get3A_630 = arith.index_cast %get3A_627 : i32 to index
        %get3A_631 = arith.constant 48 : index
        %get3A_632 = tpu.vector_load %arg6[%get3A_628, %get3A_629, %get3A_630, %get3A_631] {strides = array<i32>} : memref<2x16x8x64xf32, #tpu.memory_space<vmem>>, vector<16xf32>,
        %mul3A_633 = arith.constant 8.000000e+00 : f32
        %mul3A_634 = vector.broadcast %mul3A_633 : f32 to vector<16xf32>
        %mul3A_635 = arith.mulf %get3A_632, %mul3A_634 : vector<16xf32>
        %swap3A_636 = arith.constant 0 : i32
        %swap3A_637 = arith.constant 6 : i32
        %swap3A_638 = arith.index_cast %swap3A_636 : i32 to index
        %swap3A_639 = arith.index_cast %scan3A_168 : i32 to index
        %swap3A_640 = arith.index_cast %swap3A_637 : i32 to index
        %swap3A_641 = arith.constant 48 : index
        %swap3A_642 = tpu.vector_load %arg6[%swap3A_638, %swap3A_639, %swap3A_640, %swap3A_641] {strides = array<i32>} : memref<2x16x8x64xf32, #tpu.memory_space<vmem>>, vector<16xf32>,
        tpu.vector_store %arg6[%swap3A_638, %swap3A_639, %swap3A_640, %swap3A_641], %mul3A_635 {strides = array<i32>} : memref<2x16x8x64xf32, #tpu.memory_space<vmem>>, vector<16xf32>,
        %get3A_643 = arith.constant 0 : i32
        %get3A_644 = arith.constant 7 : i32
        %get3A_645 = arith.index_cast %get3A_643 : i32 to index
        %get3A_646 = arith.index_cast %scan3A_168 : i32 to index
        %get3A_647 = arith.index_cast %get3A_644 : i32 to index
        %get3A_648 = arith.constant 0 : index
        %get3A_649 = tpu.vector_load %arg6[%get3A_645, %get3A_646, %get3A_647, %get3A_648] {strides = array<i32>} : memref<2x16x8x64xf32, #tpu.memory_space<vmem>>, vector<16xf32>,
        %mul3A_650 = arith.constant 8.000000e+00 : f32
        %mul3A_651 = vector.broadcast %mul3A_650 : f32 to vector<16xf32>
        %mul3A_652 = arith.mulf %get3A_649, %mul3A_651 : vector<16xf32>
        %swap3A_653 = arith.constant 0 : i32
        %swap3A_654 = arith.constant 7 : i32
        %swap3A_655 = arith.index_cast %swap3A_653 : i32 to index
        %swap3A_656 = arith.index_cast %scan3A_168 : i32 to index
        %swap3A_657 = arith.index_cast %swap3A_654 : i32 to index
        %swap3A_658 = arith.constant 0 : index
        %swap3A_659 = tpu.vector_load %arg6[%swap3A_655, %swap3A_656, %swap3A_657, %swap3A_658] {strides = array<i32>} : memref<2x16x8x64xf32, #tpu.memory_space<vmem>>, vector<16xf32>,
        tpu.vector_store %arg6[%swap3A_655, %swap3A_656, %swap3A_657, %swap3A_658], %mul3A_652 {strides = array<i32>} : memref<2x16x8x64xf32, #tpu.memory_space<vmem>>, vector<16xf32>,
        %get3A_660 = arith.constant 0 : i32
        %get3A_661 = arith.constant 7 : i32
        %get3A_662 = arith.index_cast %get3A_660 : i32 to index
        %get3A_663 = arith.index_cast %scan3A_168 : i32 to index
        %get3A_664 = arith.index_cast %get3A_661 : i32 to index
        %get3A_665 = arith.constant 16 : index
        %get3A_666 = tpu.vector_load %arg6[%get3A_662, %get3A_663, %get3A_664, %get3A_665] {strides = array<i32>} : memref<2x16x8x64xf32, #tpu.memory_space<vmem>>, vector<16xf32>,
        %mul3A_667 = arith.constant 8.000000e+00 : f32
        %mul3A_668 = vector.broadcast %mul3A_667 : f32 to vector<16xf32>
        %mul3A_669 = arith.mulf %get3A_666, %mul3A_668 : vector<16xf32>
        %swap3A_670 = arith.constant 0 : i32
        %swap3A_671 = arith.constant 7 : i32
        %swap3A_672 = arith.index_cast %swap3A_670 : i32 to index
        %swap3A_673 = arith.index_cast %scan3A_168 : i32 to index
        %swap3A_674 = arith.index_cast %swap3A_671 : i32 to index
        %swap3A_675 = arith.constant 16 : index
        %swap3A_676 = tpu.vector_load %arg6[%swap3A_672, %swap3A_673, %swap3A_674, %swap3A_675] {strides = array<i32>} : memref<2x16x8x64xf32, #tpu.memory_space<vmem>>, vector<16xf32>,
        tpu.vector_store %arg6[%swap3A_672, %swap3A_673, %swap3A_674, %swap3A_675], %mul3A_669 {strides = array<i32>} : memref<2x16x8x64xf32, #tpu.memory_space<vmem>>, vector<16xf32>,
        %get3A_677 = arith.constant 0 : i32
        %get3A_678 = arith.constant 7 : i32
        %get3A_679 = arith.index_cast %get3A_677 : i32 to index
        %get3A_680 = arith.index_cast %scan3A_168 : i32 to index
        %get3A_681 = arith.index_cast %get3A_678 : i32 to index
        %get3A_682 = arith.constant 32 : index
        %get3A_683 = tpu.vector_load %arg6[%get3A_679, %get3A_680, %get3A_681, %get3A_682] {strides = array<i32>} : memref<2x16x8x64xf32, #tpu.memory_space<vmem>>, vector<16xf32>,
        %mul3A_684 = arith.constant 8.000000e+00 : f32
        %mul3A_685 = vector.broadcast %mul3A_684 : f32 to vector<16xf32>
        %mul3A_686 = arith.mulf %get3A_683, %mul3A_685 : vector<16xf32>
        %swap3A_687 = arith.constant 0 : i32
        %swap3A_688 = arith.constant 7 : i32
        %swap3A_689 = arith.index_cast %swap3A_687 : i32 to index
        %swap3A_690 = arith.index_cast %scan3A_168 : i32 to index
        %swap3A_691 = arith.index_cast %swap3A_688 : i32 to index
        %swap3A_692 = arith.constant 32 : index
        %swap3A_693 = tpu.vector_load %arg6[%swap3A_689, %swap3A_690, %swap3A_691, %swap3A_692] {strides = array<i32>} : memref<2x16x8x64xf32, #tpu.memory_space<vmem>>, vector<16xf32>,
        tpu.vector_store %arg6[%swap3A_689, %swap3A_690, %swap3A_691, %swap3A_692], %mul3A_686 {strides = array<i32>} : memref<2x16x8x64xf32, #tpu.memory_space<vmem>>, vector<16xf32>,
        %get3A_694 = arith.constant 0 : i32
        %get3A_695 = arith.constant 7 : i32
        %get3A_696 = arith.index_cast %get3A_694 : i32 to index
        %get3A_697 = arith.index_cast %scan3A_168 : i32 to index
        %get3A_698 = arith.index_cast %get3A_695 : i32 to index
        %get3A_699 = arith.constant 48 : index
        %get3A_700 = tpu.vector_load %arg6[%get3A_696, %get3A_697, %get3A_698, %get3A_699] {strides = array<i32>} : memref<2x16x8x64xf32, #tpu.memory_space<vmem>>, vector<16xf32>,
        %mul3A_701 = arith.constant 8.000000e+00 : f32
        %mul3A_702 = vector.broadcast %mul3A_701 : f32 to vector<16xf32>
        %mul3A_703 = arith.mulf %get3A_700, %mul3A_702 : vector<16xf32>
        %swap3A_704 = arith.constant 0 : i32
        %swap3A_705 = arith.constant 7 : i32
        %swap3A_706 = arith.index_cast %swap3A_704 : i32 to index
        %swap3A_707 = arith.index_cast %scan3A_168 : i32 to index
        %swap3A_708 = arith.index_cast %swap3A_705 : i32 to index
        %swap3A_709 = arith.constant 48 : index
        %swap3A_710 = tpu.vector_load %arg6[%swap3A_706, %swap3A_707, %swap3A_708, %swap3A_709] {strides = array<i32>} : memref<2x16x8x64xf32, #tpu.memory_space<vmem>>, vector<16xf32>,
        tpu.vector_store %arg6[%swap3A_706, %swap3A_707, %swap3A_708, %swap3A_709], %mul3A_703 {strides = array<i32>} : memref<2x16x8x64xf32, #tpu.memory_space<vmem>>, vector<16xf32>,
      }
      %scan3A_90 = arith.constant 16 : i32
      %dma_start3A = arith.constant 0 : i32
      %dma_start3A_91 = arith.constant 0 : i32
      %dma_start3A_92 = arith.constant 0 : i32
      %dma_start3A_93 = arith.constant 0 : i32
      %dma_start3A_94 = tpu.memref_slice %arg6[%dma_start3A, %dma_start3A_91, %dma_start3A_92, %dma_start3A_93] : memref<2x16x8x64xf32, #tpu.memory_space<vmem>> -> memref<1x16x8x64xf32, #tpu.memory_space<vmem>>
      %dma_start3A_95 = tpu.memref_squeeze %dma_start3A_94 : memref<1x16x8x64xf32, #tpu.memory_space<vmem>> -> memref<16x8x64xf32, #tpu.memory_space<vmem>>
      %dma_start3A_96 = arith.constant 0 : i32
      %dma_start3A_97 = arith.constant 0 : i32
      %dma_start3A_98 = arith.constant 0 : i32
      %dma_start3A_99 = tpu.memref_slice %arg4[%add3A_61, %add3A, %dma_start3A_96, %dma_start3A_97, %dma_start3A_98] : memref<50x32x16x8x64xf32, #tpu.memory_space<hbm>> -> memref<1x1x16x8x64xf32, #tpu.memory_space<hbm>>
      %dma_start3A_100 = tpu.memref_squeeze %dma_start3A_99 : memref<1x1x16x8x64xf32, #tpu.memory_space<hbm>> -> memref<16x8x64xf32, #tpu.memory_space<hbm>>
      %dma_start3A_101 = arith.constant 0 : i32
      %dma_start3A_102 = arith.constant 0 : i32
      %dma_start3A_103 = arith.constant 0 : i32
      %dma_start3A_104 = tpu.memref_slice %arg4[%add3A_61, %add3A, %dma_start3A_101, %dma_start3A_102, %dma_start3A_103] : memref<50x32x16x8x64xf32, #tpu.memory_space<hbm>> -> memref<1x1x16x8x64xf32, #tpu.memory_space<hbm>>
      %dma_start3A_105 = tpu.memref_squeeze %dma_start3A_104 : memref<1x1x16x8x64xf32, #tpu.memory_space<hbm>> -> memref<16x8x64xf32, #tpu.memory_space<hbm>>
      %dma_start3A_106 = arith.constant 0 : i32
      %dma_start3A_107 = arith.constant 0 : i32
      %dma_start3A_108 = arith.constant 0 : i32
      %dma_start3A_109 = tpu.memref_slice %arg6[%dma_start3A, %dma_start3A_106, %dma_start3A_107, %dma_start3A_108] : memref<2x16x8x64xf32, #tpu.memory_space<vmem>> -> memref<1x16x8x64xf32, #tpu.memory_space<vmem>>
      %dma_start3A_110 = tpu.memref_squeeze %dma_start3A_109 : memref<1x16x8x64xf32, #tpu.memory_space<vmem>> -> memref<16x8x64xf32, #tpu.memory_space<vmem>>
      tpu.enqueue_dma source(%dma_start3A_110 : memref<16x8x64xf32, #tpu.memory_space<vmem>>) target(%dma_start3A_105 : memref<16x8x64xf32, #tpu.memory_space<hbm>>) target_semaphore(%arg9 : memref<!tpu.dma_semaphore, #tpu.memory_space<semaphore_mem>>)
      %mul3A_111 = arith.constant 2 : i32
      %mul3A_112 = arith.muli %mul3A_111, %scan3A_57 : i32
      %add3A_113 = arith.constant 1 : i32
      %add3A_114 = arith.addi %mul3A_112, %add3A_113 : i32
      %add3A_115 = arith.constant 1 : i32
      %add3A_116 = arith.addi %add3A_114, %add3A_115 : i32
      %lt3A_117 = arith.constant 50 : i32
      %lt3A_118 = arith.cmpi slt, %add3A_116, %lt3A_117 : i32
      %convert_element_type3A_119 = arith.extui %lt3A_118 : i1 to i32
      %cond3A_120 = arith.constant 0 : i32
      %cond3A_121 = arith.cmpi ne, %convert_element_type3A_119, %cond3A_120 : i32
      scf.if %cond3A_121 {
        %sub3A = arith.constant 1 : i32
        %sub3A_168 = arith.subi %add3A_114, %sub3A : i32
        %ge3A = arith.constant 0 : i32
        %ge3A_169 = arith.cmpi sge, %sub3A_168, %ge3A : i32
        %convert_element_type3A_170 = arith.extui %ge3A_169 : i1 to i32
        %cond3A_171 = arith.constant 0 : i32
        %cond3A_172 = arith.cmpi ne, %convert_element_type3A_170, %cond3A_171 : i32
        scf.if %cond3A_172 {
          %sub3A_181 = arith.constant 1 : i32
          %sub3A_182 = arith.subi %add3A_114, %sub3A_181 : i32
          %dma_wait3A_183 = arith.constant 0 : i32
          %dma_wait3A_184 = arith.constant 0 : i32
          %dma_wait3A_185 = arith.constant 0 : i32
          %dma_wait3A_186 = arith.constant 0 : i32
          %dma_wait3A_187 = tpu.memref_slice %arg6[%dma_wait3A_183, %dma_wait3A_184, %dma_wait3A_185, %dma_wait3A_186] : memref<2x16x8x64xf32, #tpu.memory_space<vmem>> -> memref<1x16x8x64xf32, #tpu.memory_space<vmem>>
          %dma_wait3A_188 = tpu.memref_squeeze %dma_wait3A_187 : memref<1x16x8x64xf32, #tpu.memory_space<vmem>> -> memref<16x8x64xf32, #tpu.memory_space<vmem>>
          %dma_wait3A_189 = arith.constant 0 : i32
          %dma_wait3A_190 = arith.constant 0 : i32
          %dma_wait3A_191 = arith.constant 0 : i32
          %dma_wait3A_192 = tpu.memref_slice %arg4[%sub3A_182, %add3A, %dma_wait3A_189, %dma_wait3A_190, %dma_wait3A_191] : memref<50x32x16x8x64xf32, #tpu.memory_space<hbm>> -> memref<1x1x16x8x64xf32, #tpu.memory_space<hbm>>
          %dma_wait3A_193 = tpu.memref_squeeze %dma_wait3A_192 : memref<1x1x16x8x64xf32, #tpu.memory_space<hbm>> -> memref<16x8x64xf32, #tpu.memory_space<hbm>>
          %dma_wait3A_194 = arith.constant 0 : i32
          %dma_wait3A_195 = arith.constant 0 : i32
          %dma_wait3A_196 = arith.constant 0 : i32
          %dma_wait3A_197 = tpu.memref_slice %arg4[%sub3A_182, %add3A, %dma_wait3A_194, %dma_wait3A_195, %dma_wait3A_196] : memref<50x32x16x8x64xf32, #tpu.memory_space<hbm>> -> memref<1x1x16x8x64xf32, #tpu.memory_space<hbm>>
          %dma_wait3A_198 = tpu.memref_squeeze %dma_wait3A_197 : memref<1x1x16x8x64xf32, #tpu.memory_space<hbm>> -> memref<16x8x64xf32, #tpu.memory_space<hbm>>
          %dma_wait3A_199 = arith.constant 0 : i32
          %dma_wait3A_200 = arith.constant 0 : i32
          %dma_wait3A_201 = arith.constant 0 : i32
          %dma_wait3A_202 = tpu.memref_slice %arg6[%dma_wait3A_183, %dma_wait3A_199, %dma_wait3A_200, %dma_wait3A_201] : memref<2x16x8x64xf32, #tpu.memory_space<vmem>> -> memref<1x16x8x64xf32, #tpu.memory_space<vmem>>
          %dma_wait3A_203 = tpu.memref_squeeze %dma_wait3A_202 : memref<1x16x8x64xf32, #tpu.memory_space<vmem>> -> memref<16x8x64xf32, #tpu.memory_space<vmem>>
          tpu.wait_dma2 semaphore(%arg9 : memref<!tpu.dma_semaphore, #tpu.memory_space<semaphore_mem>>) src(%dma_wait3A_203 : memref<16x8x64xf32, #tpu.memory_space<vmem>>) dst(%dma_wait3A_198 : memref<16x8x64xf32, #tpu.memory_space<hbm>>)
        } else {
        }
        %add3A_173 = arith.constant 1 : i32
        %add3A_174 = arith.addi %add3A_114, %add3A_173 : i32
        %scan3A_175 = arith.constant 0 : i32
        %scan3A_176 = arith.constant 0 : i32
        %scan3A_177 = arith.constant 8 : i32
        %scan3A_178 = arith.addi %scan3A_176, %scan3A_177 : i32
        %scan3A_179 = arith.constant 1 : i32
        scf.for %scan3A_181 = %scan3A_176 to %scan3A_178 step %scan3A_179  : i32 {
          %mul3A_182 = arith.constant 16 : i32
          %mul3A_183 = arith.muli %scan3A_181, %mul3A_182 : i32
          %get3A = arith.index_cast %add3A_174 : i32 to index
          %get3A_184 = arith.index_cast %mul3A_183 : i32 to index
          %get3A_185 = tpu.vector_load %arg5[%get3A, %get3A_184] {strides = array<i32>} : memref<50x128xi32, #tpu.memory_space<vmem>>, vector<16xi32>,
          %shift_right_logical3A = arith.constant 3 : i32
          %shift_right_logical3A_186 = vector.broadcast %shift_right_logical3A : i32 to vector<16xi32>
          %shift_right_logical3A_187 = arith.shrui %get3A_185, %shift_right_logical3A_186 : vector<16xi32>
          %and3A = arith.constant 7 : i32
          %and3A_188 = vector.broadcast %and3A : i32 to vector<16xi32>
          %and3A_189 = arith.andi %get3A_185, %and3A_188 : vector<16xi32>
          %slice3A = vector.extract_strided_slice %shift_right_logical3A_187 {offsets = [0], sizes = [1], strides = [1]} : vector<16xi32> to vector<1xi32>
          %squeeze3A = vector.extract %slice3A[0] : i32 from vector<1xi32>
          %slice3A_190 = vector.extract_strided_slice %and3A_189 {offsets = [0], sizes = [1], strides = [1]} : vector<16xi32> to vector<1xi32>
          %squeeze3A_191 = vector.extract %slice3A_190[0] : i32 from vector<1xi32>
          %mul3A_192 = arith.constant 2 : i32
          %mul3A_193 = arith.muli %mul3A_192, %scan3A_181 : i32
          %add3A_194 = arith.constant 0 : i32
          %add3A_195 = arith.addi %mul3A_193, %add3A_194 : i32
          %dma_start3A_196 = arith.constant 0 : i32
          %dma_start3A_197 = arith.constant 0 : i32
          %dma_start3A_198 = arith.constant 0 : i32
          %dma_start3A_199 = tpu.memref_slice %arg6[%dma_start3A_196, %add3A_195, %dma_start3A_197, %dma_start3A_198] : memref<2x16x8x64xf32, #tpu.memory_space<vmem>> -> memref<1x1x1x64xf32, #tpu.memory_space<vmem>>
          %dma_start3A_200 = tpu.memref_squeeze %dma_start3A_199 : memref<1x1x1x64xf32, #tpu.memory_space<vmem>> -> memref<64xf32, #tpu.memory_space<vmem>>
          %dma_start3A_201 = arith.constant 0 : i32
          %dma_start3A_202 = tpu.memref_slice %arg3[%squeeze3A, %squeeze3A_191, %dma_start3A_201] : memref<125000x8x64xf32, #tpu.memory_space<hbm>> -> memref<1x1x64xf32, #tpu.memory_space<hbm>>
          %dma_start3A_203 = tpu.memref_squeeze %dma_start3A_202 : memref<1x1x64xf32, #tpu.memory_space<hbm>> -> memref<64xf32, #tpu.memory_space<hbm>>
          %dma_start3A_204 = arith.constant 0 : i32
          %dma_start3A_205 = tpu.memref_slice %arg6[%dma_start3A_196, %add3A_195, %dma_start3A_197, %dma_start3A_204] : memref<2x16x8x64xf32, #tpu.memory_space<vmem>> -> memref<1x1x1x64xf32, #tpu.memory_space<vmem>>
          %dma_start3A_206 = tpu.memref_squeeze %dma_start3A_205 : memref<1x1x1x64xf32, #tpu.memory_space<vmem>> -> memref<64xf32, #tpu.memory_space<vmem>>
          %dma_start3A_207 = arith.constant 0 : i32
          %dma_start3A_208 = tpu.memref_slice %arg3[%squeeze3A, %squeeze3A_191, %dma_start3A_207] : memref<125000x8x64xf32, #tpu.memory_space<hbm>> -> memref<1x1x64xf32, #tpu.memory_space<hbm>>
          %dma_start3A_209 = tpu.memref_squeeze %dma_start3A_208 : memref<1x1x64xf32, #tpu.memory_space<hbm>> -> memref<64xf32, #tpu.memory_space<hbm>>
          tpu.enqueue_dma source(%dma_start3A_209 : memref<64xf32, #tpu.memory_space<hbm>>) target(%dma_start3A_206 : memref<64xf32, #tpu.memory_space<vmem>>) target_semaphore(%arg7 : memref<!tpu.dma_semaphore, #tpu.memory_space<semaphore_mem>>)
          %slice3A_210 = vector.extract_strided_slice %shift_right_logical3A_187 {offsets = [1], sizes = [1], strides = [1]} : vector<16xi32> to vector<1xi32>
          %squeeze3A_211 = vector.extract %slice3A_210[0] : i32 from vector<1xi32>
          %slice3A_212 = vector.extract_strided_slice %and3A_189 {offsets = [1], sizes = [1], strides = [1]} : vector<16xi32> to vector<1xi32>
          %squeeze3A_213 = vector.extract %slice3A_212[0] : i32 from vector<1xi32>
          %mul3A_214 = arith.constant 2 : i32
          %mul3A_215 = arith.muli %mul3A_214, %scan3A_181 : i32
          %add3A_216 = arith.constant 0 : i32
          %add3A_217 = arith.addi %mul3A_215, %add3A_216 : i32
          %dma_start3A_218 = arith.constant 0 : i32
          %dma_start3A_219 = arith.constant 1 : i32
          %dma_start3A_220 = arith.constant 0 : i32
          %dma_start3A_221 = tpu.memref_slice %arg6[%dma_start3A_218, %add3A_217, %dma_start3A_219, %dma_start3A_220] : memref<2x16x8x64xf32, #tpu.memory_space<vmem>> -> memref<1x1x1x64xf32, #tpu.memory_space<vmem>>
          %dma_start3A_222 = tpu.memref_squeeze %dma_start3A_221 : memref<1x1x1x64xf32, #tpu.memory_space<vmem>> -> memref<64xf32, #tpu.memory_space<vmem>>
          %dma_start3A_223 = arith.constant 0 : i32
          %dma_start3A_224 = tpu.memref_slice %arg3[%squeeze3A_211, %squeeze3A_213, %dma_start3A_223] : memref<125000x8x64xf32, #tpu.memory_space<hbm>> -> memref<1x1x64xf32, #tpu.memory_space<hbm>>
          %dma_start3A_225 = tpu.memref_squeeze %dma_start3A_224 : memref<1x1x64xf32, #tpu.memory_space<hbm>> -> memref<64xf32, #tpu.memory_space<hbm>>
          %dma_start3A_226 = arith.constant 0 : i32
          %dma_start3A_227 = tpu.memref_slice %arg6[%dma_start3A_218, %add3A_217, %dma_start3A_219, %dma_start3A_226] : memref<2x16x8x64xf32, #tpu.memory_space<vmem>> -> memref<1x1x1x64xf32, #tpu.memory_space<vmem>>
          %dma_start3A_228 = tpu.memref_squeeze %dma_start3A_227 : memref<1x1x1x64xf32, #tpu.memory_space<vmem>> -> memref<64xf32, #tpu.memory_space<vmem>>
          %dma_start3A_229 = arith.constant 0 : i32
          %dma_start3A_230 = tpu.memref_slice %arg3[%squeeze3A_211, %squeeze3A_213, %dma_start3A_229] : memref<125000x8x64xf32, #tpu.memory_space<hbm>> -> memref<1x1x64xf32, #tpu.memory_space<hbm>>
          %dma_start3A_231 = tpu.memref_squeeze %dma_start3A_230 : memref<1x1x64xf32, #tpu.memory_space<hbm>> -> memref<64xf32, #tpu.memory_space<hbm>>
          tpu.enqueue_dma source(%dma_start3A_231 : memref<64xf32, #tpu.memory_space<hbm>>) target(%dma_start3A_228 : memref<64xf32, #tpu.memory_space<vmem>>) target_semaphore(%arg7 : memref<!tpu.dma_semaphore, #tpu.memory_space<semaphore_mem>>)
          %slice3A_232 = vector.extract_strided_slice %shift_right_logical3A_187 {offsets = [2], sizes = [1], strides = [1]} : vector<16xi32> to vector<1xi32>
          %squeeze3A_233 = vector.extract %slice3A_232[0] : i32 from vector<1xi32>
          %slice3A_234 = vector.extract_strided_slice %and3A_189 {offsets = [2], sizes = [1], strides = [1]} : vector<16xi32> to vector<1xi32>
          %squeeze3A_235 = vector.extract %slice3A_234[0] : i32 from vector<1xi32>
          %mul3A_236 = arith.constant 2 : i32
          %mul3A_237 = arith.muli %mul3A_236, %scan3A_181 : i32
          %add3A_238 = arith.constant 0 : i32
          %add3A_239 = arith.addi %mul3A_237, %add3A_238 : i32
          %dma_start3A_240 = arith.constant 0 : i32
          %dma_start3A_241 = arith.constant 2 : i32
          %dma_start3A_242 = arith.constant 0 : i32
          %dma_start3A_243 = tpu.memref_slice %arg6[%dma_start3A_240, %add3A_239, %dma_start3A_241, %dma_start3A_242] : memref<2x16x8x64xf32, #tpu.memory_space<vmem>> -> memref<1x1x1x64xf32, #tpu.memory_space<vmem>>
          %dma_start3A_244 = tpu.memref_squeeze %dma_start3A_243 : memref<1x1x1x64xf32, #tpu.memory_space<vmem>> -> memref<64xf32, #tpu.memory_space<vmem>>
          %dma_start3A_245 = arith.constant 0 : i32
          %dma_start3A_246 = tpu.memref_slice %arg3[%squeeze3A_233, %squeeze3A_235, %dma_start3A_245] : memref<125000x8x64xf32, #tpu.memory_space<hbm>> -> memref<1x1x64xf32, #tpu.memory_space<hbm>>
          %dma_start3A_247 = tpu.memref_squeeze %dma_start3A_246 : memref<1x1x64xf32, #tpu.memory_space<hbm>> -> memref<64xf32, #tpu.memory_space<hbm>>
          %dma_start3A_248 = arith.constant 0 : i32
          %dma_start3A_249 = tpu.memref_slice %arg6[%dma_start3A_240, %add3A_239, %dma_start3A_241, %dma_start3A_248] : memref<2x16x8x64xf32, #tpu.memory_space<vmem>> -> memref<1x1x1x64xf32, #tpu.memory_space<vmem>>
          %dma_start3A_250 = tpu.memref_squeeze %dma_start3A_249 : memref<1x1x1x64xf32, #tpu.memory_space<vmem>> -> memref<64xf32, #tpu.memory_space<vmem>>
          %dma_start3A_251 = arith.constant 0 : i32
          %dma_start3A_252 = tpu.memref_slice %arg3[%squeeze3A_233, %squeeze3A_235, %dma_start3A_251] : memref<125000x8x64xf32, #tpu.memory_space<hbm>> -> memref<1x1x64xf32, #tpu.memory_space<hbm>>
          %dma_start3A_253 = tpu.memref_squeeze %dma_start3A_252 : memref<1x1x64xf32, #tpu.memory_space<hbm>> -> memref<64xf32, #tpu.memory_space<hbm>>
          tpu.enqueue_dma source(%dma_start3A_253 : memref<64xf32, #tpu.memory_space<hbm>>) target(%dma_start3A_250 : memref<64xf32, #tpu.memory_space<vmem>>) target_semaphore(%arg7 : memref<!tpu.dma_semaphore, #tpu.memory_space<semaphore_mem>>)
          %slice3A_254 = vector.extract_strided_slice %shift_right_logical3A_187 {offsets = [3], sizes = [1], strides = [1]} : vector<16xi32> to vector<1xi32>
          %squeeze3A_255 = vector.extract %slice3A_254[0] : i32 from vector<1xi32>
          %slice3A_256 = vector.extract_strided_slice %and3A_189 {offsets = [3], sizes = [1], strides = [1]} : vector<16xi32> to vector<1xi32>
          %squeeze3A_257 = vector.extract %slice3A_256[0] : i32 from vector<1xi32>
          %mul3A_258 = arith.constant 2 : i32
          %mul3A_259 = arith.muli %mul3A_258, %scan3A_181 : i32
          %add3A_260 = arith.constant 0 : i32
          %add3A_261 = arith.addi %mul3A_259, %add3A_260 : i32
          %dma_start3A_262 = arith.constant 0 : i32
          %dma_start3A_263 = arith.constant 3 : i32
          %dma_start3A_264 = arith.constant 0 : i32
          %dma_start3A_265 = tpu.memref_slice %arg6[%dma_start3A_262, %add3A_261, %dma_start3A_263, %dma_start3A_264] : memref<2x16x8x64xf32, #tpu.memory_space<vmem>> -> memref<1x1x1x64xf32, #tpu.memory_space<vmem>>
          %dma_start3A_266 = tpu.memref_squeeze %dma_start3A_265 : memref<1x1x1x64xf32, #tpu.memory_space<vmem>> -> memref<64xf32, #tpu.memory_space<vmem>>
          %dma_start3A_267 = arith.constant 0 : i32
          %dma_start3A_268 = tpu.memref_slice %arg3[%squeeze3A_255, %squeeze3A_257, %dma_start3A_267] : memref<125000x8x64xf32, #tpu.memory_space<hbm>> -> memref<1x1x64xf32, #tpu.memory_space<hbm>>
          %dma_start3A_269 = tpu.memref_squeeze %dma_start3A_268 : memref<1x1x64xf32, #tpu.memory_space<hbm>> -> memref<64xf32, #tpu.memory_space<hbm>>
          %dma_start3A_270 = arith.constant 0 : i32
          %dma_start3A_271 = tpu.memref_slice %arg6[%dma_start3A_262, %add3A_261, %dma_start3A_263, %dma_start3A_270] : memref<2x16x8x64xf32, #tpu.memory_space<vmem>> -> memref<1x1x1x64xf32, #tpu.memory_space<vmem>>
          %dma_start3A_272 = tpu.memref_squeeze %dma_start3A_271 : memref<1x1x1x64xf32, #tpu.memory_space<vmem>> -> memref<64xf32, #tpu.memory_space<vmem>>
          %dma_start3A_273 = arith.constant 0 : i32
          %dma_start3A_274 = tpu.memref_slice %arg3[%squeeze3A_255, %squeeze3A_257, %dma_start3A_273] : memref<125000x8x64xf32, #tpu.memory_space<hbm>> -> memref<1x1x64xf32, #tpu.memory_space<hbm>>
          %dma_start3A_275 = tpu.memref_squeeze %dma_start3A_274 : memref<1x1x64xf32, #tpu.memory_space<hbm>> -> memref<64xf32, #tpu.memory_space<hbm>>
          tpu.enqueue_dma source(%dma_start3A_275 : memref<64xf32, #tpu.memory_space<hbm>>) target(%dma_start3A_272 : memref<64xf32, #tpu.memory_space<vmem>>) target_semaphore(%arg7 : memref<!tpu.dma_semaphore, #tpu.memory_space<semaphore_mem>>)
          %slice3A_276 = vector.extract_strided_slice %shift_right_logical3A_187 {offsets = [4], sizes = [1], strides = [1]} : vector<16xi32> to vector<1xi32>
          %squeeze3A_277 = vector.extract %slice3A_276[0] : i32 from vector<1xi32>
          %slice3A_278 = vector.extract_strided_slice %and3A_189 {offsets = [4], sizes = [1], strides = [1]} : vector<16xi32> to vector<1xi32>
          %squeeze3A_279 = vector.extract %slice3A_278[0] : i32 from vector<1xi32>
          %mul3A_280 = arith.constant 2 : i32
          %mul3A_281 = arith.muli %mul3A_280, %scan3A_181 : i32
          %add3A_282 = arith.constant 0 : i32
          %add3A_283 = arith.addi %mul3A_281, %add3A_282 : i32
          %dma_start3A_284 = arith.constant 0 : i32
          %dma_start3A_285 = arith.constant 4 : i32
          %dma_start3A_286 = arith.constant 0 : i32
          %dma_start3A_287 = tpu.memref_slice %arg6[%dma_start3A_284, %add3A_283, %dma_start3A_285, %dma_start3A_286] : memref<2x16x8x64xf32, #tpu.memory_space<vmem>> -> memref<1x1x1x64xf32, #tpu.memory_space<vmem>>
          %dma_start3A_288 = tpu.memref_squeeze %dma_start3A_287 : memref<1x1x1x64xf32, #tpu.memory_space<vmem>> -> memref<64xf32, #tpu.memory_space<vmem>>
          %dma_start3A_289 = arith.constant 0 : i32
          %dma_start3A_290 = tpu.memref_slice %arg3[%squeeze3A_277, %squeeze3A_279, %dma_start3A_289] : memref<125000x8x64xf32, #tpu.memory_space<hbm>> -> memref<1x1x64xf32, #tpu.memory_space<hbm>>
          %dma_start3A_291 = tpu.memref_squeeze %dma_start3A_290 : memref<1x1x64xf32, #tpu.memory_space<hbm>> -> memref<64xf32, #tpu.memory_space<hbm>>
          %dma_start3A_292 = arith.constant 0 : i32
          %dma_start3A_293 = tpu.memref_slice %arg6[%dma_start3A_284, %add3A_283, %dma_start3A_285, %dma_start3A_292] : memref<2x16x8x64xf32, #tpu.memory_space<vmem>> -> memref<1x1x1x64xf32, #tpu.memory_space<vmem>>
          %dma_start3A_294 = tpu.memref_squeeze %dma_start3A_293 : memref<1x1x1x64xf32, #tpu.memory_space<vmem>> -> memref<64xf32, #tpu.memory_space<vmem>>
          %dma_start3A_295 = arith.constant 0 : i32
          %dma_start3A_296 = tpu.memref_slice %arg3[%squeeze3A_277, %squeeze3A_279, %dma_start3A_295] : memref<125000x8x64xf32, #tpu.memory_space<hbm>> -> memref<1x1x64xf32, #tpu.memory_space<hbm>>
          %dma_start3A_297 = tpu.memref_squeeze %dma_start3A_296 : memref<1x1x64xf32, #tpu.memory_space<hbm>> -> memref<64xf32, #tpu.memory_space<hbm>>
          tpu.enqueue_dma source(%dma_start3A_297 : memref<64xf32, #tpu.memory_space<hbm>>) target(%dma_start3A_294 : memref<64xf32, #tpu.memory_space<vmem>>) target_semaphore(%arg7 : memref<!tpu.dma_semaphore, #tpu.memory_space<semaphore_mem>>)
          %slice3A_298 = vector.extract_strided_slice %shift_right_logical3A_187 {offsets = [5], sizes = [1], strides = [1]} : vector<16xi32> to vector<1xi32>
          %squeeze3A_299 = vector.extract %slice3A_298[0] : i32 from vector<1xi32>
          %slice3A_300 = vector.extract_strided_slice %and3A_189 {offsets = [5], sizes = [1], strides = [1]} : vector<16xi32> to vector<1xi32>
          %squeeze3A_301 = vector.extract %slice3A_300[0] : i32 from vector<1xi32>
          %mul3A_302 = arith.constant 2 : i32
          %mul3A_303 = arith.muli %mul3A_302, %scan3A_181 : i32
          %add3A_304 = arith.constant 0 : i32
          %add3A_305 = arith.addi %mul3A_303, %add3A_304 : i32
          %dma_start3A_306 = arith.constant 0 : i32
          %dma_start3A_307 = arith.constant 5 : i32
          %dma_start3A_308 = arith.constant 0 : i32
          %dma_start3A_309 = tpu.memref_slice %arg6[%dma_start3A_306, %add3A_305, %dma_start3A_307, %dma_start3A_308] : memref<2x16x8x64xf32, #tpu.memory_space<vmem>> -> memref<1x1x1x64xf32, #tpu.memory_space<vmem>>
          %dma_start3A_310 = tpu.memref_squeeze %dma_start3A_309 : memref<1x1x1x64xf32, #tpu.memory_space<vmem>> -> memref<64xf32, #tpu.memory_space<vmem>>
          %dma_start3A_311 = arith.constant 0 : i32
          %dma_start3A_312 = tpu.memref_slice %arg3[%squeeze3A_299, %squeeze3A_301, %dma_start3A_311] : memref<125000x8x64xf32, #tpu.memory_space<hbm>> -> memref<1x1x64xf32, #tpu.memory_space<hbm>>
          %dma_start3A_313 = tpu.memref_squeeze %dma_start3A_312 : memref<1x1x64xf32, #tpu.memory_space<hbm>> -> memref<64xf32, #tpu.memory_space<hbm>>
          %dma_start3A_314 = arith.constant 0 : i32
          %dma_start3A_315 = tpu.memref_slice %arg6[%dma_start3A_306, %add3A_305, %dma_start3A_307, %dma_start3A_314] : memref<2x16x8x64xf32, #tpu.memory_space<vmem>> -> memref<1x1x1x64xf32, #tpu.memory_space<vmem>>
          %dma_start3A_316 = tpu.memref_squeeze %dma_start3A_315 : memref<1x1x1x64xf32, #tpu.memory_space<vmem>> -> memref<64xf32, #tpu.memory_space<vmem>>
          %dma_start3A_317 = arith.constant 0 : i32
          %dma_start3A_318 = tpu.memref_slice %arg3[%squeeze3A_299, %squeeze3A_301, %dma_start3A_317] : memref<125000x8x64xf32, #tpu.memory_space<hbm>> -> memref<1x1x64xf32, #tpu.memory_space<hbm>>
          %dma_start3A_319 = tpu.memref_squeeze %dma_start3A_318 : memref<1x1x64xf32, #tpu.memory_space<hbm>> -> memref<64xf32, #tpu.memory_space<hbm>>
          tpu.enqueue_dma source(%dma_start3A_319 : memref<64xf32, #tpu.memory_space<hbm>>) target(%dma_start3A_316 : memref<64xf32, #tpu.memory_space<vmem>>) target_semaphore(%arg7 : memref<!tpu.dma_semaphore, #tpu.memory_space<semaphore_mem>>)
          %slice3A_320 = vector.extract_strided_slice %shift_right_logical3A_187 {offsets = [6], sizes = [1], strides = [1]} : vector<16xi32> to vector<1xi32>
          %squeeze3A_321 = vector.extract %slice3A_320[0] : i32 from vector<1xi32>
          %slice3A_322 = vector.extract_strided_slice %and3A_189 {offsets = [6], sizes = [1], strides = [1]} : vector<16xi32> to vector<1xi32>
          %squeeze3A_323 = vector.extract %slice3A_322[0] : i32 from vector<1xi32>
          %mul3A_324 = arith.constant 2 : i32
          %mul3A_325 = arith.muli %mul3A_324, %scan3A_181 : i32
          %add3A_326 = arith.constant 0 : i32
          %add3A_327 = arith.addi %mul3A_325, %add3A_326 : i32
          %dma_start3A_328 = arith.constant 0 : i32
          %dma_start3A_329 = arith.constant 6 : i32
          %dma_start3A_330 = arith.constant 0 : i32
          %dma_start3A_331 = tpu.memref_slice %arg6[%dma_start3A_328, %add3A_327, %dma_start3A_329, %dma_start3A_330] : memref<2x16x8x64xf32, #tpu.memory_space<vmem>> -> memref<1x1x1x64xf32, #tpu.memory_space<vmem>>
          %dma_start3A_332 = tpu.memref_squeeze %dma_start3A_331 : memref<1x1x1x64xf32, #tpu.memory_space<vmem>> -> memref<64xf32, #tpu.memory_space<vmem>>
          %dma_start3A_333 = arith.constant 0 : i32
          %dma_start3A_334 = tpu.memref_slice %arg3[%squeeze3A_321, %squeeze3A_323, %dma_start3A_333] : memref<125000x8x64xf32, #tpu.memory_space<hbm>> -> memref<1x1x64xf32, #tpu.memory_space<hbm>>
          %dma_start3A_335 = tpu.memref_squeeze %dma_start3A_334 : memref<1x1x64xf32, #tpu.memory_space<hbm>> -> memref<64xf32, #tpu.memory_space<hbm>>
          %dma_start3A_336 = arith.constant 0 : i32
          %dma_start3A_337 = tpu.memref_slice %arg6[%dma_start3A_328, %add3A_327, %dma_start3A_329, %dma_start3A_336] : memref<2x16x8x64xf32, #tpu.memory_space<vmem>> -> memref<1x1x1x64xf32, #tpu.memory_space<vmem>>
          %dma_start3A_338 = tpu.memref_squeeze %dma_start3A_337 : memref<1x1x1x64xf32, #tpu.memory_space<vmem>> -> memref<64xf32, #tpu.memory_space<vmem>>
          %dma_start3A_339 = arith.constant 0 : i32
          %dma_start3A_340 = tpu.memref_slice %arg3[%squeeze3A_321, %squeeze3A_323, %dma_start3A_339] : memref<125000x8x64xf32, #tpu.memory_space<hbm>> -> memref<1x1x64xf32, #tpu.memory_space<hbm>>
          %dma_start3A_341 = tpu.memref_squeeze %dma_start3A_340 : memref<1x1x64xf32, #tpu.memory_space<hbm>> -> memref<64xf32, #tpu.memory_space<hbm>>
          tpu.enqueue_dma source(%dma_start3A_341 : memref<64xf32, #tpu.memory_space<hbm>>) target(%dma_start3A_338 : memref<64xf32, #tpu.memory_space<vmem>>) target_semaphore(%arg7 : memref<!tpu.dma_semaphore, #tpu.memory_space<semaphore_mem>>)
          %slice3A_342 = vector.extract_strided_slice %shift_right_logical3A_187 {offsets = [7], sizes = [1], strides = [1]} : vector<16xi32> to vector<1xi32>
          %squeeze3A_343 = vector.extract %slice3A_342[0] : i32 from vector<1xi32>
          %slice3A_344 = vector.extract_strided_slice %and3A_189 {offsets = [7], sizes = [1], strides = [1]} : vector<16xi32> to vector<1xi32>
          %squeeze3A_345 = vector.extract %slice3A_344[0] : i32 from vector<1xi32>
          %mul3A_346 = arith.constant 2 : i32
          %mul3A_347 = arith.muli %mul3A_346, %scan3A_181 : i32
          %add3A_348 = arith.constant 0 : i32
          %add3A_349 = arith.addi %mul3A_347, %add3A_348 : i32
          %dma_start3A_350 = arith.constant 0 : i32
          %dma_start3A_351 = arith.constant 7 : i32
          %dma_start3A_352 = arith.constant 0 : i32
          %dma_start3A_353 = tpu.memref_slice %arg6[%dma_start3A_350, %add3A_349, %dma_start3A_351, %dma_start3A_352] : memref<2x16x8x64xf32, #tpu.memory_space<vmem>> -> memref<1x1x1x64xf32, #tpu.memory_space<vmem>>
          %dma_start3A_354 = tpu.memref_squeeze %dma_start3A_353 : memref<1x1x1x64xf32, #tpu.memory_space<vmem>> -> memref<64xf32, #tpu.memory_space<vmem>>
          %dma_start3A_355 = arith.constant 0 : i32
          %dma_start3A_356 = tpu.memref_slice %arg3[%squeeze3A_343, %squeeze3A_345, %dma_start3A_355] : memref<125000x8x64xf32, #tpu.memory_space<hbm>> -> memref<1x1x64xf32, #tpu.memory_space<hbm>>
          %dma_start3A_357 = tpu.memref_squeeze %dma_start3A_356 : memref<1x1x64xf32, #tpu.memory_space<hbm>> -> memref<64xf32, #tpu.memory_space<hbm>>
          %dma_start3A_358 = arith.constant 0 : i32
          %dma_start3A_359 = tpu.memref_slice %arg6[%dma_start3A_350, %add3A_349, %dma_start3A_351, %dma_start3A_358] : memref<2x16x8x64xf32, #tpu.memory_space<vmem>> -> memref<1x1x1x64xf32, #tpu.memory_space<vmem>>
          %dma_start3A_360 = tpu.memref_squeeze %dma_start3A_359 : memref<1x1x1x64xf32, #tpu.memory_space<vmem>> -> memref<64xf32, #tpu.memory_space<vmem>>
          %dma_start3A_361 = arith.constant 0 : i32
          %dma_start3A_362 = tpu.memref_slice %arg3[%squeeze3A_343, %squeeze3A_345, %dma_start3A_361] : memref<125000x8x64xf32, #tpu.memory_space<hbm>> -> memref<1x1x64xf32, #tpu.memory_space<hbm>>
          %dma_start3A_363 = tpu.memref_squeeze %dma_start3A_362 : memref<1x1x64xf32, #tpu.memory_space<hbm>> -> memref<64xf32, #tpu.memory_space<hbm>>
          tpu.enqueue_dma source(%dma_start3A_363 : memref<64xf32, #tpu.memory_space<hbm>>) target(%dma_start3A_360 : memref<64xf32, #tpu.memory_space<vmem>>) target_semaphore(%arg7 : memref<!tpu.dma_semaphore, #tpu.memory_space<semaphore_mem>>)
          %slice3A_364 = vector.extract_strided_slice %shift_right_logical3A_187 {offsets = [8], sizes = [1], strides = [1]} : vector<16xi32> to vector<1xi32>
          %squeeze3A_365 = vector.extract %slice3A_364[0] : i32 from vector<1xi32>
          %slice3A_366 = vector.extract_strided_slice %and3A_189 {offsets = [8], sizes = [1], strides = [1]} : vector<16xi32> to vector<1xi32>
          %squeeze3A_367 = vector.extract %slice3A_366[0] : i32 from vector<1xi32>
          %mul3A_368 = arith.constant 2 : i32
          %mul3A_369 = arith.muli %mul3A_368, %scan3A_181 : i32
          %add3A_370 = arith.constant 1 : i32
          %add3A_371 = arith.addi %mul3A_369, %add3A_370 : i32
          %dma_start3A_372 = arith.constant 0 : i32
          %dma_start3A_373 = arith.constant 0 : i32
          %dma_start3A_374 = arith.constant 0 : i32
          %dma_start3A_375 = tpu.memref_slice %arg6[%dma_start3A_372, %add3A_371, %dma_start3A_373, %dma_start3A_374] : memref<2x16x8x64xf32, #tpu.memory_space<vmem>> -> memref<1x1x1x64xf32, #tpu.memory_space<vmem>>
          %dma_start3A_376 = tpu.memref_squeeze %dma_start3A_375 : memref<1x1x1x64xf32, #tpu.memory_space<vmem>> -> memref<64xf32, #tpu.memory_space<vmem>>
          %dma_start3A_377 = arith.constant 0 : i32
          %dma_start3A_378 = tpu.memref_slice %arg3[%squeeze3A_365, %squeeze3A_367, %dma_start3A_377] : memref<125000x8x64xf32, #tpu.memory_space<hbm>> -> memref<1x1x64xf32, #tpu.memory_space<hbm>>
          %dma_start3A_379 = tpu.memref_squeeze %dma_start3A_378 : memref<1x1x64xf32, #tpu.memory_space<hbm>> -> memref<64xf32, #tpu.memory_space<hbm>>
          %dma_start3A_380 = arith.constant 0 : i32
          %dma_start3A_381 = tpu.memref_slice %arg6[%dma_start3A_372, %add3A_371, %dma_start3A_373, %dma_start3A_380] : memref<2x16x8x64xf32, #tpu.memory_space<vmem>> -> memref<1x1x1x64xf32, #tpu.memory_space<vmem>>
          %dma_start3A_382 = tpu.memref_squeeze %dma_start3A_381 : memref<1x1x1x64xf32, #tpu.memory_space<vmem>> -> memref<64xf32, #tpu.memory_space<vmem>>
          %dma_start3A_383 = arith.constant 0 : i32
          %dma_start3A_384 = tpu.memref_slice %arg3[%squeeze3A_365, %squeeze3A_367, %dma_start3A_383] : memref<125000x8x64xf32, #tpu.memory_space<hbm>> -> memref<1x1x64xf32, #tpu.memory_space<hbm>>
          %dma_start3A_385 = tpu.memref_squeeze %dma_start3A_384 : memref<1x1x64xf32, #tpu.memory_space<hbm>> -> memref<64xf32, #tpu.memory_space<hbm>>
          tpu.enqueue_dma source(%dma_start3A_385 : memref<64xf32, #tpu.memory_space<hbm>>) target(%dma_start3A_382 : memref<64xf32, #tpu.memory_space<vmem>>) target_semaphore(%arg7 : memref<!tpu.dma_semaphore, #tpu.memory_space<semaphore_mem>>)
          %slice3A_386 = vector.extract_strided_slice %shift_right_logical3A_187 {offsets = [9], sizes = [1], strides = [1]} : vector<16xi32> to vector<1xi32>
          %squeeze3A_387 = vector.extract %slice3A_386[0] : i32 from vector<1xi32>
          %slice3A_388 = vector.extract_strided_slice %and3A_189 {offsets = [9], sizes = [1], strides = [1]} : vector<16xi32> to vector<1xi32>
          %squeeze3A_389 = vector.extract %slice3A_388[0] : i32 from vector<1xi32>
          %mul3A_390 = arith.constant 2 : i32
          %mul3A_391 = arith.muli %mul3A_390, %scan3A_181 : i32
          %add3A_392 = arith.constant 1 : i32
          %add3A_393 = arith.addi %mul3A_391, %add3A_392 : i32
          %dma_start3A_394 = arith.constant 0 : i32
          %dma_start3A_395 = arith.constant 1 : i32
          %dma_start3A_396 = arith.constant 0 : i32
          %dma_start3A_397 = tpu.memref_slice %arg6[%dma_start3A_394, %add3A_393, %dma_start3A_395, %dma_start3A_396] : memref<2x16x8x64xf32, #tpu.memory_space<vmem>> -> memref<1x1x1x64xf32, #tpu.memory_space<vmem>>
          %dma_start3A_398 = tpu.memref_squeeze %dma_start3A_397 : memref<1x1x1x64xf32, #tpu.memory_space<vmem>> -> memref<64xf32, #tpu.memory_space<vmem>>
          %dma_start3A_399 = arith.constant 0 : i32
          %dma_start3A_400 = tpu.memref_slice %arg3[%squeeze3A_387, %squeeze3A_389, %dma_start3A_399] : memref<125000x8x64xf32, #tpu.memory_space<hbm>> -> memref<1x1x64xf32, #tpu.memory_space<hbm>>
          %dma_start3A_401 = tpu.memref_squeeze %dma_start3A_400 : memref<1x1x64xf32, #tpu.memory_space<hbm>> -> memref<64xf32, #tpu.memory_space<hbm>>
          %dma_start3A_402 = arith.constant 0 : i32
          %dma_start3A_403 = tpu.memref_slice %arg6[%dma_start3A_394, %add3A_393, %dma_start3A_395, %dma_start3A_402] : memref<2x16x8x64xf32, #tpu.memory_space<vmem>> -> memref<1x1x1x64xf32, #tpu.memory_space<vmem>>
          %dma_start3A_404 = tpu.memref_squeeze %dma_start3A_403 : memref<1x1x1x64xf32, #tpu.memory_space<vmem>> -> memref<64xf32, #tpu.memory_space<vmem>>
          %dma_start3A_405 = arith.constant 0 : i32
          %dma_start3A_406 = tpu.memref_slice %arg3[%squeeze3A_387, %squeeze3A_389, %dma_start3A_405] : memref<125000x8x64xf32, #tpu.memory_space<hbm>> -> memref<1x1x64xf32, #tpu.memory_space<hbm>>
          %dma_start3A_407 = tpu.memref_squeeze %dma_start3A_406 : memref<1x1x64xf32, #tpu.memory_space<hbm>> -> memref<64xf32, #tpu.memory_space<hbm>>
          tpu.enqueue_dma source(%dma_start3A_407 : memref<64xf32, #tpu.memory_space<hbm>>) target(%dma_start3A_404 : memref<64xf32, #tpu.memory_space<vmem>>) target_semaphore(%arg7 : memref<!tpu.dma_semaphore, #tpu.memory_space<semaphore_mem>>)
          %slice3A_408 = vector.extract_strided_slice %shift_right_logical3A_187 {offsets = [10], sizes = [1], strides = [1]} : vector<16xi32> to vector<1xi32>
          %squeeze3A_409 = vector.extract %slice3A_408[0] : i32 from vector<1xi32>
          %slice3A_410 = vector.extract_strided_slice %and3A_189 {offsets = [10], sizes = [1], strides = [1]} : vector<16xi32> to vector<1xi32>
          %squeeze3A_411 = vector.extract %slice3A_410[0] : i32 from vector<1xi32>
          %mul3A_412 = arith.constant 2 : i32
          %mul3A_413 = arith.muli %mul3A_412, %scan3A_181 : i32
          %add3A_414 = arith.constant 1 : i32
          %add3A_415 = arith.addi %mul3A_413, %add3A_414 : i32
          %dma_start3A_416 = arith.constant 0 : i32
          %dma_start3A_417 = arith.constant 2 : i32
          %dma_start3A_418 = arith.constant 0 : i32
          %dma_start3A_419 = tpu.memref_slice %arg6[%dma_start3A_416, %add3A_415, %dma_start3A_417, %dma_start3A_418] : memref<2x16x8x64xf32, #tpu.memory_space<vmem>> -> memref<1x1x1x64xf32, #tpu.memory_space<vmem>>
          %dma_start3A_420 = tpu.memref_squeeze %dma_start3A_419 : memref<1x1x1x64xf32, #tpu.memory_space<vmem>> -> memref<64xf32, #tpu.memory_space<vmem>>
          %dma_start3A_421 = arith.constant 0 : i32
          %dma_start3A_422 = tpu.memref_slice %arg3[%squeeze3A_409, %squeeze3A_411, %dma_start3A_421] : memref<125000x8x64xf32, #tpu.memory_space<hbm>> -> memref<1x1x64xf32, #tpu.memory_space<hbm>>
          %dma_start3A_423 = tpu.memref_squeeze %dma_start3A_422 : memref<1x1x64xf32, #tpu.memory_space<hbm>> -> memref<64xf32, #tpu.memory_space<hbm>>
          %dma_start3A_424 = arith.constant 0 : i32
          %dma_start3A_425 = tpu.memref_slice %arg6[%dma_start3A_416, %add3A_415, %dma_start3A_417, %dma_start3A_424] : memref<2x16x8x64xf32, #tpu.memory_space<vmem>> -> memref<1x1x1x64xf32, #tpu.memory_space<vmem>>
          %dma_start3A_426 = tpu.memref_squeeze %dma_start3A_425 : memref<1x1x1x64xf32, #tpu.memory_space<vmem>> -> memref<64xf32, #tpu.memory_space<vmem>>
          %dma_start3A_427 = arith.constant 0 : i32
          %dma_start3A_428 = tpu.memref_slice %arg3[%squeeze3A_409, %squeeze3A_411, %dma_start3A_427] : memref<125000x8x64xf32, #tpu.memory_space<hbm>> -> memref<1x1x64xf32, #tpu.memory_space<hbm>>
          %dma_start3A_429 = tpu.memref_squeeze %dma_start3A_428 : memref<1x1x64xf32, #tpu.memory_space<hbm>> -> memref<64xf32, #tpu.memory_space<hbm>>
          tpu.enqueue_dma source(%dma_start3A_429 : memref<64xf32, #tpu.memory_space<hbm>>) target(%dma_start3A_426 : memref<64xf32, #tpu.memory_space<vmem>>) target_semaphore(%arg7 : memref<!tpu.dma_semaphore, #tpu.memory_space<semaphore_mem>>)
          %slice3A_430 = vector.extract_strided_slice %shift_right_logical3A_187 {offsets = [11], sizes = [1], strides = [1]} : vector<16xi32> to vector<1xi32>
          %squeeze3A_431 = vector.extract %slice3A_430[0] : i32 from vector<1xi32>
          %slice3A_432 = vector.extract_strided_slice %and3A_189 {offsets = [11], sizes = [1], strides = [1]} : vector<16xi32> to vector<1xi32>
          %squeeze3A_433 = vector.extract %slice3A_432[0] : i32 from vector<1xi32>
          %mul3A_434 = arith.constant 2 : i32
          %mul3A_435 = arith.muli %mul3A_434, %scan3A_181 : i32
          %add3A_436 = arith.constant 1 : i32
          %add3A_437 = arith.addi %mul3A_435, %add3A_436 : i32
          %dma_start3A_438 = arith.constant 0 : i32
          %dma_start3A_439 = arith.constant 3 : i32
          %dma_start3A_440 = arith.constant 0 : i32
          %dma_start3A_441 = tpu.memref_slice %arg6[%dma_start3A_438, %add3A_437, %dma_start3A_439, %dma_start3A_440] : memref<2x16x8x64xf32, #tpu.memory_space<vmem>> -> memref<1x1x1x64xf32, #tpu.memory_space<vmem>>
          %dma_start3A_442 = tpu.memref_squeeze %dma_start3A_441 : memref<1x1x1x64xf32, #tpu.memory_space<vmem>> -> memref<64xf32, #tpu.memory_space<vmem>>
          %dma_start3A_443 = arith.constant 0 : i32
          %dma_start3A_444 = tpu.memref_slice %arg3[%squeeze3A_431, %squeeze3A_433, %dma_start3A_443] : memref<125000x8x64xf32, #tpu.memory_space<hbm>> -> memref<1x1x64xf32, #tpu.memory_space<hbm>>
          %dma_start3A_445 = tpu.memref_squeeze %dma_start3A_444 : memref<1x1x64xf32, #tpu.memory_space<hbm>> -> memref<64xf32, #tpu.memory_space<hbm>>
          %dma_start3A_446 = arith.constant 0 : i32
          %dma_start3A_447 = tpu.memref_slice %arg6[%dma_start3A_438, %add3A_437, %dma_start3A_439, %dma_start3A_446] : memref<2x16x8x64xf32, #tpu.memory_space<vmem>> -> memref<1x1x1x64xf32, #tpu.memory_space<vmem>>
          %dma_start3A_448 = tpu.memref_squeeze %dma_start3A_447 : memref<1x1x1x64xf32, #tpu.memory_space<vmem>> -> memref<64xf32, #tpu.memory_space<vmem>>
          %dma_start3A_449 = arith.constant 0 : i32
          %dma_start3A_450 = tpu.memref_slice %arg3[%squeeze3A_431, %squeeze3A_433, %dma_start3A_449] : memref<125000x8x64xf32, #tpu.memory_space<hbm>> -> memref<1x1x64xf32, #tpu.memory_space<hbm>>
          %dma_start3A_451 = tpu.memref_squeeze %dma_start3A_450 : memref<1x1x64xf32, #tpu.memory_space<hbm>> -> memref<64xf32, #tpu.memory_space<hbm>>
          tpu.enqueue_dma source(%dma_start3A_451 : memref<64xf32, #tpu.memory_space<hbm>>) target(%dma_start3A_448 : memref<64xf32, #tpu.memory_space<vmem>>) target_semaphore(%arg7 : memref<!tpu.dma_semaphore, #tpu.memory_space<semaphore_mem>>)
          %slice3A_452 = vector.extract_strided_slice %shift_right_logical3A_187 {offsets = [12], sizes = [1], strides = [1]} : vector<16xi32> to vector<1xi32>
          %squeeze3A_453 = vector.extract %slice3A_452[0] : i32 from vector<1xi32>
          %slice3A_454 = vector.extract_strided_slice %and3A_189 {offsets = [12], sizes = [1], strides = [1]} : vector<16xi32> to vector<1xi32>
          %squeeze3A_455 = vector.extract %slice3A_454[0] : i32 from vector<1xi32>
          %mul3A_456 = arith.constant 2 : i32
          %mul3A_457 = arith.muli %mul3A_456, %scan3A_181 : i32
          %add3A_458 = arith.constant 1 : i32
          %add3A_459 = arith.addi %mul3A_457, %add3A_458 : i32
          %dma_start3A_460 = arith.constant 0 : i32
          %dma_start3A_461 = arith.constant 4 : i32
          %dma_start3A_462 = arith.constant 0 : i32
          %dma_start3A_463 = tpu.memref_slice %arg6[%dma_start3A_460, %add3A_459, %dma_start3A_461, %dma_start3A_462] : memref<2x16x8x64xf32, #tpu.memory_space<vmem>> -> memref<1x1x1x64xf32, #tpu.memory_space<vmem>>
          %dma_start3A_464 = tpu.memref_squeeze %dma_start3A_463 : memref<1x1x1x64xf32, #tpu.memory_space<vmem>> -> memref<64xf32, #tpu.memory_space<vmem>>
          %dma_start3A_465 = arith.constant 0 : i32
          %dma_start3A_466 = tpu.memref_slice %arg3[%squeeze3A_453, %squeeze3A_455, %dma_start3A_465] : memref<125000x8x64xf32, #tpu.memory_space<hbm>> -> memref<1x1x64xf32, #tpu.memory_space<hbm>>
          %dma_start3A_467 = tpu.memref_squeeze %dma_start3A_466 : memref<1x1x64xf32, #tpu.memory_space<hbm>> -> memref<64xf32, #tpu.memory_space<hbm>>
          %dma_start3A_468 = arith.constant 0 : i32
          %dma_start3A_469 = tpu.memref_slice %arg6[%dma_start3A_460, %add3A_459, %dma_start3A_461, %dma_start3A_468] : memref<2x16x8x64xf32, #tpu.memory_space<vmem>> -> memref<1x1x1x64xf32, #tpu.memory_space<vmem>>
          %dma_start3A_470 = tpu.memref_squeeze %dma_start3A_469 : memref<1x1x1x64xf32, #tpu.memory_space<vmem>> -> memref<64xf32, #tpu.memory_space<vmem>>
          %dma_start3A_471 = arith.constant 0 : i32
          %dma_start3A_472 = tpu.memref_slice %arg3[%squeeze3A_453, %squeeze3A_455, %dma_start3A_471] : memref<125000x8x64xf32, #tpu.memory_space<hbm>> -> memref<1x1x64xf32, #tpu.memory_space<hbm>>
          %dma_start3A_473 = tpu.memref_squeeze %dma_start3A_472 : memref<1x1x64xf32, #tpu.memory_space<hbm>> -> memref<64xf32, #tpu.memory_space<hbm>>
          tpu.enqueue_dma source(%dma_start3A_473 : memref<64xf32, #tpu.memory_space<hbm>>) target(%dma_start3A_470 : memref<64xf32, #tpu.memory_space<vmem>>) target_semaphore(%arg7 : memref<!tpu.dma_semaphore, #tpu.memory_space<semaphore_mem>>)
          %slice3A_474 = vector.extract_strided_slice %shift_right_logical3A_187 {offsets = [13], sizes = [1], strides = [1]} : vector<16xi32> to vector<1xi32>
          %squeeze3A_475 = vector.extract %slice3A_474[0] : i32 from vector<1xi32>
          %slice3A_476 = vector.extract_strided_slice %and3A_189 {offsets = [13], sizes = [1], strides = [1]} : vector<16xi32> to vector<1xi32>
          %squeeze3A_477 = vector.extract %slice3A_476[0] : i32 from vector<1xi32>
          %mul3A_478 = arith.constant 2 : i32
          %mul3A_479 = arith.muli %mul3A_478, %scan3A_181 : i32
          %add3A_480 = arith.constant 1 : i32
          %add3A_481 = arith.addi %mul3A_479, %add3A_480 : i32
          %dma_start3A_482 = arith.constant 0 : i32
          %dma_start3A_483 = arith.constant 5 : i32
          %dma_start3A_484 = arith.constant 0 : i32
          %dma_start3A_485 = tpu.memref_slice %arg6[%dma_start3A_482, %add3A_481, %dma_start3A_483, %dma_start3A_484] : memref<2x16x8x64xf32, #tpu.memory_space<vmem>> -> memref<1x1x1x64xf32, #tpu.memory_space<vmem>>
          %dma_start3A_486 = tpu.memref_squeeze %dma_start3A_485 : memref<1x1x1x64xf32, #tpu.memory_space<vmem>> -> memref<64xf32, #tpu.memory_space<vmem>>
          %dma_start3A_487 = arith.constant 0 : i32
          %dma_start3A_488 = tpu.memref_slice %arg3[%squeeze3A_475, %squeeze3A_477, %dma_start3A_487] : memref<125000x8x64xf32, #tpu.memory_space<hbm>> -> memref<1x1x64xf32, #tpu.memory_space<hbm>>
          %dma_start3A_489 = tpu.memref_squeeze %dma_start3A_488 : memref<1x1x64xf32, #tpu.memory_space<hbm>> -> memref<64xf32, #tpu.memory_space<hbm>>
          %dma_start3A_490 = arith.constant 0 : i32
          %dma_start3A_491 = tpu.memref_slice %arg6[%dma_start3A_482, %add3A_481, %dma_start3A_483, %dma_start3A_490] : memref<2x16x8x64xf32, #tpu.memory_space<vmem>> -> memref<1x1x1x64xf32, #tpu.memory_space<vmem>>
          %dma_start3A_492 = tpu.memref_squeeze %dma_start3A_491 : memref<1x1x1x64xf32, #tpu.memory_space<vmem>> -> memref<64xf32, #tpu.memory_space<vmem>>
          %dma_start3A_493 = arith.constant 0 : i32
          %dma_start3A_494 = tpu.memref_slice %arg3[%squeeze3A_475, %squeeze3A_477, %dma_start3A_493] : memref<125000x8x64xf32, #tpu.memory_space<hbm>> -> memref<1x1x64xf32, #tpu.memory_space<hbm>>
          %dma_start3A_495 = tpu.memref_squeeze %dma_start3A_494 : memref<1x1x64xf32, #tpu.memory_space<hbm>> -> memref<64xf32, #tpu.memory_space<hbm>>
          tpu.enqueue_dma source(%dma_start3A_495 : memref<64xf32, #tpu.memory_space<hbm>>) target(%dma_start3A_492 : memref<64xf32, #tpu.memory_space<vmem>>) target_semaphore(%arg7 : memref<!tpu.dma_semaphore, #tpu.memory_space<semaphore_mem>>)
          %slice3A_496 = vector.extract_strided_slice %shift_right_logical3A_187 {offsets = [14], sizes = [1], strides = [1]} : vector<16xi32> to vector<1xi32>
          %squeeze3A_497 = vector.extract %slice3A_496[0] : i32 from vector<1xi32>
          %slice3A_498 = vector.extract_strided_slice %and3A_189 {offsets = [14], sizes = [1], strides = [1]} : vector<16xi32> to vector<1xi32>
          %squeeze3A_499 = vector.extract %slice3A_498[0] : i32 from vector<1xi32>
          %mul3A_500 = arith.constant 2 : i32
          %mul3A_501 = arith.muli %mul3A_500, %scan3A_181 : i32
          %add3A_502 = arith.constant 1 : i32
          %add3A_503 = arith.addi %mul3A_501, %add3A_502 : i32
          %dma_start3A_504 = arith.constant 0 : i32
          %dma_start3A_505 = arith.constant 6 : i32
          %dma_start3A_506 = arith.constant 0 : i32
          %dma_start3A_507 = tpu.memref_slice %arg6[%dma_start3A_504, %add3A_503, %dma_start3A_505, %dma_start3A_506] : memref<2x16x8x64xf32, #tpu.memory_space<vmem>> -> memref<1x1x1x64xf32, #tpu.memory_space<vmem>>
          %dma_start3A_508 = tpu.memref_squeeze %dma_start3A_507 : memref<1x1x1x64xf32, #tpu.memory_space<vmem>> -> memref<64xf32, #tpu.memory_space<vmem>>
          %dma_start3A_509 = arith.constant 0 : i32
          %dma_start3A_510 = tpu.memref_slice %arg3[%squeeze3A_497, %squeeze3A_499, %dma_start3A_509] : memref<125000x8x64xf32, #tpu.memory_space<hbm>> -> memref<1x1x64xf32, #tpu.memory_space<hbm>>
          %dma_start3A_511 = tpu.memref_squeeze %dma_start3A_510 : memref<1x1x64xf32, #tpu.memory_space<hbm>> -> memref<64xf32, #tpu.memory_space<hbm>>
          %dma_start3A_512 = arith.constant 0 : i32
          %dma_start3A_513 = tpu.memref_slice %arg6[%dma_start3A_504, %add3A_503, %dma_start3A_505, %dma_start3A_512] : memref<2x16x8x64xf32, #tpu.memory_space<vmem>> -> memref<1x1x1x64xf32, #tpu.memory_space<vmem>>
          %dma_start3A_514 = tpu.memref_squeeze %dma_start3A_513 : memref<1x1x1x64xf32, #tpu.memory_space<vmem>> -> memref<64xf32, #tpu.memory_space<vmem>>
          %dma_start3A_515 = arith.constant 0 : i32
          %dma_start3A_516 = tpu.memref_slice %arg3[%squeeze3A_497, %squeeze3A_499, %dma_start3A_515] : memref<125000x8x64xf32, #tpu.memory_space<hbm>> -> memref<1x1x64xf32, #tpu.memory_space<hbm>>
          %dma_start3A_517 = tpu.memref_squeeze %dma_start3A_516 : memref<1x1x64xf32, #tpu.memory_space<hbm>> -> memref<64xf32, #tpu.memory_space<hbm>>
          tpu.enqueue_dma source(%dma_start3A_517 : memref<64xf32, #tpu.memory_space<hbm>>) target(%dma_start3A_514 : memref<64xf32, #tpu.memory_space<vmem>>) target_semaphore(%arg7 : memref<!tpu.dma_semaphore, #tpu.memory_space<semaphore_mem>>)
          %slice3A_518 = vector.extract_strided_slice %shift_right_logical3A_187 {offsets = [15], sizes = [1], strides = [1]} : vector<16xi32> to vector<1xi32>
          %squeeze3A_519 = vector.extract %slice3A_518[0] : i32 from vector<1xi32>
          %slice3A_520 = vector.extract_strided_slice %and3A_189 {offsets = [15], sizes = [1], strides = [1]} : vector<16xi32> to vector<1xi32>
          %squeeze3A_521 = vector.extract %slice3A_520[0] : i32 from vector<1xi32>
          %mul3A_522 = arith.constant 2 : i32
          %mul3A_523 = arith.muli %mul3A_522, %scan3A_181 : i32
          %add3A_524 = arith.constant 1 : i32
          %add3A_525 = arith.addi %mul3A_523, %add3A_524 : i32
          %dma_start3A_526 = arith.constant 0 : i32
          %dma_start3A_527 = arith.constant 7 : i32
          %dma_start3A_528 = arith.constant 0 : i32
          %dma_start3A_529 = tpu.memref_slice %arg6[%dma_start3A_526, %add3A_525, %dma_start3A_527, %dma_start3A_528] : memref<2x16x8x64xf32, #tpu.memory_space<vmem>> -> memref<1x1x1x64xf32, #tpu.memory_space<vmem>>
          %dma_start3A_530 = tpu.memref_squeeze %dma_start3A_529 : memref<1x1x1x64xf32, #tpu.memory_space<vmem>> -> memref<64xf32, #tpu.memory_space<vmem>>
          %dma_start3A_531 = arith.constant 0 : i32
          %dma_start3A_532 = tpu.memref_slice %arg3[%squeeze3A_519, %squeeze3A_521, %dma_start3A_531] : memref<125000x8x64xf32, #tpu.memory_space<hbm>> -> memref<1x1x64xf32, #tpu.memory_space<hbm>>
          %dma_start3A_533 = tpu.memref_squeeze %dma_start3A_532 : memref<1x1x64xf32, #tpu.memory_space<hbm>> -> memref<64xf32, #tpu.memory_space<hbm>>
          %dma_start3A_534 = arith.constant 0 : i32
          %dma_start3A_535 = tpu.memref_slice %arg6[%dma_start3A_526, %add3A_525, %dma_start3A_527, %dma_start3A_534] : memref<2x16x8x64xf32, #tpu.memory_space<vmem>> -> memref<1x1x1x64xf32, #tpu.memory_space<vmem>>
          %dma_start3A_536 = tpu.memref_squeeze %dma_start3A_535 : memref<1x1x1x64xf32, #tpu.memory_space<vmem>> -> memref<64xf32, #tpu.memory_space<vmem>>
          %dma_start3A_537 = arith.constant 0 : i32
          %dma_start3A_538 = tpu.memref_slice %arg3[%squeeze3A_519, %squeeze3A_521, %dma_start3A_537] : memref<125000x8x64xf32, #tpu.memory_space<hbm>> -> memref<1x1x64xf32, #tpu.memory_space<hbm>>
          %dma_start3A_539 = tpu.memref_squeeze %dma_start3A_538 : memref<1x1x64xf32, #tpu.memory_space<hbm>> -> memref<64xf32, #tpu.memory_space<hbm>>
          tpu.enqueue_dma source(%dma_start3A_539 : memref<64xf32, #tpu.memory_space<hbm>>) target(%dma_start3A_536 : memref<64xf32, #tpu.memory_space<vmem>>) target_semaphore(%arg7 : memref<!tpu.dma_semaphore, #tpu.memory_space<semaphore_mem>>)
        }
        %scan3A_180 = arith.constant 8 : i32
      } else {
      }
      %dma_wait3A_122 = arith.constant 1 : i32
      %dma_wait3A_123 = arith.constant 0 : i32
      %dma_wait3A_124 = arith.constant 0 : i32
      %dma_wait3A_125 = arith.constant 0 : i32
      %dma_wait3A_126 = tpu.memref_slice %arg6[%dma_wait3A_122, %dma_wait3A_123, %dma_wait3A_124, %dma_wait3A_125] : memref<2x16x8x64xf32, #tpu.memory_space<vmem>> -> memref<1x16x8x64xf32, #tpu.memory_space<vmem>>
      %dma_wait3A_127 = tpu.memref_squeeze %dma_wait3A_126 : memref<1x16x8x64xf32, #tpu.memory_space<vmem>> -> memref<16x8x64xf32, #tpu.memory_space<vmem>>
      %dma_wait3A_128 = arith.constant 0 : i32
      %dma_wait3A_129 = arith.constant 0 : i32
      %dma_wait3A_130 = arith.constant 0 : i32
      %dma_wait3A_131 = tpu.memref_slice %arg3[%dma_wait3A_128, %dma_wait3A_129, %dma_wait3A_130] : memref<125000x8x64xf32, #tpu.memory_space<hbm>> -> memref<16x8x64xf32, #tpu.memory_space<hbm>>
      %dma_wait3A_132 = arith.constant 0 : i32
      %dma_wait3A_133 = arith.constant 0 : i32
      %dma_wait3A_134 = arith.constant 0 : i32
      %dma_wait3A_135 = tpu.memref_slice %arg6[%dma_wait3A_122, %dma_wait3A_132, %dma_wait3A_133, %dma_wait3A_134] : memref<2x16x8x64xf32, #tpu.memory_space<vmem>> -> memref<1x16x8x64xf32, #tpu.memory_space<vmem>>
      %dma_wait3A_136 = tpu.memref_squeeze %dma_wait3A_135 : memref<1x16x8x64xf32, #tpu.memory_space<vmem>> -> memref<16x8x64xf32, #tpu.memory_space<vmem>>
      %dma_wait3A_137 = arith.constant 0 : i32
      %dma_wait3A_138 = arith.constant 0 : i32
      %dma_wait3A_139 = arith.constant 0 : i32
      %dma_wait3A_140 = tpu.memref_slice %arg3[%dma_wait3A_137, %dma_wait3A_138, %dma_wait3A_139] : memref<125000x8x64xf32, #tpu.memory_space<hbm>> -> memref<16x8x64xf32, #tpu.memory_space<hbm>>
      tpu.wait_dma2 semaphore(%arg8 : memref<!tpu.dma_semaphore, #tpu.memory_space<semaphore_mem>>) src(%dma_wait3A_140 : memref<16x8x64xf32, #tpu.memory_space<hbm>>) dst(%dma_wait3A_136 : memref<16x8x64xf32, #tpu.memory_space<vmem>>)
      %scan3A_141 = arith.constant 0 : i32
      %scan3A_142 = arith.constant 0 : i32
      %scan3A_143 = arith.constant 16 : i32
      %scan3A_144 = arith.addi %scan3A_142, %scan3A_143 : i32
      %scan3A_145 = arith.constant 1 : i32
      scf.for %scan3A_168 = %scan3A_142 to %scan3A_144 step %scan3A_145  : i32 {
        %get3A = arith.constant 1 : i32
        %get3A_169 = arith.constant 0 : i32
        %get3A_170 = arith.index_cast %get3A : i32 to index
        %get3A_171 = arith.index_cast %scan3A_168 : i32 to index
        %get3A_172 = arith.index_cast %get3A_169 : i32 to index
        %get3A_173 = arith.constant 0 : index
        %get3A_174 = tpu.vector_load %arg6[%get3A_170, %get3A_171, %get3A_172, %get3A_173] {strides = array<i32>} : memref<2x16x8x64xf32, #tpu.memory_space<vmem>>, vector<16xf32>,
        %mul3A_175 = arith.constant 8.000000e+00 : f32
        %mul3A_176 = vector.broadcast %mul3A_175 : f32 to vector<16xf32>
        %mul3A_177 = arith.mulf %get3A_174, %mul3A_176 : vector<16xf32>
        %swap3A = arith.constant 1 : i32
        %swap3A_178 = arith.constant 0 : i32
        %swap3A_179 = arith.index_cast %swap3A : i32 to index
        %swap3A_180 = arith.index_cast %scan3A_168 : i32 to index
        %swap3A_181 = arith.index_cast %swap3A_178 : i32 to index
        %swap3A_182 = arith.constant 0 : index
        %swap3A_183 = tpu.vector_load %arg6[%swap3A_179, %swap3A_180, %swap3A_181, %swap3A_182] {strides = array<i32>} : memref<2x16x8x64xf32, #tpu.memory_space<vmem>>, vector<16xf32>,
        tpu.vector_store %arg6[%swap3A_179, %swap3A_180, %swap3A_181, %swap3A_182], %mul3A_177 {strides = array<i32>} : memref<2x16x8x64xf32, #tpu.memory_space<vmem>>, vector<16xf32>,
        %get3A_184 = arith.constant 1 : i32
        %get3A_185 = arith.constant 0 : i32
        %get3A_186 = arith.index_cast %get3A_184 : i32 to index
        %get3A_187 = arith.index_cast %scan3A_168 : i32 to index
        %get3A_188 = arith.index_cast %get3A_185 : i32 to index
        %get3A_189 = arith.constant 16 : index
        %get3A_190 = tpu.vector_load %arg6[%get3A_186, %get3A_187, %get3A_188, %get3A_189] {strides = array<i32>} : memref<2x16x8x64xf32, #tpu.memory_space<vmem>>, vector<16xf32>,
        %mul3A_191 = arith.constant 8.000000e+00 : f32
        %mul3A_192 = vector.broadcast %mul3A_191 : f32 to vector<16xf32>
        %mul3A_193 = arith.mulf %get3A_190, %mul3A_192 : vector<16xf32>
        %swap3A_194 = arith.constant 1 : i32
        %swap3A_195 = arith.constant 0 : i32
        %swap3A_196 = arith.index_cast %swap3A_194 : i32 to index
        %swap3A_197 = arith.index_cast %scan3A_168 : i32 to index
        %swap3A_198 = arith.index_cast %swap3A_195 : i32 to index
        %swap3A_199 = arith.constant 16 : index
        %swap3A_200 = tpu.vector_load %arg6[%swap3A_196, %swap3A_197, %swap3A_198, %swap3A_199] {strides = array<i32>} : memref<2x16x8x64xf32, #tpu.memory_space<vmem>>, vector<16xf32>,
        tpu.vector_store %arg6[%swap3A_196, %swap3A_197, %swap3A_198, %swap3A_199], %mul3A_193 {strides = array<i32>} : memref<2x16x8x64xf32, #tpu.memory_space<vmem>>, vector<16xf32>,
        %get3A_201 = arith.constant 1 : i32
        %get3A_202 = arith.constant 0 : i32
        %get3A_203 = arith.index_cast %get3A_201 : i32 to index
        %get3A_204 = arith.index_cast %scan3A_168 : i32 to index
        %get3A_205 = arith.index_cast %get3A_202 : i32 to index
        %get3A_206 = arith.constant 32 : index
        %get3A_207 = tpu.vector_load %arg6[%get3A_203, %get3A_204, %get3A_205, %get3A_206] {strides = array<i32>} : memref<2x16x8x64xf32, #tpu.memory_space<vmem>>, vector<16xf32>,
        %mul3A_208 = arith.constant 8.000000e+00 : f32
        %mul3A_209 = vector.broadcast %mul3A_208 : f32 to vector<16xf32>
        %mul3A_210 = arith.mulf %get3A_207, %mul3A_209 : vector<16xf32>
        %swap3A_211 = arith.constant 1 : i32
        %swap3A_212 = arith.constant 0 : i32
        %swap3A_213 = arith.index_cast %swap3A_211 : i32 to index
        %swap3A_214 = arith.index_cast %scan3A_168 : i32 to index
        %swap3A_215 = arith.index_cast %swap3A_212 : i32 to index
        %swap3A_216 = arith.constant 32 : index
        %swap3A_217 = tpu.vector_load %arg6[%swap3A_213, %swap3A_214, %swap3A_215, %swap3A_216] {strides = array<i32>} : memref<2x16x8x64xf32, #tpu.memory_space<vmem>>, vector<16xf32>,
        tpu.vector_store %arg6[%swap3A_213, %swap3A_214, %swap3A_215, %swap3A_216], %mul3A_210 {strides = array<i32>} : memref<2x16x8x64xf32, #tpu.memory_space<vmem>>, vector<16xf32>,
        %get3A_218 = arith.constant 1 : i32
        %get3A_219 = arith.constant 0 : i32
        %get3A_220 = arith.index_cast %get3A_218 : i32 to index
        %get3A_221 = arith.index_cast %scan3A_168 : i32 to index
        %get3A_222 = arith.index_cast %get3A_219 : i32 to index
        %get3A_223 = arith.constant 48 : index
        %get3A_224 = tpu.vector_load %arg6[%get3A_220, %get3A_221, %get3A_222, %get3A_223] {strides = array<i32>} : memref<2x16x8x64xf32, #tpu.memory_space<vmem>>, vector<16xf32>,
        %mul3A_225 = arith.constant 8.000000e+00 : f32
        %mul3A_226 = vector.broadcast %mul3A_225 : f32 to vector<16xf32>
        %mul3A_227 = arith.mulf %get3A_224, %mul3A_226 : vector<16xf32>
        %swap3A_228 = arith.constant 1 : i32
        %swap3A_229 = arith.constant 0 : i32
        %swap3A_230 = arith.index_cast %swap3A_228 : i32 to index
        %swap3A_231 = arith.index_cast %scan3A_168 : i32 to index
        %swap3A_232 = arith.index_cast %swap3A_229 : i32 to index
        %swap3A_233 = arith.constant 48 : index
        %swap3A_234 = tpu.vector_load %arg6[%swap3A_230, %swap3A_231, %swap3A_232, %swap3A_233] {strides = array<i32>} : memref<2x16x8x64xf32, #tpu.memory_space<vmem>>, vector<16xf32>,
        tpu.vector_store %arg6[%swap3A_230, %swap3A_231, %swap3A_232, %swap3A_233], %mul3A_227 {strides = array<i32>} : memref<2x16x8x64xf32, #tpu.memory_space<vmem>>, vector<16xf32>,
        %get3A_235 = arith.constant 1 : i32
        %get3A_236 = arith.constant 1 : i32
        %get3A_237 = arith.index_cast %get3A_235 : i32 to index
        %get3A_238 = arith.index_cast %scan3A_168 : i32 to index
        %get3A_239 = arith.index_cast %get3A_236 : i32 to index
        %get3A_240 = arith.constant 0 : index
        %get3A_241 = tpu.vector_load %arg6[%get3A_237, %get3A_238, %get3A_239, %get3A_240] {strides = array<i32>} : memref<2x16x8x64xf32, #tpu.memory_space<vmem>>, vector<16xf32>,
        %mul3A_242 = arith.constant 8.000000e+00 : f32
        %mul3A_243 = vector.broadcast %mul3A_242 : f32 to vector<16xf32>
        %mul3A_244 = arith.mulf %get3A_241, %mul3A_243 : vector<16xf32>
        %swap3A_245 = arith.constant 1 : i32
        %swap3A_246 = arith.constant 1 : i32
        %swap3A_247 = arith.index_cast %swap3A_245 : i32 to index
        %swap3A_248 = arith.index_cast %scan3A_168 : i32 to index
        %swap3A_249 = arith.index_cast %swap3A_246 : i32 to index
        %swap3A_250 = arith.constant 0 : index
        %swap3A_251 = tpu.vector_load %arg6[%swap3A_247, %swap3A_248, %swap3A_249, %swap3A_250] {strides = array<i32>} : memref<2x16x8x64xf32, #tpu.memory_space<vmem>>, vector<16xf32>,
        tpu.vector_store %arg6[%swap3A_247, %swap3A_248, %swap3A_249, %swap3A_250], %mul3A_244 {strides = array<i32>} : memref<2x16x8x64xf32, #tpu.memory_space<vmem>>, vector<16xf32>,
        %get3A_252 = arith.constant 1 : i32
        %get3A_253 = arith.constant 1 : i32
        %get3A_254 = arith.index_cast %get3A_252 : i32 to index
        %get3A_255 = arith.index_cast %scan3A_168 : i32 to index
        %get3A_256 = arith.index_cast %get3A_253 : i32 to index
        %get3A_257 = arith.constant 16 : index
        %get3A_258 = tpu.vector_load %arg6[%get3A_254, %get3A_255, %get3A_256, %get3A_257] {strides = array<i32>} : memref<2x16x8x64xf32, #tpu.memory_space<vmem>>, vector<16xf32>,
        %mul3A_259 = arith.constant 8.000000e+00 : f32
        %mul3A_260 = vector.broadcast %mul3A_259 : f32 to vector<16xf32>
        %mul3A_261 = arith.mulf %get3A_258, %mul3A_260 : vector<16xf32>
        %swap3A_262 = arith.constant 1 : i32
        %swap3A_263 = arith.constant 1 : i32
        %swap3A_264 = arith.index_cast %swap3A_262 : i32 to index
        %swap3A_265 = arith.index_cast %scan3A_168 : i32 to index
        %swap3A_266 = arith.index_cast %swap3A_263 : i32 to index
        %swap3A_267 = arith.constant 16 : index
        %swap3A_268 = tpu.vector_load %arg6[%swap3A_264, %swap3A_265, %swap3A_266, %swap3A_267] {strides = array<i32>} : memref<2x16x8x64xf32, #tpu.memory_space<vmem>>, vector<16xf32>,
        tpu.vector_store %arg6[%swap3A_264, %swap3A_265, %swap3A_266, %swap3A_267], %mul3A_261 {strides = array<i32>} : memref<2x16x8x64xf32, #tpu.memory_space<vmem>>, vector<16xf32>,
        %get3A_269 = arith.constant 1 : i32
        %get3A_270 = arith.constant 1 : i32
        %get3A_271 = arith.index_cast %get3A_269 : i32 to index
        %get3A_272 = arith.index_cast %scan3A_168 : i32 to index
        %get3A_273 = arith.index_cast %get3A_270 : i32 to index
        %get3A_274 = arith.constant 32 : index
        %get3A_275 = tpu.vector_load %arg6[%get3A_271, %get3A_272, %get3A_273, %get3A_274] {strides = array<i32>} : memref<2x16x8x64xf32, #tpu.memory_space<vmem>>, vector<16xf32>,
        %mul3A_276 = arith.constant 8.000000e+00 : f32
        %mul3A_277 = vector.broadcast %mul3A_276 : f32 to vector<16xf32>
        %mul3A_278 = arith.mulf %get3A_275, %mul3A_277 : vector<16xf32>
        %swap3A_279 = arith.constant 1 : i32
        %swap3A_280 = arith.constant 1 : i32
        %swap3A_281 = arith.index_cast %swap3A_279 : i32 to index
        %swap3A_282 = arith.index_cast %scan3A_168 : i32 to index
        %swap3A_283 = arith.index_cast %swap3A_280 : i32 to index
        %swap3A_284 = arith.constant 32 : index
        %swap3A_285 = tpu.vector_load %arg6[%swap3A_281, %swap3A_282, %swap3A_283, %swap3A_284] {strides = array<i32>} : memref<2x16x8x64xf32, #tpu.memory_space<vmem>>, vector<16xf32>,
        tpu.vector_store %arg6[%swap3A_281, %swap3A_282, %swap3A_283, %swap3A_284], %mul3A_278 {strides = array<i32>} : memref<2x16x8x64xf32, #tpu.memory_space<vmem>>, vector<16xf32>,
        %get3A_286 = arith.constant 1 : i32
        %get3A_287 = arith.constant 1 : i32
        %get3A_288 = arith.index_cast %get3A_286 : i32 to index
        %get3A_289 = arith.index_cast %scan3A_168 : i32 to index
        %get3A_290 = arith.index_cast %get3A_287 : i32 to index
        %get3A_291 = arith.constant 48 : index
        %get3A_292 = tpu.vector_load %arg6[%get3A_288, %get3A_289, %get3A_290, %get3A_291] {strides = array<i32>} : memref<2x16x8x64xf32, #tpu.memory_space<vmem>>, vector<16xf32>,
        %mul3A_293 = arith.constant 8.000000e+00 : f32
        %mul3A_294 = vector.broadcast %mul3A_293 : f32 to vector<16xf32>
        %mul3A_295 = arith.mulf %get3A_292, %mul3A_294 : vector<16xf32>
        %swap3A_296 = arith.constant 1 : i32
        %swap3A_297 = arith.constant 1 : i32
        %swap3A_298 = arith.index_cast %swap3A_296 : i32 to index
        %swap3A_299 = arith.index_cast %scan3A_168 : i32 to index
        %swap3A_300 = arith.index_cast %swap3A_297 : i32 to index
        %swap3A_301 = arith.constant 48 : index
        %swap3A_302 = tpu.vector_load %arg6[%swap3A_298, %swap3A_299, %swap3A_300, %swap3A_301] {strides = array<i32>} : memref<2x16x8x64xf32, #tpu.memory_space<vmem>>, vector<16xf32>,
        tpu.vector_store %arg6[%swap3A_298, %swap3A_299, %swap3A_300, %swap3A_301], %mul3A_295 {strides = array<i32>} : memref<2x16x8x64xf32, #tpu.memory_space<vmem>>, vector<16xf32>,
        %get3A_303 = arith.constant 1 : i32
        %get3A_304 = arith.constant 2 : i32
        %get3A_305 = arith.index_cast %get3A_303 : i32 to index
        %get3A_306 = arith.index_cast %scan3A_168 : i32 to index
        %get3A_307 = arith.index_cast %get3A_304 : i32 to index
        %get3A_308 = arith.constant 0 : index
        %get3A_309 = tpu.vector_load %arg6[%get3A_305, %get3A_306, %get3A_307, %get3A_308] {strides = array<i32>} : memref<2x16x8x64xf32, #tpu.memory_space<vmem>>, vector<16xf32>,
        %mul3A_310 = arith.constant 8.000000e+00 : f32
        %mul3A_311 = vector.broadcast %mul3A_310 : f32 to vector<16xf32>
        %mul3A_312 = arith.mulf %get3A_309, %mul3A_311 : vector<16xf32>
        %swap3A_313 = arith.constant 1 : i32
        %swap3A_314 = arith.constant 2 : i32
        %swap3A_315 = arith.index_cast %swap3A_313 : i32 to index
        %swap3A_316 = arith.index_cast %scan3A_168 : i32 to index
        %swap3A_317 = arith.index_cast %swap3A_314 : i32 to index
        %swap3A_318 = arith.constant 0 : index
        %swap3A_319 = tpu.vector_load %arg6[%swap3A_315, %swap3A_316, %swap3A_317, %swap3A_318] {strides = array<i32>} : memref<2x16x8x64xf32, #tpu.memory_space<vmem>>, vector<16xf32>,
        tpu.vector_store %arg6[%swap3A_315, %swap3A_316, %swap3A_317, %swap3A_318], %mul3A_312 {strides = array<i32>} : memref<2x16x8x64xf32, #tpu.memory_space<vmem>>, vector<16xf32>,
        %get3A_320 = arith.constant 1 : i32
        %get3A_321 = arith.constant 2 : i32
        %get3A_322 = arith.index_cast %get3A_320 : i32 to index
        %get3A_323 = arith.index_cast %scan3A_168 : i32 to index
        %get3A_324 = arith.index_cast %get3A_321 : i32 to index
        %get3A_325 = arith.constant 16 : index
        %get3A_326 = tpu.vector_load %arg6[%get3A_322, %get3A_323, %get3A_324, %get3A_325] {strides = array<i32>} : memref<2x16x8x64xf32, #tpu.memory_space<vmem>>, vector<16xf32>,
        %mul3A_327 = arith.constant 8.000000e+00 : f32
        %mul3A_328 = vector.broadcast %mul3A_327 : f32 to vector<16xf32>
        %mul3A_329 = arith.mulf %get3A_326, %mul3A_328 : vector<16xf32>
        %swap3A_330 = arith.constant 1 : i32
        %swap3A_331 = arith.constant 2 : i32
        %swap3A_332 = arith.index_cast %swap3A_330 : i32 to index
        %swap3A_333 = arith.index_cast %scan3A_168 : i32 to index
        %swap3A_334 = arith.index_cast %swap3A_331 : i32 to index
        %swap3A_335 = arith.constant 16 : index
        %swap3A_336 = tpu.vector_load %arg6[%swap3A_332, %swap3A_333, %swap3A_334, %swap3A_335] {strides = array<i32>} : memref<2x16x8x64xf32, #tpu.memory_space<vmem>>, vector<16xf32>,
        tpu.vector_store %arg6[%swap3A_332, %swap3A_333, %swap3A_334, %swap3A_335], %mul3A_329 {strides = array<i32>} : memref<2x16x8x64xf32, #tpu.memory_space<vmem>>, vector<16xf32>,
        %get3A_337 = arith.constant 1 : i32
        %get3A_338 = arith.constant 2 : i32
        %get3A_339 = arith.index_cast %get3A_337 : i32 to index
        %get3A_340 = arith.index_cast %scan3A_168 : i32 to index
        %get3A_341 = arith.index_cast %get3A_338 : i32 to index
        %get3A_342 = arith.constant 32 : index
        %get3A_343 = tpu.vector_load %arg6[%get3A_339, %get3A_340, %get3A_341, %get3A_342] {strides = array<i32>} : memref<2x16x8x64xf32, #tpu.memory_space<vmem>>, vector<16xf32>,
        %mul3A_344 = arith.constant 8.000000e+00 : f32
        %mul3A_345 = vector.broadcast %mul3A_344 : f32 to vector<16xf32>
        %mul3A_346 = arith.mulf %get3A_343, %mul3A_345 : vector<16xf32>
        %swap3A_347 = arith.constant 1 : i32
        %swap3A_348 = arith.constant 2 : i32
        %swap3A_349 = arith.index_cast %swap3A_347 : i32 to index
        %swap3A_350 = arith.index_cast %scan3A_168 : i32 to index
        %swap3A_351 = arith.index_cast %swap3A_348 : i32 to index
        %swap3A_352 = arith.constant 32 : index
        %swap3A_353 = tpu.vector_load %arg6[%swap3A_349, %swap3A_350, %swap3A_351, %swap3A_352] {strides = array<i32>} : memref<2x16x8x64xf32, #tpu.memory_space<vmem>>, vector<16xf32>,
        tpu.vector_store %arg6[%swap3A_349, %swap3A_350, %swap3A_351, %swap3A_352], %mul3A_346 {strides = array<i32>} : memref<2x16x8x64xf32, #tpu.memory_space<vmem>>, vector<16xf32>,
        %get3A_354 = arith.constant 1 : i32
        %get3A_355 = arith.constant 2 : i32
        %get3A_356 = arith.index_cast %get3A_354 : i32 to index
        %get3A_357 = arith.index_cast %scan3A_168 : i32 to index
        %get3A_358 = arith.index_cast %get3A_355 : i32 to index
        %get3A_359 = arith.constant 48 : index
        %get3A_360 = tpu.vector_load %arg6[%get3A_356, %get3A_357, %get3A_358, %get3A_359] {strides = array<i32>} : memref<2x16x8x64xf32, #tpu.memory_space<vmem>>, vector<16xf32>,
        %mul3A_361 = arith.constant 8.000000e+00 : f32
        %mul3A_362 = vector.broadcast %mul3A_361 : f32 to vector<16xf32>
        %mul3A_363 = arith.mulf %get3A_360, %mul3A_362 : vector<16xf32>
        %swap3A_364 = arith.constant 1 : i32
        %swap3A_365 = arith.constant 2 : i32
        %swap3A_366 = arith.index_cast %swap3A_364 : i32 to index
        %swap3A_367 = arith.index_cast %scan3A_168 : i32 to index
        %swap3A_368 = arith.index_cast %swap3A_365 : i32 to index
        %swap3A_369 = arith.constant 48 : index
        %swap3A_370 = tpu.vector_load %arg6[%swap3A_366, %swap3A_367, %swap3A_368, %swap3A_369] {strides = array<i32>} : memref<2x16x8x64xf32, #tpu.memory_space<vmem>>, vector<16xf32>,
        tpu.vector_store %arg6[%swap3A_366, %swap3A_367, %swap3A_368, %swap3A_369], %mul3A_363 {strides = array<i32>} : memref<2x16x8x64xf32, #tpu.memory_space<vmem>>, vector<16xf32>,
        %get3A_371 = arith.constant 1 : i32
        %get3A_372 = arith.constant 3 : i32
        %get3A_373 = arith.index_cast %get3A_371 : i32 to index
        %get3A_374 = arith.index_cast %scan3A_168 : i32 to index
        %get3A_375 = arith.index_cast %get3A_372 : i32 to index
        %get3A_376 = arith.constant 0 : index
        %get3A_377 = tpu.vector_load %arg6[%get3A_373, %get3A_374, %get3A_375, %get3A_376] {strides = array<i32>} : memref<2x16x8x64xf32, #tpu.memory_space<vmem>>, vector<16xf32>,
        %mul3A_378 = arith.constant 8.000000e+00 : f32
        %mul3A_379 = vector.broadcast %mul3A_378 : f32 to vector<16xf32>
        %mul3A_380 = arith.mulf %get3A_377, %mul3A_379 : vector<16xf32>
        %swap3A_381 = arith.constant 1 : i32
        %swap3A_382 = arith.constant 3 : i32
        %swap3A_383 = arith.index_cast %swap3A_381 : i32 to index
        %swap3A_384 = arith.index_cast %scan3A_168 : i32 to index
        %swap3A_385 = arith.index_cast %swap3A_382 : i32 to index
        %swap3A_386 = arith.constant 0 : index
        %swap3A_387 = tpu.vector_load %arg6[%swap3A_383, %swap3A_384, %swap3A_385, %swap3A_386] {strides = array<i32>} : memref<2x16x8x64xf32, #tpu.memory_space<vmem>>, vector<16xf32>,
        tpu.vector_store %arg6[%swap3A_383, %swap3A_384, %swap3A_385, %swap3A_386], %mul3A_380 {strides = array<i32>} : memref<2x16x8x64xf32, #tpu.memory_space<vmem>>, vector<16xf32>,
        %get3A_388 = arith.constant 1 : i32
        %get3A_389 = arith.constant 3 : i32
        %get3A_390 = arith.index_cast %get3A_388 : i32 to index
        %get3A_391 = arith.index_cast %scan3A_168 : i32 to index
        %get3A_392 = arith.index_cast %get3A_389 : i32 to index
        %get3A_393 = arith.constant 16 : index
        %get3A_394 = tpu.vector_load %arg6[%get3A_390, %get3A_391, %get3A_392, %get3A_393] {strides = array<i32>} : memref<2x16x8x64xf32, #tpu.memory_space<vmem>>, vector<16xf32>,
        %mul3A_395 = arith.constant 8.000000e+00 : f32
        %mul3A_396 = vector.broadcast %mul3A_395 : f32 to vector<16xf32>
        %mul3A_397 = arith.mulf %get3A_394, %mul3A_396 : vector<16xf32>
        %swap3A_398 = arith.constant 1 : i32
        %swap3A_399 = arith.constant 3 : i32
        %swap3A_400 = arith.index_cast %swap3A_398 : i32 to index
        %swap3A_401 = arith.index_cast %scan3A_168 : i32 to index
        %swap3A_402 = arith.index_cast %swap3A_399 : i32 to index
        %swap3A_403 = arith.constant 16 : index
        %swap3A_404 = tpu.vector_load %arg6[%swap3A_400, %swap3A_401, %swap3A_402, %swap3A_403] {strides = array<i32>} : memref<2x16x8x64xf32, #tpu.memory_space<vmem>>, vector<16xf32>,
        tpu.vector_store %arg6[%swap3A_400, %swap3A_401, %swap3A_402, %swap3A_403], %mul3A_397 {strides = array<i32>} : memref<2x16x8x64xf32, #tpu.memory_space<vmem>>, vector<16xf32>,
        %get3A_405 = arith.constant 1 : i32
        %get3A_406 = arith.constant 3 : i32
        %get3A_407 = arith.index_cast %get3A_405 : i32 to index
        %get3A_408 = arith.index_cast %scan3A_168 : i32 to index
        %get3A_409 = arith.index_cast %get3A_406 : i32 to index
        %get3A_410 = arith.constant 32 : index
        %get3A_411 = tpu.vector_load %arg6[%get3A_407, %get3A_408, %get3A_409, %get3A_410] {strides = array<i32>} : memref<2x16x8x64xf32, #tpu.memory_space<vmem>>, vector<16xf32>,
        %mul3A_412 = arith.constant 8.000000e+00 : f32
        %mul3A_413 = vector.broadcast %mul3A_412 : f32 to vector<16xf32>
        %mul3A_414 = arith.mulf %get3A_411, %mul3A_413 : vector<16xf32>
        %swap3A_415 = arith.constant 1 : i32
        %swap3A_416 = arith.constant 3 : i32
        %swap3A_417 = arith.index_cast %swap3A_415 : i32 to index
        %swap3A_418 = arith.index_cast %scan3A_168 : i32 to index
        %swap3A_419 = arith.index_cast %swap3A_416 : i32 to index
        %swap3A_420 = arith.constant 32 : index
        %swap3A_421 = tpu.vector_load %arg6[%swap3A_417, %swap3A_418, %swap3A_419, %swap3A_420] {strides = array<i32>} : memref<2x16x8x64xf32, #tpu.memory_space<vmem>>, vector<16xf32>,
        tpu.vector_store %arg6[%swap3A_417, %swap3A_418, %swap3A_419, %swap3A_420], %mul3A_414 {strides = array<i32>} : memref<2x16x8x64xf32, #tpu.memory_space<vmem>>, vector<16xf32>,
        %get3A_422 = arith.constant 1 : i32
        %get3A_423 = arith.constant 3 : i32
        %get3A_424 = arith.index_cast %get3A_422 : i32 to index
        %get3A_425 = arith.index_cast %scan3A_168 : i32 to index
        %get3A_426 = arith.index_cast %get3A_423 : i32 to index
        %get3A_427 = arith.constant 48 : index
        %get3A_428 = tpu.vector_load %arg6[%get3A_424, %get3A_425, %get3A_426, %get3A_427] {strides = array<i32>} : memref<2x16x8x64xf32, #tpu.memory_space<vmem>>, vector<16xf32>,
        %mul3A_429 = arith.constant 8.000000e+00 : f32
        %mul3A_430 = vector.broadcast %mul3A_429 : f32 to vector<16xf32>
        %mul3A_431 = arith.mulf %get3A_428, %mul3A_430 : vector<16xf32>
        %swap3A_432 = arith.constant 1 : i32
        %swap3A_433 = arith.constant 3 : i32
        %swap3A_434 = arith.index_cast %swap3A_432 : i32 to index
        %swap3A_435 = arith.index_cast %scan3A_168 : i32 to index
        %swap3A_436 = arith.index_cast %swap3A_433 : i32 to index
        %swap3A_437 = arith.constant 48 : index
        %swap3A_438 = tpu.vector_load %arg6[%swap3A_434, %swap3A_435, %swap3A_436, %swap3A_437] {strides = array<i32>} : memref<2x16x8x64xf32, #tpu.memory_space<vmem>>, vector<16xf32>,
        tpu.vector_store %arg6[%swap3A_434, %swap3A_435, %swap3A_436, %swap3A_437], %mul3A_431 {strides = array<i32>} : memref<2x16x8x64xf32, #tpu.memory_space<vmem>>, vector<16xf32>,
        %get3A_439 = arith.constant 1 : i32
        %get3A_440 = arith.constant 4 : i32
        %get3A_441 = arith.index_cast %get3A_439 : i32 to index
        %get3A_442 = arith.index_cast %scan3A_168 : i32 to index
        %get3A_443 = arith.index_cast %get3A_440 : i32 to index
        %get3A_444 = arith.constant 0 : index
        %get3A_445 = tpu.vector_load %arg6[%get3A_441, %get3A_442, %get3A_443, %get3A_444] {strides = array<i32>} : memref<2x16x8x64xf32, #tpu.memory_space<vmem>>, vector<16xf32>,
        %mul3A_446 = arith.constant 8.000000e+00 : f32
        %mul3A_447 = vector.broadcast %mul3A_446 : f32 to vector<16xf32>
        %mul3A_448 = arith.mulf %get3A_445, %mul3A_447 : vector<16xf32>
        %swap3A_449 = arith.constant 1 : i32
        %swap3A_450 = arith.constant 4 : i32
        %swap3A_451 = arith.index_cast %swap3A_449 : i32 to index
        %swap3A_452 = arith.index_cast %scan3A_168 : i32 to index
        %swap3A_453 = arith.index_cast %swap3A_450 : i32 to index
        %swap3A_454 = arith.constant 0 : index
        %swap3A_455 = tpu.vector_load %arg6[%swap3A_451, %swap3A_452, %swap3A_453, %swap3A_454] {strides = array<i32>} : memref<2x16x8x64xf32, #tpu.memory_space<vmem>>, vector<16xf32>,
        tpu.vector_store %arg6[%swap3A_451, %swap3A_452, %swap3A_453, %swap3A_454], %mul3A_448 {strides = array<i32>} : memref<2x16x8x64xf32, #tpu.memory_space<vmem>>, vector<16xf32>,
        %get3A_456 = arith.constant 1 : i32
        %get3A_457 = arith.constant 4 : i32
        %get3A_458 = arith.index_cast %get3A_456 : i32 to index
        %get3A_459 = arith.index_cast %scan3A_168 : i32 to index
        %get3A_460 = arith.index_cast %get3A_457 : i32 to index
        %get3A_461 = arith.constant 16 : index
        %get3A_462 = tpu.vector_load %arg6[%get3A_458, %get3A_459, %get3A_460, %get3A_461] {strides = array<i32>} : memref<2x16x8x64xf32, #tpu.memory_space<vmem>>, vector<16xf32>,
        %mul3A_463 = arith.constant 8.000000e+00 : f32
        %mul3A_464 = vector.broadcast %mul3A_463 : f32 to vector<16xf32>
        %mul3A_465 = arith.mulf %get3A_462, %mul3A_464 : vector<16xf32>
        %swap3A_466 = arith.constant 1 : i32
        %swap3A_467 = arith.constant 4 : i32
        %swap3A_468 = arith.index_cast %swap3A_466 : i32 to index
        %swap3A_469 = arith.index_cast %scan3A_168 : i32 to index
        %swap3A_470 = arith.index_cast %swap3A_467 : i32 to index
        %swap3A_471 = arith.constant 16 : index
        %swap3A_472 = tpu.vector_load %arg6[%swap3A_468, %swap3A_469, %swap3A_470, %swap3A_471] {strides = array<i32>} : memref<2x16x8x64xf32, #tpu.memory_space<vmem>>, vector<16xf32>,
        tpu.vector_store %arg6[%swap3A_468, %swap3A_469, %swap3A_470, %swap3A_471], %mul3A_465 {strides = array<i32>} : memref<2x16x8x64xf32, #tpu.memory_space<vmem>>, vector<16xf32>,
        %get3A_473 = arith.constant 1 : i32
        %get3A_474 = arith.constant 4 : i32
        %get3A_475 = arith.index_cast %get3A_473 : i32 to index
        %get3A_476 = arith.index_cast %scan3A_168 : i32 to index
        %get3A_477 = arith.index_cast %get3A_474 : i32 to index
        %get3A_478 = arith.constant 32 : index
        %get3A_479 = tpu.vector_load %arg6[%get3A_475, %get3A_476, %get3A_477, %get3A_478] {strides = array<i32>} : memref<2x16x8x64xf32, #tpu.memory_space<vmem>>, vector<16xf32>,
        %mul3A_480 = arith.constant 8.000000e+00 : f32
        %mul3A_481 = vector.broadcast %mul3A_480 : f32 to vector<16xf32>
        %mul3A_482 = arith.mulf %get3A_479, %mul3A_481 : vector<16xf32>
        %swap3A_483 = arith.constant 1 : i32
        %swap3A_484 = arith.constant 4 : i32
        %swap3A_485 = arith.index_cast %swap3A_483 : i32 to index
        %swap3A_486 = arith.index_cast %scan3A_168 : i32 to index
        %swap3A_487 = arith.index_cast %swap3A_484 : i32 to index
        %swap3A_488 = arith.constant 32 : index
        %swap3A_489 = tpu.vector_load %arg6[%swap3A_485, %swap3A_486, %swap3A_487, %swap3A_488] {strides = array<i32>} : memref<2x16x8x64xf32, #tpu.memory_space<vmem>>, vector<16xf32>,
        tpu.vector_store %arg6[%swap3A_485, %swap3A_486, %swap3A_487, %swap3A_488], %mul3A_482 {strides = array<i32>} : memref<2x16x8x64xf32, #tpu.memory_space<vmem>>, vector<16xf32>,
        %get3A_490 = arith.constant 1 : i32
        %get3A_491 = arith.constant 4 : i32
        %get3A_492 = arith.index_cast %get3A_490 : i32 to index
        %get3A_493 = arith.index_cast %scan3A_168 : i32 to index
        %get3A_494 = arith.index_cast %get3A_491 : i32 to index
        %get3A_495 = arith.constant 48 : index
        %get3A_496 = tpu.vector_load %arg6[%get3A_492, %get3A_493, %get3A_494, %get3A_495] {strides = array<i32>} : memref<2x16x8x64xf32, #tpu.memory_space<vmem>>, vector<16xf32>,
        %mul3A_497 = arith.constant 8.000000e+00 : f32
        %mul3A_498 = vector.broadcast %mul3A_497 : f32 to vector<16xf32>
        %mul3A_499 = arith.mulf %get3A_496, %mul3A_498 : vector<16xf32>
        %swap3A_500 = arith.constant 1 : i32
        %swap3A_501 = arith.constant 4 : i32
        %swap3A_502 = arith.index_cast %swap3A_500 : i32 to index
        %swap3A_503 = arith.index_cast %scan3A_168 : i32 to index
        %swap3A_504 = arith.index_cast %swap3A_501 : i32 to index
        %swap3A_505 = arith.constant 48 : index
        %swap3A_506 = tpu.vector_load %arg6[%swap3A_502, %swap3A_503, %swap3A_504, %swap3A_505] {strides = array<i32>} : memref<2x16x8x64xf32, #tpu.memory_space<vmem>>, vector<16xf32>,
        tpu.vector_store %arg6[%swap3A_502, %swap3A_503, %swap3A_504, %swap3A_505], %mul3A_499 {strides = array<i32>} : memref<2x16x8x64xf32, #tpu.memory_space<vmem>>, vector<16xf32>,
        %get3A_507 = arith.constant 1 : i32
        %get3A_508 = arith.constant 5 : i32
        %get3A_509 = arith.index_cast %get3A_507 : i32 to index
        %get3A_510 = arith.index_cast %scan3A_168 : i32 to index
        %get3A_511 = arith.index_cast %get3A_508 : i32 to index
        %get3A_512 = arith.constant 0 : index
        %get3A_513 = tpu.vector_load %arg6[%get3A_509, %get3A_510, %get3A_511, %get3A_512] {strides = array<i32>} : memref<2x16x8x64xf32, #tpu.memory_space<vmem>>, vector<16xf32>,
        %mul3A_514 = arith.constant 8.000000e+00 : f32
        %mul3A_515 = vector.broadcast %mul3A_514 : f32 to vector<16xf32>
        %mul3A_516 = arith.mulf %get3A_513, %mul3A_515 : vector<16xf32>
        %swap3A_517 = arith.constant 1 : i32
        %swap3A_518 = arith.constant 5 : i32
        %swap3A_519 = arith.index_cast %swap3A_517 : i32 to index
        %swap3A_520 = arith.index_cast %scan3A_168 : i32 to index
        %swap3A_521 = arith.index_cast %swap3A_518 : i32 to index
        %swap3A_522 = arith.constant 0 : index
        %swap3A_523 = tpu.vector_load %arg6[%swap3A_519, %swap3A_520, %swap3A_521, %swap3A_522] {strides = array<i32>} : memref<2x16x8x64xf32, #tpu.memory_space<vmem>>, vector<16xf32>,
        tpu.vector_store %arg6[%swap3A_519, %swap3A_520, %swap3A_521, %swap3A_522], %mul3A_516 {strides = array<i32>} : memref<2x16x8x64xf32, #tpu.memory_space<vmem>>, vector<16xf32>,
        %get3A_524 = arith.constant 1 : i32
        %get3A_525 = arith.constant 5 : i32
        %get3A_526 = arith.index_cast %get3A_524 : i32 to index
        %get3A_527 = arith.index_cast %scan3A_168 : i32 to index
        %get3A_528 = arith.index_cast %get3A_525 : i32 to index
        %get3A_529 = arith.constant 16 : index
        %get3A_530 = tpu.vector_load %arg6[%get3A_526, %get3A_527, %get3A_528, %get3A_529] {strides = array<i32>} : memref<2x16x8x64xf32, #tpu.memory_space<vmem>>, vector<16xf32>,
        %mul3A_531 = arith.constant 8.000000e+00 : f32
        %mul3A_532 = vector.broadcast %mul3A_531 : f32 to vector<16xf32>
        %mul3A_533 = arith.mulf %get3A_530, %mul3A_532 : vector<16xf32>
        %swap3A_534 = arith.constant 1 : i32
        %swap3A_535 = arith.constant 5 : i32
        %swap3A_536 = arith.index_cast %swap3A_534 : i32 to index
        %swap3A_537 = arith.index_cast %scan3A_168 : i32 to index
        %swap3A_538 = arith.index_cast %swap3A_535 : i32 to index
        %swap3A_539 = arith.constant 16 : index
        %swap3A_540 = tpu.vector_load %arg6[%swap3A_536, %swap3A_537, %swap3A_538, %swap3A_539] {strides = array<i32>} : memref<2x16x8x64xf32, #tpu.memory_space<vmem>>, vector<16xf32>,
        tpu.vector_store %arg6[%swap3A_536, %swap3A_537, %swap3A_538, %swap3A_539], %mul3A_533 {strides = array<i32>} : memref<2x16x8x64xf32, #tpu.memory_space<vmem>>, vector<16xf32>,
        %get3A_541 = arith.constant 1 : i32
        %get3A_542 = arith.constant 5 : i32
        %get3A_543 = arith.index_cast %get3A_541 : i32 to index
        %get3A_544 = arith.index_cast %scan3A_168 : i32 to index
        %get3A_545 = arith.index_cast %get3A_542 : i32 to index
        %get3A_546 = arith.constant 32 : index
        %get3A_547 = tpu.vector_load %arg6[%get3A_543, %get3A_544, %get3A_545, %get3A_546] {strides = array<i32>} : memref<2x16x8x64xf32, #tpu.memory_space<vmem>>, vector<16xf32>,
        %mul3A_548 = arith.constant 8.000000e+00 : f32
        %mul3A_549 = vector.broadcast %mul3A_548 : f32 to vector<16xf32>
        %mul3A_550 = arith.mulf %get3A_547, %mul3A_549 : vector<16xf32>
        %swap3A_551 = arith.constant 1 : i32
        %swap3A_552 = arith.constant 5 : i32
        %swap3A_553 = arith.index_cast %swap3A_551 : i32 to index
        %swap3A_554 = arith.index_cast %scan3A_168 : i32 to index
        %swap3A_555 = arith.index_cast %swap3A_552 : i32 to index
        %swap3A_556 = arith.constant 32 : index
        %swap3A_557 = tpu.vector_load %arg6[%swap3A_553, %swap3A_554, %swap3A_555, %swap3A_556] {strides = array<i32>} : memref<2x16x8x64xf32, #tpu.memory_space<vmem>>, vector<16xf32>,
        tpu.vector_store %arg6[%swap3A_553, %swap3A_554, %swap3A_555, %swap3A_556], %mul3A_550 {strides = array<i32>} : memref<2x16x8x64xf32, #tpu.memory_space<vmem>>, vector<16xf32>,
        %get3A_558 = arith.constant 1 : i32
        %get3A_559 = arith.constant 5 : i32
        %get3A_560 = arith.index_cast %get3A_558 : i32 to index
        %get3A_561 = arith.index_cast %scan3A_168 : i32 to index
        %get3A_562 = arith.index_cast %get3A_559 : i32 to index
        %get3A_563 = arith.constant 48 : index
        %get3A_564 = tpu.vector_load %arg6[%get3A_560, %get3A_561, %get3A_562, %get3A_563] {strides = array<i32>} : memref<2x16x8x64xf32, #tpu.memory_space<vmem>>, vector<16xf32>,
        %mul3A_565 = arith.constant 8.000000e+00 : f32
        %mul3A_566 = vector.broadcast %mul3A_565 : f32 to vector<16xf32>
        %mul3A_567 = arith.mulf %get3A_564, %mul3A_566 : vector<16xf32>
        %swap3A_568 = arith.constant 1 : i32
        %swap3A_569 = arith.constant 5 : i32
        %swap3A_570 = arith.index_cast %swap3A_568 : i32 to index
        %swap3A_571 = arith.index_cast %scan3A_168 : i32 to index
        %swap3A_572 = arith.index_cast %swap3A_569 : i32 to index
        %swap3A_573 = arith.constant 48 : index
        %swap3A_574 = tpu.vector_load %arg6[%swap3A_570, %swap3A_571, %swap3A_572, %swap3A_573] {strides = array<i32>} : memref<2x16x8x64xf32, #tpu.memory_space<vmem>>, vector<16xf32>,
        tpu.vector_store %arg6[%swap3A_570, %swap3A_571, %swap3A_572, %swap3A_573], %mul3A_567 {strides = array<i32>} : memref<2x16x8x64xf32, #tpu.memory_space<vmem>>, vector<16xf32>,
        %get3A_575 = arith.constant 1 : i32
        %get3A_576 = arith.constant 6 : i32
        %get3A_577 = arith.index_cast %get3A_575 : i32 to index
        %get3A_578 = arith.index_cast %scan3A_168 : i32 to index
        %get3A_579 = arith.index_cast %get3A_576 : i32 to index
        %get3A_580 = arith.constant 0 : index
        %get3A_581 = tpu.vector_load %arg6[%get3A_577, %get3A_578, %get3A_579, %get3A_580] {strides = array<i32>} : memref<2x16x8x64xf32, #tpu.memory_space<vmem>>, vector<16xf32>,
        %mul3A_582 = arith.constant 8.000000e+00 : f32
        %mul3A_583 = vector.broadcast %mul3A_582 : f32 to vector<16xf32>
        %mul3A_584 = arith.mulf %get3A_581, %mul3A_583 : vector<16xf32>
        %swap3A_585 = arith.constant 1 : i32
        %swap3A_586 = arith.constant 6 : i32
        %swap3A_587 = arith.index_cast %swap3A_585 : i32 to index
        %swap3A_588 = arith.index_cast %scan3A_168 : i32 to index
        %swap3A_589 = arith.index_cast %swap3A_586 : i32 to index
        %swap3A_590 = arith.constant 0 : index
        %swap3A_591 = tpu.vector_load %arg6[%swap3A_587, %swap3A_588, %swap3A_589, %swap3A_590] {strides = array<i32>} : memref<2x16x8x64xf32, #tpu.memory_space<vmem>>, vector<16xf32>,
        tpu.vector_store %arg6[%swap3A_587, %swap3A_588, %swap3A_589, %swap3A_590], %mul3A_584 {strides = array<i32>} : memref<2x16x8x64xf32, #tpu.memory_space<vmem>>, vector<16xf32>,
        %get3A_592 = arith.constant 1 : i32
        %get3A_593 = arith.constant 6 : i32
        %get3A_594 = arith.index_cast %get3A_592 : i32 to index
        %get3A_595 = arith.index_cast %scan3A_168 : i32 to index
        %get3A_596 = arith.index_cast %get3A_593 : i32 to index
        %get3A_597 = arith.constant 16 : index
        %get3A_598 = tpu.vector_load %arg6[%get3A_594, %get3A_595, %get3A_596, %get3A_597] {strides = array<i32>} : memref<2x16x8x64xf32, #tpu.memory_space<vmem>>, vector<16xf32>,
        %mul3A_599 = arith.constant 8.000000e+00 : f32
        %mul3A_600 = vector.broadcast %mul3A_599 : f32 to vector<16xf32>
        %mul3A_601 = arith.mulf %get3A_598, %mul3A_600 : vector<16xf32>
        %swap3A_602 = arith.constant 1 : i32
        %swap3A_603 = arith.constant 6 : i32
        %swap3A_604 = arith.index_cast %swap3A_602 : i32 to index
        %swap3A_605 = arith.index_cast %scan3A_168 : i32 to index
        %swap3A_606 = arith.index_cast %swap3A_603 : i32 to index
        %swap3A_607 = arith.constant 16 : index
        %swap3A_608 = tpu.vector_load %arg6[%swap3A_604, %swap3A_605, %swap3A_606, %swap3A_607] {strides = array<i32>} : memref<2x16x8x64xf32, #tpu.memory_space<vmem>>, vector<16xf32>,
        tpu.vector_store %arg6[%swap3A_604, %swap3A_605, %swap3A_606, %swap3A_607], %mul3A_601 {strides = array<i32>} : memref<2x16x8x64xf32, #tpu.memory_space<vmem>>, vector<16xf32>,
        %get3A_609 = arith.constant 1 : i32
        %get3A_610 = arith.constant 6 : i32
        %get3A_611 = arith.index_cast %get3A_609 : i32 to index
        %get3A_612 = arith.index_cast %scan3A_168 : i32 to index
        %get3A_613 = arith.index_cast %get3A_610 : i32 to index
        %get3A_614 = arith.constant 32 : index
        %get3A_615 = tpu.vector_load %arg6[%get3A_611, %get3A_612, %get3A_613, %get3A_614] {strides = array<i32>} : memref<2x16x8x64xf32, #tpu.memory_space<vmem>>, vector<16xf32>,
        %mul3A_616 = arith.constant 8.000000e+00 : f32
        %mul3A_617 = vector.broadcast %mul3A_616 : f32 to vector<16xf32>
        %mul3A_618 = arith.mulf %get3A_615, %mul3A_617 : vector<16xf32>
        %swap3A_619 = arith.constant 1 : i32
        %swap3A_620 = arith.constant 6 : i32
        %swap3A_621 = arith.index_cast %swap3A_619 : i32 to index
        %swap3A_622 = arith.index_cast %scan3A_168 : i32 to index
        %swap3A_623 = arith.index_cast %swap3A_620 : i32 to index
        %swap3A_624 = arith.constant 32 : index
        %swap3A_625 = tpu.vector_load %arg6[%swap3A_621, %swap3A_622, %swap3A_623, %swap3A_624] {strides = array<i32>} : memref<2x16x8x64xf32, #tpu.memory_space<vmem>>, vector<16xf32>,
        tpu.vector_store %arg6[%swap3A_621, %swap3A_622, %swap3A_623, %swap3A_624], %mul3A_618 {strides = array<i32>} : memref<2x16x8x64xf32, #tpu.memory_space<vmem>>, vector<16xf32>,
        %get3A_626 = arith.constant 1 : i32
        %get3A_627 = arith.constant 6 : i32
        %get3A_628 = arith.index_cast %get3A_626 : i32 to index
        %get3A_629 = arith.index_cast %scan3A_168 : i32 to index
        %get3A_630 = arith.index_cast %get3A_627 : i32 to index
        %get3A_631 = arith.constant 48 : index
        %get3A_632 = tpu.vector_load %arg6[%get3A_628, %get3A_629, %get3A_630, %get3A_631] {strides = array<i32>} : memref<2x16x8x64xf32, #tpu.memory_space<vmem>>, vector<16xf32>,
        %mul3A_633 = arith.constant 8.000000e+00 : f32
        %mul3A_634 = vector.broadcast %mul3A_633 : f32 to vector<16xf32>
        %mul3A_635 = arith.mulf %get3A_632, %mul3A_634 : vector<16xf32>
        %swap3A_636 = arith.constant 1 : i32
        %swap3A_637 = arith.constant 6 : i32
        %swap3A_638 = arith.index_cast %swap3A_636 : i32 to index
        %swap3A_639 = arith.index_cast %scan3A_168 : i32 to index
        %swap3A_640 = arith.index_cast %swap3A_637 : i32 to index
        %swap3A_641 = arith.constant 48 : index
        %swap3A_642 = tpu.vector_load %arg6[%swap3A_638, %swap3A_639, %swap3A_640, %swap3A_641] {strides = array<i32>} : memref<2x16x8x64xf32, #tpu.memory_space<vmem>>, vector<16xf32>,
        tpu.vector_store %arg6[%swap3A_638, %swap3A_639, %swap3A_640, %swap3A_641], %mul3A_635 {strides = array<i32>} : memref<2x16x8x64xf32, #tpu.memory_space<vmem>>, vector<16xf32>,
        %get3A_643 = arith.constant 1 : i32
        %get3A_644 = arith.constant 7 : i32
        %get3A_645 = arith.index_cast %get3A_643 : i32 to index
        %get3A_646 = arith.index_cast %scan3A_168 : i32 to index
        %get3A_647 = arith.index_cast %get3A_644 : i32 to index
        %get3A_648 = arith.constant 0 : index
        %get3A_649 = tpu.vector_load %arg6[%get3A_645, %get3A_646, %get3A_647, %get3A_648] {strides = array<i32>} : memref<2x16x8x64xf32, #tpu.memory_space<vmem>>, vector<16xf32>,
        %mul3A_650 = arith.constant 8.000000e+00 : f32
        %mul3A_651 = vector.broadcast %mul3A_650 : f32 to vector<16xf32>
        %mul3A_652 = arith.mulf %get3A_649, %mul3A_651 : vector<16xf32>
        %swap3A_653 = arith.constant 1 : i32
        %swap3A_654 = arith.constant 7 : i32
        %swap3A_655 = arith.index_cast %swap3A_653 : i32 to index
        %swap3A_656 = arith.index_cast %scan3A_168 : i32 to index
        %swap3A_657 = arith.index_cast %swap3A_654 : i32 to index
        %swap3A_658 = arith.constant 0 : index
        %swap3A_659 = tpu.vector_load %arg6[%swap3A_655, %swap3A_656, %swap3A_657, %swap3A_658] {strides = array<i32>} : memref<2x16x8x64xf32, #tpu.memory_space<vmem>>, vector<16xf32>,
        tpu.vector_store %arg6[%swap3A_655, %swap3A_656, %swap3A_657, %swap3A_658], %mul3A_652 {strides = array<i32>} : memref<2x16x8x64xf32, #tpu.memory_space<vmem>>, vector<16xf32>,
        %get3A_660 = arith.constant 1 : i32
        %get3A_661 = arith.constant 7 : i32
        %get3A_662 = arith.index_cast %get3A_660 : i32 to index
        %get3A_663 = arith.index_cast %scan3A_168 : i32 to index
        %get3A_664 = arith.index_cast %get3A_661 : i32 to index
        %get3A_665 = arith.constant 16 : index
        %get3A_666 = tpu.vector_load %arg6[%get3A_662, %get3A_663, %get3A_664, %get3A_665] {strides = array<i32>} : memref<2x16x8x64xf32, #tpu.memory_space<vmem>>, vector<16xf32>,
        %mul3A_667 = arith.constant 8.000000e+00 : f32
        %mul3A_668 = vector.broadcast %mul3A_667 : f32 to vector<16xf32>
        %mul3A_669 = arith.mulf %get3A_666, %mul3A_668 : vector<16xf32>
        %swap3A_670 = arith.constant 1 : i32
        %swap3A_671 = arith.constant 7 : i32
        %swap3A_672 = arith.index_cast %swap3A_670 : i32 to index
        %swap3A_673 = arith.index_cast %scan3A_168 : i32 to index
        %swap3A_674 = arith.index_cast %swap3A_671 : i32 to index
        %swap3A_675 = arith.constant 16 : index
        %swap3A_676 = tpu.vector_load %arg6[%swap3A_672, %swap3A_673, %swap3A_674, %swap3A_675] {strides = array<i32>} : memref<2x16x8x64xf32, #tpu.memory_space<vmem>>, vector<16xf32>,
        tpu.vector_store %arg6[%swap3A_672, %swap3A_673, %swap3A_674, %swap3A_675], %mul3A_669 {strides = array<i32>} : memref<2x16x8x64xf32, #tpu.memory_space<vmem>>, vector<16xf32>,
        %get3A_677 = arith.constant 1 : i32
        %get3A_678 = arith.constant 7 : i32
        %get3A_679 = arith.index_cast %get3A_677 : i32 to index
        %get3A_680 = arith.index_cast %scan3A_168 : i32 to index
        %get3A_681 = arith.index_cast %get3A_678 : i32 to index
        %get3A_682 = arith.constant 32 : index
        %get3A_683 = tpu.vector_load %arg6[%get3A_679, %get3A_680, %get3A_681, %get3A_682] {strides = array<i32>} : memref<2x16x8x64xf32, #tpu.memory_space<vmem>>, vector<16xf32>,
        %mul3A_684 = arith.constant 8.000000e+00 : f32
        %mul3A_685 = vector.broadcast %mul3A_684 : f32 to vector<16xf32>
        %mul3A_686 = arith.mulf %get3A_683, %mul3A_685 : vector<16xf32>
        %swap3A_687 = arith.constant 1 : i32
        %swap3A_688 = arith.constant 7 : i32
        %swap3A_689 = arith.index_cast %swap3A_687 : i32 to index
        %swap3A_690 = arith.index_cast %scan3A_168 : i32 to index
        %swap3A_691 = arith.index_cast %swap3A_688 : i32 to index
        %swap3A_692 = arith.constant 32 : index
        %swap3A_693 = tpu.vector_load %arg6[%swap3A_689, %swap3A_690, %swap3A_691, %swap3A_692] {strides = array<i32>} : memref<2x16x8x64xf32, #tpu.memory_space<vmem>>, vector<16xf32>,
        tpu.vector_store %arg6[%swap3A_689, %swap3A_690, %swap3A_691, %swap3A_692], %mul3A_686 {strides = array<i32>} : memref<2x16x8x64xf32, #tpu.memory_space<vmem>>, vector<16xf32>,
        %get3A_694 = arith.constant 1 : i32
        %get3A_695 = arith.constant 7 : i32
        %get3A_696 = arith.index_cast %get3A_694 : i32 to index
        %get3A_697 = arith.index_cast %scan3A_168 : i32 to index
        %get3A_698 = arith.index_cast %get3A_695 : i32 to index
        %get3A_699 = arith.constant 48 : index
        %get3A_700 = tpu.vector_load %arg6[%get3A_696, %get3A_697, %get3A_698, %get3A_699] {strides = array<i32>} : memref<2x16x8x64xf32, #tpu.memory_space<vmem>>, vector<16xf32>,
        %mul3A_701 = arith.constant 8.000000e+00 : f32
        %mul3A_702 = vector.broadcast %mul3A_701 : f32 to vector<16xf32>
        %mul3A_703 = arith.mulf %get3A_700, %mul3A_702 : vector<16xf32>
        %swap3A_704 = arith.constant 1 : i32
        %swap3A_705 = arith.constant 7 : i32
        %swap3A_706 = arith.index_cast %swap3A_704 : i32 to index
        %swap3A_707 = arith.index_cast %scan3A_168 : i32 to index
        %swap3A_708 = arith.index_cast %swap3A_705 : i32 to index
        %swap3A_709 = arith.constant 48 : index
        %swap3A_710 = tpu.vector_load %arg6[%swap3A_706, %swap3A_707, %swap3A_708, %swap3A_709] {strides = array<i32>} : memref<2x16x8x64xf32, #tpu.memory_space<vmem>>, vector<16xf32>,
        tpu.vector_store %arg6[%swap3A_706, %swap3A_707, %swap3A_708, %swap3A_709], %mul3A_703 {strides = array<i32>} : memref<2x16x8x64xf32, #tpu.memory_space<vmem>>, vector<16xf32>,
      }
      %scan3A_146 = arith.constant 16 : i32
      %dma_start3A_147 = arith.constant 1 : i32
      %dma_start3A_148 = arith.constant 0 : i32
      %dma_start3A_149 = arith.constant 0 : i32
      %dma_start3A_150 = arith.constant 0 : i32
      %dma_start3A_151 = tpu.memref_slice %arg6[%dma_start3A_147, %dma_start3A_148, %dma_start3A_149, %dma_start3A_150] : memref<2x16x8x64xf32, #tpu.memory_space<vmem>> -> memref<1x16x8x64xf32, #tpu.memory_space<vmem>>
      %dma_start3A_152 = tpu.memref_squeeze %dma_start3A_151 : memref<1x16x8x64xf32, #tpu.memory_space<vmem>> -> memref<16x8x64xf32, #tpu.memory_space<vmem>>
      %dma_start3A_153 = arith.constant 0 : i32
      %dma_start3A_154 = arith.constant 0 : i32
      %dma_start3A_155 = arith.constant 0 : i32
      %dma_start3A_156 = tpu.memref_slice %arg4[%add3A_114, %add3A, %dma_start3A_153, %dma_start3A_154, %dma_start3A_155] : memref<50x32x16x8x64xf32, #tpu.memory_space<hbm>> -> memref<1x1x16x8x64xf32, #tpu.memory_space<hbm>>
      %dma_start3A_157 = tpu.memref_squeeze %dma_start3A_156 : memref<1x1x16x8x64xf32, #tpu.memory_space<hbm>> -> memref<16x8x64xf32, #tpu.memory_space<hbm>>
      %dma_start3A_158 = arith.constant 0 : i32
      %dma_start3A_159 = arith.constant 0 : i32
      %dma_start3A_160 = arith.constant 0 : i32
      %dma_start3A_161 = tpu.memref_slice %arg4[%add3A_114, %add3A, %dma_start3A_158, %dma_start3A_159, %dma_start3A_160] : memref<50x32x16x8x64xf32, #tpu.memory_space<hbm>> -> memref<1x1x16x8x64xf32, #tpu.memory_space<hbm>>
      %dma_start3A_162 = tpu.memref_squeeze %dma_start3A_161 : memref<1x1x16x8x64xf32, #tpu.memory_space<hbm>> -> memref<16x8x64xf32, #tpu.memory_space<hbm>>
      %dma_start3A_163 = arith.constant 0 : i32
      %dma_start3A_164 = arith.constant 0 : i32
      %dma_start3A_165 = arith.constant 0 : i32
      %dma_start3A_166 = tpu.memref_slice %arg6[%dma_start3A_147, %dma_start3A_163, %dma_start3A_164, %dma_start3A_165] : memref<2x16x8x64xf32, #tpu.memory_space<vmem>> -> memref<1x16x8x64xf32, #tpu.memory_space<vmem>>
      %dma_start3A_167 = tpu.memref_squeeze %dma_start3A_166 : memref<1x16x8x64xf32, #tpu.memory_space<vmem>> -> memref<16x8x64xf32, #tpu.memory_space<vmem>>
      tpu.enqueue_dma source(%dma_start3A_167 : memref<16x8x64xf32, #tpu.memory_space<vmem>>) target(%dma_start3A_162 : memref<16x8x64xf32, #tpu.memory_space<hbm>>) target_semaphore(%arg10 : memref<!tpu.dma_semaphore, #tpu.memory_space<semaphore_mem>>)
    }
    %scan3A_13 = arith.constant 25 : i32
    %dma_wait3A = arith.constant 0 : i32
    %dma_wait3A_14 = arith.constant 48 : i32
    %dma_wait3A_15 = arith.constant 0 : i32
    %dma_wait3A_16 = arith.constant 0 : i32
    %dma_wait3A_17 = arith.constant 0 : i32
    %dma_wait3A_18 = tpu.memref_slice %arg6[%dma_wait3A, %dma_wait3A_15, %dma_wait3A_16, %dma_wait3A_17] : memref<2x16x8x64xf32, #tpu.memory_space<vmem>> -> memref<1x16x8x64xf32, #tpu.memory_space<vmem>>
    %dma_wait3A_19 = tpu.memref_squeeze %dma_wait3A_18 : memref<1x16x8x64xf32, #tpu.memory_space<vmem>> -> memref<16x8x64xf32, #tpu.memory_space<vmem>>
    %dma_wait3A_20 = arith.constant 0 : i32
    %dma_wait3A_21 = arith.constant 0 : i32
    %dma_wait3A_22 = arith.constant 0 : i32
    %dma_wait3A_23 = tpu.memref_slice %arg4[%dma_wait3A_14, %add3A, %dma_wait3A_20, %dma_wait3A_21, %dma_wait3A_22] : memref<50x32x16x8x64xf32, #tpu.memory_space<hbm>> -> memref<1x1x16x8x64xf32, #tpu.memory_space<hbm>>
    %dma_wait3A_24 = tpu.memref_squeeze %dma_wait3A_23 : memref<1x1x16x8x64xf32, #tpu.memory_space<hbm>> -> memref<16x8x64xf32, #tpu.memory_space<hbm>>
    %dma_wait3A_25 = arith.constant 0 : i32
    %dma_wait3A_26 = arith.constant 0 : i32
    %dma_wait3A_27 = arith.constant 0 : i32
    %dma_wait3A_28 = tpu.memref_slice %arg4[%dma_wait3A_14, %add3A, %dma_wait3A_25, %dma_wait3A_26, %dma_wait3A_27] : memref<50x32x16x8x64xf32, #tpu.memory_space<hbm>> -> memref<1x1x16x8x64xf32, #tpu.memory_space<hbm>>
    %dma_wait3A_29 = tpu.memref_squeeze %dma_wait3A_28 : memref<1x1x16x8x64xf32, #tpu.memory_space<hbm>> -> memref<16x8x64xf32, #tpu.memory_space<hbm>>
    %dma_wait3A_30 = arith.constant 0 : i32
    %dma_wait3A_31 = arith.constant 0 : i32
    %dma_wait3A_32 = arith.constant 0 : i32
    %dma_wait3A_33 = tpu.memref_slice %arg6[%dma_wait3A, %dma_wait3A_30, %dma_wait3A_31, %dma_wait3A_32] : memref<2x16x8x64xf32, #tpu.memory_space<vmem>> -> memref<1x16x8x64xf32, #tpu.memory_space<vmem>>
    %dma_wait3A_34 = tpu.memref_squeeze %dma_wait3A_33 : memref<1x16x8x64xf32, #tpu.memory_space<vmem>> -> memref<16x8x64xf32, #tpu.memory_space<vmem>>
    tpu.wait_dma2 semaphore(%arg9 : memref<!tpu.dma_semaphore, #tpu.memory_space<semaphore_mem>>) src(%dma_wait3A_34 : memref<16x8x64xf32, #tpu.memory_space<vmem>>) dst(%dma_wait3A_29 : memref<16x8x64xf32, #tpu.memory_space<hbm>>)
    %dma_wait3A_35 = arith.constant 1 : i32
    %dma_wait3A_36 = arith.constant 49 : i32
    %dma_wait3A_37 = arith.constant 0 : i32
    %dma_wait3A_38 = arith.constant 0 : i32
    %dma_wait3A_39 = arith.constant 0 : i32
    %dma_wait3A_40 = tpu.memref_slice %arg6[%dma_wait3A_35, %dma_wait3A_37, %dma_wait3A_38, %dma_wait3A_39] : memref<2x16x8x64xf32, #tpu.memory_space<vmem>> -> memref<1x16x8x64xf32, #tpu.memory_space<vmem>>
    %dma_wait3A_41 = tpu.memref_squeeze %dma_wait3A_40 : memref<1x16x8x64xf32, #tpu.memory_space<vmem>> -> memref<16x8x64xf32, #tpu.memory_space<vmem>>
    %dma_wait3A_42 = arith.constant 0 : i32
    %dma_wait3A_43 = arith.constant 0 : i32
    %dma_wait3A_44 = arith.constant 0 : i32
    %dma_wait3A_45 = tpu.memref_slice %arg4[%dma_wait3A_36, %add3A, %dma_wait3A_42, %dma_wait3A_43, %dma_wait3A_44] : memref<50x32x16x8x64xf32, #tpu.memory_space<hbm>> -> memref<1x1x16x8x64xf32, #tpu.memory_space<hbm>>
    %dma_wait3A_46 = tpu.memref_squeeze %dma_wait3A_45 : memref<1x1x16x8x64xf32, #tpu.memory_space<hbm>> -> memref<16x8x64xf32, #tpu.memory_space<hbm>>
    %dma_wait3A_47 = arith.constant 0 : i32
    %dma_wait3A_48 = arith.constant 0 : i32
    %dma_wait3A_49 = arith.constant 0 : i32
    %dma_wait3A_50 = tpu.memref_slice %arg4[%dma_wait3A_36, %add3A, %dma_wait3A_47, %dma_wait3A_48, %dma_wait3A_49] : memref<50x32x16x8x64xf32, #tpu.memory_space<hbm>> -> memref<1x1x16x8x64xf32, #tpu.memory_space<hbm>>
    %dma_wait3A_51 = tpu.memref_squeeze %dma_wait3A_50 : memref<1x1x16x8x64xf32, #tpu.memory_space<hbm>> -> memref<16x8x64xf32, #tpu.memory_space<hbm>>
    %dma_wait3A_52 = arith.constant 0 : i32
    %dma_wait3A_53 = arith.constant 0 : i32
    %dma_wait3A_54 = arith.constant 0 : i32
    %dma_wait3A_55 = tpu.memref_slice %arg6[%dma_wait3A_35, %dma_wait3A_52, %dma_wait3A_53, %dma_wait3A_54] : memref<2x16x8x64xf32, #tpu.memory_space<vmem>> -> memref<1x16x8x64xf32, #tpu.memory_space<vmem>>
    %dma_wait3A_56 = tpu.memref_squeeze %dma_wait3A_55 : memref<1x16x8x64xf32, #tpu.memory_space<vmem>> -> memref<16x8x64xf32, #tpu.memory_space<vmem>>
    tpu.wait_dma2 semaphore(%arg10 : memref<!tpu.dma_semaphore, #tpu.memory_space<semaphore_mem>>) src(%dma_wait3A_56 : memref<16x8x64xf32, #tpu.memory_space<vmem>>) dst(%dma_wait3A_51 : memref<16x8x64xf32, #tpu.memory_space<hbm>>)
    return
  }
}

</mosaic_0001>

<sc_bundles>
// kernel: kernel.3.cloned.1.call-start
scs
__scs_entry_jumppad:
0x0: {  	(pc) =	sbr.rel $0x88, $3  }
0x1: {  	(tag) =	ssettag $0x0;
	lr =	simm.s32 $0x1  }
0x2: {  	[smem:$0x3F9F] =	sst lr;
	_ =	strace $0xD0000000  }
0x3: {  	_ = 	snop  }
0x4: {  	_ = 	snop  }
0x5: {  	_ = 	snop  }
0x6: {  	_ = 	snop  }
0x7: {  	_ = 	snop  }
__scs_overlays_trampoline_lowered:
0x8: {  	[smem:$0x3FAE] =	sst s0  }
0x9: {  	[smem:$0x3FAF] =	sst s1  }
0xa: {  	[smem:$0x3FB0] =	sst s2  }
0xb: {  	[smem:$0x3FB1] =	sst s3  }
0xc: {  	[smem:$0x3FB2] =	sst s4  }
0xd: {  	[smem:$0x3FB3] =	sst s5  }
0xe: {  	[smem:$0x3FB4] =	sst s6  }
0xf: {  	[smem:$0x3FB5] =	sst s7  }
0x10: {  	[smem:$0x3FB6] =	sst s8  }
0x11: {  	[smem:$0x3FB7] =	sst s9;
	s0 =	simm.s32 @!p0 $0x0  }
0x12: {  	s1 =	sld [smem:$0x3F9D];
	s0 =	simm.s32 @p0 $0x1  }
0x13: {  	[smem:$0x3FB8] =	sst s0;
	s0 =	simm.s32 @!p1 $0x0  }
0x14: {  	s2 =	sld [smem:$0x3F9C];
	s0 =	simm.s32 @p1 $0x1  }
0x15: {  	[smem:$0x3FB9] =	sst s0;
	s0 =	simm.s32 @!p2 $0x0  }
0x16: {  	s3 =	sld [smem:$0x3FDB];
	s0 =	simm.s32 @p2 $0x1  }
0x17: {  	s4 =	simm.s32 $0x1BF5;
	[smem:$0x3FBB] =	sst s0  }
0x18: {  	s0 =	sld [smem:$0x3F9E];
	_ =	swait.ge [sflag:s4], $0x0  }
0x19: {  	s7 =	sld [smem:$0x3F9F]  }
0x1a: {  	s8 =	sadd.s32 $0xFFFFE003, lr  }
0x1b: {  	s9 =	sadd.s32 $0xFFFFFEF7, lr;
	s5 =	simm.s32 $0xFFFFFFFF;
	p2 =	slt.u32 s8, $0xFFFFF086  }
0x1c: {  	p1 =	slt.u32 s9, $0xF7A;
	s5 =	simm.s32 @!p2 $0x0  }
0x1d: {  	s5 =	simm.s32 @p1 $0x1;
	p0 =	seq.s32 s7, s2  }
0x1e: {  	s7 =	smul.u32 @!p0 $0xF7A, s2;
	p2 =	seq.s32 @!p0 s5, $0x0  }
0x1f: {  	s9 =	smul.u32 $0xF7A, s1;
	s8 =	simm.s32 @!p0 $0x1BF5;
	p2 =	por !p2, p0  }
0x20: {  	[sflag:s8] =	ssyncset.s32 @!p0 $0xFFFFF086;
	s6 =	sadd.s32 @!p0 s3, s7;
	s7 =	simm.s32 @!p0 $0x108  }
0x21: {  	s3 =	sadd.s32 s3, s9;
	s6 =	sadd.s32 @!p0 $0x88, s6;
	s7 =	simm.s32 @p2 $0x1082  }
0x22: {  	[simem:s7], [sflag:s8] =	dma.local @!p0 [hbm:s6], $0xF7A  }
0x23: {  	s9 =	sor.u32 $0xD0000000, s2;
	s6 =	simm.s32 $0x108;
	_ =	swait.ge @!p0 [sflag:s8], $0x0  }
0x24: {  	s3 =	sadd.s32 $0x88, s3;
	s6 =	simm.s32 @!p1 $0x1082;
	[sflag:s4] =	ssyncset.s32 $0xFFFFF086  }
0x25: {  	[simem:s6], [sflag:s4] =	dma.local [hbm:s3], $0xF7A  }
0x26: {  	[smem:$0x3F9F] =	sst s1;
	(tag) =	ssettag s2;
	_ =	strace s9  }
0x27: {  	s1 =	sld [smem:$0x3FAF]  }
0x28: {  	s2 =	sld [smem:$0x3FB0]  }
0x29: {  	s4 =	sld [smem:$0x3FB2]  }
0x2a: {  	p0 =	seq.s32 s5, $0x0;
	s5 =	sld [smem:$0x3FB3]  }
0x2b: {  	s6 =	sld [smem:$0x3FB4]  }
0x2c: {  	s7 =	sld [smem:$0x3FB5]  }
0x2d: {  	s3 =	simm.s32 $0x108;
	s8 =	sld [smem:$0x3FB6]  }
0x2e: {  	s3 =	simm.s32 @!p0 $0x1082;
	s9 =	sld [smem:$0x3FB7]  }
0x2f: {  	lr =	sadd.s32 s0, s3;
	s0 =	sld [smem:$0x3FAE]  }
0x30: {  	s3 =	sld [smem:$0x3FB1]  }
0x31: {  	[smem:$0x3FBA] =	sst s10  }
0x32: {  	s10 =	sld [smem:$0x3FB8];
	_ =	sdelay $0x3  }
0x33: {  	p0 =	seq.s32 s10, $0x1;
	s10 =	sld [smem:$0x3FBA];
	_ =	sdelay $0x3  }
0x34: {  	[smem:$0x3FBA] =	sst s10  }
0x35: {  	s10 =	sld [smem:$0x3FB9];
	_ =	sdelay $0x3  }
0x36: {  	p1 =	seq.s32 s10, $0x1;
	s10 =	sld [smem:$0x3FBA];
	_ =	sdelay $0x3  }
0x37: {  	[smem:$0x3FBA] =	sst s10  }
0x38: {  	s10 =	sld [smem:$0x3FBB]  }
0x39: {  	_ = 	snop;
	(pc) =	sbr.ind lr, $3  }
0x3a: {  	_ = 	snop  }
0x3b: {  	_ = 	snop  }
0x3c: {  	p2 =	seq.s32 s10, $0x1;
	s10 =	sld [smem:$0x3FBA]  }
0x3d: {  	_ =	shalt  }
0x3e: {  	_ =	shalt  }
0x3f: {  	_ =	shalt  }
0x40: {  	_ =	shalt  }
0x41: {  	_ =	shalt  }
0x42: {  	_ =	shalt  }
0x43: {  	_ =	shalt  }
0x44: {  	_ =	shalt  }
0x45: {  	_ =	shalt  }
0x46: {  	_ =	shalt  }
0x47: {  	_ =	shalt  }
0x48: {  	_ =	shalt  }
0x49: {  	_ =	shalt  }
0x4a: {  	_ =	shalt  }
0x4b: {  	_ =	shalt  }
0x4c: {  	_ =	shalt  }
0x4d: {  	_ =	shalt  }
0x4e: {  	_ =	shalt  }
0x4f: {  	_ =	shalt  }
0x50: {  	_ =	shalt  }
0x51: {  	_ =	shalt  }
0x52: {  	_ =	shalt  }
0x53: {  	_ =	shalt  }
0x54: {  	_ =	shalt  }
0x55: {  	_ =	shalt  }
0x56: {  	_ =	shalt  }
0x57: {  	_ =	shalt  }
0x58: {  	_ =	shalt  }
0x59: {  	_ =	shalt  }
0x5a: {  	_ =	shalt  }
0x5b: {  	_ =	shalt  }
0x5c: {  	_ =	shalt  }
0x5d: {  	_ =	shalt  }
0x5e: {  	_ =	shalt  }
0x5f: {  	_ =	shalt  }
0x60: {  	_ =	shalt  }
0x61: {  	_ =	shalt  }
0x62: {  	_ =	shalt  }
0x63: {  	_ =	shalt  }
0x64: {  	_ =	shalt  }
0x65: {  	_ =	shalt  }
0x66: {  	_ =	shalt  }
0x67: {  	_ =	shalt  }
0x68: {  	_ =	shalt  }
0x69: {  	_ =	shalt  }
0x6a: {  	_ =	shalt  }
0x6b: {  	_ =	shalt  }
0x6c: {  	_ =	shalt  }
0x6d: {  	_ =	shalt  }
0x6e: {  	_ =	shalt  }
0x6f: {  	_ =	shalt  }
0x70: {  	_ =	shalt  }
0x71: {  	_ =	shalt  }
0x72: {  	_ =	shalt  }
0x73: {  	_ =	shalt  }
0x74: {  	_ =	shalt  }
0x75: {  	_ =	shalt  }
0x76: {  	_ =	shalt  }
0x77: {  	_ =	shalt  }
0x78: {  	_ =	shalt  }
0x79: {  	_ =	shalt  }
0x7a: {  	_ =	shalt  }
0x7b: {  	_ =	shalt  }
0x7c: {  	_ =	shalt  }
0x7d: {  	_ =	shalt  }
0x7e: {  	_ =	shalt  }
0x7f: {  	_ =	shalt  }
0x80: {  	_ =	shalt  }
0x81: {  	_ =	shalt  }
0x82: {  	_ =	shalt  }
0x83: {  	_ =	shalt  }
0x84: {  	_ =	shalt  }
0x85: {  	_ =	shalt  }
0x86: {  	_ =	shalt  }
0x87: {  	_ =	shalt  }
.Lfunc_end0:
.L_simem_size_0:
called_computation.1_lowered:
.L_overlay_start_0:
0x88: {  	s2 =	sld [smem:$0x3FD9]  }
0x89: {  	s3 =	sld [smem:$0x3FFE];
	_ =	sdelay $0x1  }
0x8a: {  	s1 =	srdreg.scid  }
0x8b: {  	s0 =	sand.u32 $0x1, s1  }
0x8c: {  	s17 =	sshll.u32 s0, $0xA;
	s2 =	sadd.s32 s3, s2  }
0x8d: {  	s2 =	sadd.s32 s2, s17  }
0x8e: {  	[smem:$0x3FC6] =	sst s2  }
0x8f: {  	_ = 	snop  }
0x90: {  	s2 =	sld [smem:$0x3FD0];
	(tm) =	ssettm $0x1  }
0x91: {  	s18 =	sld [smem:$0x3FFB];
	_ =	sdelay $0x3  }
0x92: {  	_ =	strace s18  }
0x93: {  	s3 =	sld [smem:$0x3FFC];
	_ =	sdelay $0x3  }
0x94: {  	_ =	strace s3  }
0x95: {  	s3 =	sld [smem:$0x3FFD];
	_ =	sdelay $0x3  }
0x96: {  	_ =	strace s3  }
0x97: {  	_ =	strace $0x8FFFFFFF  }
0x98: {  	s19 =	sld [smem:$0x3FDB];
	_ =	sdelay $0x1  }
0x99: {  	s4 =	simm.s32 $_scs_section_size  }
0x9a: {  	s5 =	simm.s32 $_size__tile_overlayer_lowered;
	s6 =	simm.s32 $_tile_overlayer_lowered  }
0x9b: {  	s22 =	simm.s32 $0x1BFF;
	s21 =	sshll.u32 s6, $0x1;
	s3 =	sadd.s32 s4, s19  }
0x9c: {  	s7 =	simm.s32 $0x0;
	s20 =	sshll.u32 s5, $0x1;
	s5 =	sadd.s32 s21, s3  }
0x9d: {  	[timem:s7], [sflag:s22] =	dma.local [hbm:s5], s20  }
0x9e: {  	_ =	swait.ge [sflag:s22], s20  }
0x9f: {  	s4 =	ssub.s32 $0x0, s20;
	[sflag:s22] =	ssyncset.done $0x0  }
0xa0: {  	[sflag:s22] =	ssyncadd.s32 s4;
	_ =	sdelay $0x1  }
0xa1: {  	s23 =	simm.s32 $0x1B8B  }
0xa2: {  	_ =	swait.ge [sflag:s23], $0x1  }
0xa3: {  	[sflag:s23] =	ssyncset.done $0x0  }
0xa4: {  	s25 =	simm.s32 $0x1B8E;
	s24 =	sld [smem:$0x3FFE];
	[sflag:s23] =	ssyncadd.s32 $0xFFFFFFFF  }
0xa5: {  	s26 =	simm.s32 $execute0_lowered;
	[smem:$0x3FD2] =	sst s25  }
0xa6: {  	s5 =	sshll.u32 s26, $0x1;
	_ =	strace $0x80000046;
	[dreg:$0x1] =	wrdreg $0xFFFFFFFF  }
0xa7: {  	s28 =	simm.s32 $_size_execute0_lowered;
	s3 =	sadd.s32 s3, s5;
	[dreg:$0x0] =	wrdreg $0x0  }
0xa8: {  	s5 =	sshll.u32 s28, $0x1;
	[dreg:$0x2] =	wrdreg s3  }
0xa9: {  	[dreg:$0x3] =	wrdreg s5  }
0xaa: {  	[dreg:$0x4] =	wrdreg $0xC0  }
0xab: {  	_ =	task [dreg:s7], $0x5FFFF  }
0xac: {  	[dreg:$0x1] =	wrdreg $0xFFFFFFFF  }
0xad: {  	[dreg:$0x0] =	wrdreg $0x60  }
0xae: {  	[dreg:$0x2] =	wrdreg s2  }
0xaf: {  	[dreg:$0x3] =	wrdreg s24  }
0xb0: {  	[dreg:$0x4] =	wrdreg $0x9  }
0xb1: {  	_ =	task.clear_ibuf [dreg:s7], $0x5FFFF;
	_ =	strace $0x90000046  }
0xb2: {  	s29 =	simm.s32 $0x9;
	_ =	strace $0x80000048  }
0xb3: {  	_ =	swait.ge [sflag:s29], $0x1  }
0xb4: {  	[sflag:s29] =	ssyncadd.s32 $0xFFFFFFFF  }
0xb5: {  	_ =	strace $0x90000048  }
0xb6: {  	_ =	sfence  }
0xb7: {  	s30 =	sld [smem:$0x0];
	_ =	sdelay $0x2  }
0xb8: {  	s31 =	sshll.u32 s1, $0xD;
	s1 =	sshrl.u32 s1, $0x2  }
0xb9: {  	s3 =	sand.u32 $0x4000, s31;
	s1 =	sadd.s32 s1, s30  }
0xba: {  	s0 =	sor.u32 s3, s0;
	s1 =	sshll.u32 s1, $0x11  }
0xbb: {  	s0 =	sor.u32 s1, s0  }
0xbc: {  	s0 =	sadd.s32 $0x8F2B, s0  }
0xbd: {  	[sflag:s0] =	ssyncadd.remote.s32 $0x1  }
0xbe: {  	_ =	sfence.sel $0xFFFF  }
0xbf: {  	[dreg:$0x0] =	wrdreg $0xFFFFFFFF;
	(pc) =	sbr.abs _section_cstart, $3  }
0xc0: {  	[dreg:$0x1] =	wrdreg $0xFFFFFFFF  }
0xc1: {  	_ =	task.clear_ibuf [dreg:s7], $0x2FFFF;
	_ =	strace $0x9FFFFFFF  }
0xc2: {  	(tm) =	ssettm $0x7FFFFFFF  }
0xc3: {  	_ =	shalt  }
tec
execute0_lowered:
.L_overlay_start_1:
0x0: {  	(tag) =	ssettag $0x1  }
0x1: {  	s5 =	rddreg [dreg:$0x0]  }
0x2: {  	s4 =	rddreg [dreg:$0x1]  }
0x3: {  	s0 =	rddreg [dreg:$0x2];
	s2 =	simm.s32 $0x0;
	s3 =	srdreg.scid  }
0x4: {  	s1 =	stileid.u32;
	s10 =	simm.s32 $0x8000;
	s11 =	simm.s32 $0x1800  }
0x5: {  	s12 =	simm.s32 $0x5;
	s13 =	simm.s32 $0x1;
	s14 =	simm.s32 $0x1C00  }
0x6: {  	s15 =	simm.s32 $0x2;
	s16 =	simm.s32 $0x5C00;
	s17 =	simm.s32 $0x3  }
0x7: {  	s18 =	simm.s32 $0x4;
	s19 =	simm.s32 $0x0;
	[smem:$0x7FF] =	sst s2  }
0x8: {  	s6 =	sand.u32 $0x1, s3;
	s30 =	sshll.u32 s1, $0x1;
	s3 =	sadd.s32 $0x800, s4  }
0x9: {  	s4 =	sadd.s32 $0xF42C00, s4;
	s7 =	sor.u32 s6, s30;
	s6 =	ssub.s32 $0x2, s6  }
0xa: {  	_ =	strace $0x80000047;
	s8 =	sshll.u32 s7, $0x7;
	s9 =	sshrl.u32 s6, $0x1  }
0xb: {  	s7 =	sshll.u32 s7, $0xE;
	s5 =	sadd.s32 s5, s8;
	s31 =	ssub.s32 s6, s9  }
0xc: {  	s9 =	simm.s32 $0x400;
	s6 =	sadd.s32 $0x6000, s5;
	s8 =	smax.u32 s31, $0x1  }
.LBB2_1:
0xd: {  	[tilespmem:s2], [sflag:$0x5] =	stream.strided.gather [hbm4b:s5+s9], $0x1800, s10, s9, $0x38;
	[tilespmem:$0x9C00] =	vst v63  }
0xe: {  	_ = 	snop  }
0xf: {  	[tilespmem:s11], [sflag:$0x5] =	stream.linear.gather [hbm4b:s6+s2], $0x100, $0x38;
	[tilespmem:$0x9C00] =	vst v63  }
0x10: {  	_ =	swait.ge [sflag:s12], $0x1900  }
0x11: {  	[sflag:s12] =	ssyncset.done $0x0  }
0x12: {  	s21 =	simm.s32 $0x0;
	s22 =	simm.s32 $0x0;
	[sflag:s12] =	ssyncadd.s32 $0xFFFFE700  }
.LBB2_2:
0x13: {  	v0 =	vld [tilespmem:s21+$0x0];
	_ =	sdelay $0x4  }
0x14: {  	v1 =	vshrl.u32 v0, $0x3  }
0x15: {  	v0 =	vand.u32 $0x7, v0;
	v1 =	vshll.u32 v1, $0xA  }
0x16: {  	v0 =	vshll.u32 v0, $0x7;
	(v2sf) =	vpush v1, $0x0  }
0x17: {  	(v2sf) =	vpush v0, $0x0;
	_ =	sdelay $0x2  }
0x18: {  	(v2sf) =	vpush v1, $0x1  }
0x19: {  	(v2sf) =	vpush v0, $0x1;
	_ =	sdelay $0x2  }
0x1a: {  	(v2sf) =	vpush v1, $0x2  }
0x1b: {  	(v2sf) =	vpush v0, $0x2;
	_ =	sdelay $0x5  }
0x1c: {  	s20 =	spop (v2sf);
	(v2sf) =	vpush v1, $0x3  }
0x1d: {  	s23 =	spop (v2sf);
	(v2sf) =	vpush v0, $0x3;
	_ =	sdelay $0x2  }
0x1e: {  	s20 =	sor.u32 s23, s20;
	s29 =	spop (v2sf);
	(v2sf) =	vpush v1, $0x4  }
0x1f: {  	s23 =	sshra.s32 s22, $0x2;
	s20 =	sshrl.u32 s20, $0x3;
	s30 =	spop (v2sf);
	(v2sf) =	vpush v0, $0x4  }
0x20: {  	s24 =	sadd.s32 $0x1C00, s23;
	s25 =	sadd.s32 s3, s20;
	s20 =	simm.s32 $0x0  }
0x21: {  	[tilespmem:s24], [sflag:$0x1] =	stream.linear.gather [hbm4b:s25+s20], $0x80, $0x38;
	[tilespmem:$0x9C00] =	vst v63  }
0x22: {  	s25 =	spop (v2sf);
	(v2sf) =	vpush v1, $0x5  }
0x23: {  	s26 =	spop (v2sf);
	(v2sf) =	vpush v0, $0x5;
	_ =	sdelay $0x5  }
0x24: {  	s24 =	sor.u32 s30, s29;
	s29 =	spop (v2sf);
	(v2sf) =	vpush v1, $0x6  }
0x25: {  	s24 =	sshrl.u32 s24, $0x3;
	s30 =	spop (v2sf);
	(v2sf) =	vpush v0, $0x6  }
0x26: {  	s31 =	sadd.s32 $0x1C80, s23;
	s24 =	sadd.s32 s3, s24  }
0x27: {  	[tilespmem:s31], [sflag:$0x1] =	stream.linear.gather [hbm4b:s24+s20], $0x80, $0x38;
	[tilespmem:$0x9C00] =	vst v63  }
0x28: {  	s24 =	sor.u32 s26, s25;
	s25 =	spop (v2sf);
	(v2sf) =	vpush v1, $0x7  }
0x29: {  	s24 =	sshrl.u32 s24, $0x3;
	s26 =	spop (v2sf);
	(v2sf) =	vpush v0, $0x7  }
0x2a: {  	s28 =	sadd.s32 $0x1D00, s23;
	s24 =	sadd.s32 s3, s24  }
0x2b: {  	[tilespmem:s28], [sflag:$0x1] =	stream.linear.gather [hbm4b:s24+s20], $0x80, $0x38;
	[tilespmem:$0x9C00] =	vst v63  }
0x2c: {  	s24 =	sor.u32 s30, s29;
	s29 =	spop (v2sf);
	(v2sf) =	vpush v1, $0x8  }
0x2d: {  	s30 =	spop (v2sf);
	(v2sf) =	vpush v0, $0x8;
	_ =	sdelay $0x1  }
0x2e: {  	s24 =	sshrl.u32 s24, $0x3  }
0x2f: {  	s31 =	sadd.s32 $0x1D80, s23;
	s24 =	sadd.s32 s3, s24  }
0x30: {  	[tilespmem:s31], [sflag:$0x1] =	stream.linear.gather [hbm4b:s24+s20], $0x80, $0x38;
	[tilespmem:$0x9C00] =	vst v63  }
0x31: {  	s24 =	sor.u32 s26, s25  }
0x32: {  	s24 =	sshrl.u32 s24, $0x3;
	s25 =	spop (v2sf);
	(v2sf) =	vpush v1, $0x9  }
0x33: {  	s28 =	sadd.s32 $0x1E00, s23;
	s24 =	sadd.s32 s3, s24;
	s26 =	spop (v2sf);
	(v2sf) =	vpush v0, $0x9  }
0x34: {  	[tilespmem:s28], [sflag:$0x1] =	stream.linear.gather [hbm4b:s24+s20], $0x80, $0x38;
	[tilespmem:$0x9C00] =	vst v63  }
0x35: {  	s24 =	sor.u32 s30, s29  }
0x36: {  	s24 =	sshrl.u32 s24, $0x3;
	s29 =	spop (v2sf);
	(v2sf) =	vpush v1, $0xA  }
0x37: {  	s31 =	sadd.s32 $0x1E80, s23;
	s24 =	sadd.s32 s3, s24;
	s30 =	spop (v2sf);
	(v2sf) =	vpush v0, $0xA  }
0x38: {  	[tilespmem:s31], [sflag:$0x1] =	stream.linear.gather [hbm4b:s24+s20], $0x80, $0x38;
	[tilespmem:$0x9C00] =	vst v63  }
0x39: {  	s24 =	sor.u32 s26, s25  }
0x3a: {  	s24 =	sshrl.u32 s24, $0x3;
	s25 =	spop (v2sf);
	(v2sf) =	vpush v1, $0xB  }
0x3b: {  	s28 =	sadd.s32 $0x1F00, s23;
	s24 =	sadd.s32 s3, s24;
	s26 =	spop (v2sf);
	(v2sf) =	vpush v0, $0xB  }
0x3c: {  	[tilespmem:s28], [sflag:$0x1] =	stream.linear.gather [hbm4b:s24+s20], $0x80, $0x38;
	[tilespmem:$0x9C00] =	vst v63  }
0x3d: {  	s24 =	sor.u32 s30, s29  }
0x3e: {  	s24 =	sshrl.u32 s24, $0x3  }
0x3f: {  	s31 =	sadd.s32 $0x1F80, s23;
	s24 =	sadd.s32 s3, s24  }
0x40: {  	[tilespmem:s31], [sflag:$0x1] =	stream.linear.gather [hbm4b:s24+s20], $0x80, $0x38;
	[tilespmem:$0x9C00] =	vst v63  }
0x41: {  	s24 =	sor.u32 s26, s25;
	s29 =	spop (v2sf);
	(v2sf) =	vpush v1, $0xC  }
0x42: {  	s24 =	sshrl.u32 s24, $0x3;
	s30 =	spop (v2sf);
	(v2sf) =	vpush v0, $0xC  }
0x43: {  	s28 =	sadd.s32 $0x2000, s23;
	s24 =	sadd.s32 s3, s24  }
0x44: {  	[tilespmem:s28], [sflag:$0x1] =	stream.linear.gather [hbm4b:s24+s20], $0x80, $0x38;
	[tilespmem:$0x9C00] =	vst v63  }
0x45: {  	s24 =	sor.u32 s30, s29;
	s25 =	spop (v2sf);
	(v2sf) =	vpush v1, $0xD  }
0x46: {  	s24 =	sshrl.u32 s24, $0x3;
	s26 =	spop (v2sf);
	(v2sf) =	vpush v0, $0xD  }
0x47: {  	s31 =	sadd.s32 $0x2080, s23;
	s24 =	sadd.s32 s3, s24  }
0x48: {  	[tilespmem:s31], [sflag:$0x1] =	stream.linear.gather [hbm4b:s24+s20], $0x80, $0x38;
	[tilespmem:$0x9C00] =	vst v63  }
0x49: {  	s29 =	spop (v2sf);
	(v2sf) =	vpush v1, $0xE  }
0x4a: {  	s30 =	spop (v2sf);
	(v2sf) =	vpush v0, $0xE  }
0x4b: {  	s24 =	sor.u32 s26, s25  }
0x4c: {  	s24 =	sshrl.u32 s24, $0x3  }
0x4d: {  	s28 =	sadd.s32 $0x2100, s23;
	s24 =	sadd.s32 s3, s24  }
0x4e: {  	[tilespmem:s28], [sflag:$0x1] =	stream.linear.gather [hbm4b:s24+s20], $0x80, $0x38;
	[tilespmem:$0x9C00] =	vst v63  }
0x4f: {  	s24 =	sor.u32 s30, s29  }
0x50: {  	s24 =	sshrl.u32 s24, $0x3;
	s25 =	spop (v2sf);
	(v2sf) =	vpush v1, $0xF  }
0x51: {  	s31 =	sadd.s32 $0x2180, s23;
	s24 =	sadd.s32 s3, s24;
	s26 =	spop (v2sf);
	(v2sf) =	vpush v0, $0xF  }
0x52: {  	[tilespmem:s31], [sflag:$0x1] =	stream.linear.gather [hbm4b:s24+s20], $0x80, $0x38;
	[tilespmem:$0x9C00] =	vst v63  }
0x53: {  	s24 =	sor.u32 s26, s25  }
0x54: {  	s29 =	spop (v2sf);
	s24 =	sshrl.u32 s24, $0x3  }
0x55: {  	s28 =	sadd.s32 $0x2200, s23;
	s30 =	spop (v2sf);
	s24 =	sadd.s32 s3, s24  }
0x56: {  	[tilespmem:s28], [sflag:$0x1] =	stream.linear.gather [hbm4b:s24+s20], $0x80, $0x38;
	[tilespmem:$0x9C00] =	vst v63  }
0x57: {  	s24 =	sor.u32 s30, s29  }
0x58: {  	s26 =	spop (v2sf);
	s24 =	sshrl.u32 s24, $0x3  }
0x59: {  	s31 =	sadd.s32 $0x2280, s23;
	s28 =	spop (v2sf);
	s24 =	sadd.s32 s3, s24  }
0x5a: {  	[tilespmem:s31], [sflag:$0x1] =	stream.linear.gather [hbm4b:s24+s20], $0x80, $0x38;
	[tilespmem:$0x9C00] =	vst v63  }
0x5b: {  	s24 =	sor.u32 s28, s26  }
0x5c: {  	s24 =	sshrl.u32 s24, $0x3  }
0x5d: {  	s29 =	sadd.s32 $0x2300, s23;
	s24 =	sadd.s32 s3, s24  }
0x5e: {  	[tilespmem:s29], [sflag:$0x1] =	stream.linear.gather [hbm4b:s24+s20], $0x80, $0x38;
	[tilespmem:$0x9C00] =	vst v63  }
0x5f: {  	p0 =	sne.s32 s22, $0xE000;
	s30 =	spop (v2sf)  }
.Ltmp0:
0x60: {  	s31 =	spop (v2sf);
	(pc) =	sbr.rel @p0 .LBB2_2-.Ltmp0, $4  }
0x61: {  	s24 =	sor.u32 s31, s30  }
0x62: {  	s21 =	sadd.s32 $0x10, s21;
	s24 =	sshrl.u32 s24, $0x3  }
0x63: {  	s22 =	sadd.s32 $0x2000, s22;
	s23 =	sadd.s32 $0x2380, s23;
	s24 =	sadd.s32 s3, s24  }
0x64: {  	[tilespmem:s23], [sflag:$0x1] =	stream.linear.gather [hbm4b:s24+s20], $0x80, $0x38;
	[tilespmem:$0x9C00] =	vst v63  }
0x65: {  	s21 =	simm.s32 $0x80;
	s22 =	simm.s32 $0x100  }
.LBB2_4:
0x66: {  	p0 =	seq.s32 s20, $0x0  }
0x67: {  	s24 =	simm.s32 @!p0 $0x4  }
0x68: {  	_ =	swait.ge @!p0 [sflag:s24], $0x4000  }
0x69: {  	s23 =	sshllo.u32 s20, $0x1;
	[sflag:s24] =	ssyncset.done @!p0 $0x0  }
0x6a: {  	s25 =	simm.s32 $0x0;
	[sflag:s24] =	ssyncadd.s32 @!p0 $0xFFFFC000;
	s24 =	smov.u32 s21  }
.LBB2_5:
0x6b: {  	v0 =	vld [tilespmem:s24+$0x0];
	_ =	sdelay $0x4  }
0x6c: {  	v1 =	vshrl.u32 v0, $0x3  }
0x6d: {  	v0 =	vand.u32 $0x7, v0;
	v1 =	vshll.u32 v1, $0xA  }
0x6e: {  	v0 =	vshll.u32 v0, $0x7;
	(v2sf) =	vpush v1, $0x0  }
0x6f: {  	(v2sf) =	vpush v0, $0x0;
	_ =	sdelay $0x1  }
0x70: {  	(v2sf) =	vpush v1, $0x1  }
0x71: {  	(v2sf) =	vpush v0, $0x1;
	_ =	sdelay $0x3  }
0x72: {  	(v2sf) =	vpush v1, $0x2;
	_ =	sdelay $0x1  }
0x73: {  	(v2sf) =	vpush v0, $0x2;
	_ =	sdelay $0x4  }
0x74: {  	s26 =	spop (v2sf);
	(v2sf) =	vpush v1, $0x3  }
0x75: {  	s28 =	spop (v2sf);
	(v2sf) =	vpush v0, $0x3  }
0x76: {  	s28 =	sor.u32 s28, s26  }
0x77: {  	s26 =	sshra.s32 s25, $0x2;
	s30 =	spop (v2sf);
	s28 =	sshrl.u32 s28, $0x3  }
0x78: {  	(v2sf) =	vpush v1, $0x4;
	s29 =	sadd.s32 $0x5C00, s26;
	s31 =	spop (v2sf);
	s28 =	sadd.s32 s3, s28  }
0x79: {  	[tilespmem:s29], [sflag:$0x2] =	stream.linear.gather [hbm4b:s28+s2], $0x80, $0x38;
	[tilespmem:$0x9C00] =	vst v63  }
0x7a: {  	(v2sf) =	vpush v0, $0x4;
	s28 =	sor.u32 s31, s30  }
0x7b: {  	s28 =	sshrl.u32 s28, $0x3  }
0x7c: {  	s30 =	sadd.s32 $0x5C80, s26;
	s31 =	spop (v2sf);
	s28 =	sadd.s32 s3, s28  }
0x7d: {  	(v2sf) =	vpush v1, $0x5;
	[tilespmem:s30], [sflag:$0x2] =	stream.linear.gather [hbm4b:s28+s2], $0x80, $0x38;
	[tilespmem:$0x9C00] =	vst v63  }
0x7e: {  	s30 =	spop (v2sf)  }
0x7f: {  	(v2sf) =	vpush v0, $0x5;
	s28 =	sor.u32 s30, s31  }
0x80: {  	s28 =	sshrl.u32 s28, $0x3  }
0x81: {  	s31 =	sadd.s32 $0x5D00, s26;
	s28 =	sadd.s32 s3, s28  }
0x82: {  	[tilespmem:s31], [sflag:$0x2] =	stream.linear.gather [hbm4b:s28+s2], $0x80, $0x38;
	[tilespmem:$0x9C00] =	vst v63  }
0x83: {  	s30 =	spop (v2sf)  }
0x84: {  	(v2sf) =	vpush v1, $0x6;
	s31 =	spop (v2sf)  }
0x85: {  	(v2sf) =	vpush v0, $0x6;
	s28 =	sor.u32 s31, s30  }
0x86: {  	s28 =	sshrl.u32 s28, $0x3  }
0x87: {  	s30 =	sadd.s32 $0x5D80, s26;
	s31 =	spop (v2sf);
	s28 =	sadd.s32 s3, s28  }
0x88: {  	(v2sf) =	vpush v1, $0x7;
	[tilespmem:s30], [sflag:$0x2] =	stream.linear.gather [hbm4b:s28+s2], $0x80, $0x38;
	[tilespmem:$0x9C00] =	vst v63  }
0x89: {  	s30 =	spop (v2sf)  }
0x8a: {  	(v2sf) =	vpush v0, $0x7;
	s28 =	sor.u32 s30, s31  }
0x8b: {  	s28 =	sshrl.u32 s28, $0x3  }
0x8c: {  	s31 =	sadd.s32 $0x5E00, s26;
	s30 =	spop (v2sf);
	s28 =	sadd.s32 s3, s28  }
0x8d: {  	(v2sf) =	vpush v1, $0x8;
	[tilespmem:s31], [sflag:$0x2] =	stream.linear.gather [hbm4b:s28+s2], $0x80, $0x38;
	[tilespmem:$0x9C00] =	vst v63  }
0x8e: {  	s31 =	spop (v2sf)  }
0x8f: {  	(v2sf) =	vpush v0, $0x8;
	s28 =	sor.u32 s31, s30  }
0x90: {  	s28 =	sshrl.u32 s28, $0x3  }
0x91: {  	s30 =	sadd.s32 $0x5E80, s26;
	s28 =	sadd.s32 s3, s28  }
0x92: {  	[tilespmem:s30], [sflag:$0x2] =	stream.linear.gather [hbm4b:s28+s2], $0x80, $0x38;
	[tilespmem:$0x9C00] =	vst v63  }
0x93: {  	s31 =	spop (v2sf)  }
0x94: {  	(v2sf) =	vpush v1, $0x9;
	s30 =	spop (v2sf)  }
0x95: {  	(v2sf) =	vpush v0, $0x9;
	s28 =	sor.u32 s30, s31  }
0x96: {  	s28 =	sshrl.u32 s28, $0x3  }
0x97: {  	s31 =	sadd.s32 $0x5F00, s26;
	s30 =	spop (v2sf);
	s28 =	sadd.s32 s3, s28  }
0x98: {  	(v2sf) =	vpush v1, $0xA;
	[tilespmem:s31], [sflag:$0x2] =	stream.linear.gather [hbm4b:s28+s2], $0x80, $0x38;
	[tilespmem:$0x9C00] =	vst v63  }
0x99: {  	s31 =	spop (v2sf)  }
0x9a: {  	(v2sf) =	vpush v0, $0xA;
	s28 =	sor.u32 s31, s30  }
0x9b: {  	s28 =	sshrl.u32 s28, $0x3  }
0x9c: {  	s30 =	sadd.s32 $0x5F80, s26;
	s31 =	spop (v2sf);
	s28 =	sadd.s32 s3, s28  }
0x9d: {  	(v2sf) =	vpush v1, $0xB;
	[tilespmem:s30], [sflag:$0x2] =	stream.linear.gather [hbm4b:s28+s2], $0x80, $0x38;
	[tilespmem:$0x9C00] =	vst v63  }
0x9e: {  	s30 =	spop (v2sf)  }
0x9f: {  	(v2sf) =	vpush v0, $0xB;
	s28 =	sor.u32 s30, s31  }
0xa0: {  	s28 =	sshrl.u32 s28, $0x3  }
0xa1: {  	s31 =	sadd.s32 $0x6000, s26;
	s28 =	sadd.s32 s3, s28  }
0xa2: {  	[tilespmem:s31], [sflag:$0x2] =	stream.linear.gather [hbm4b:s28+s2], $0x80, $0x38;
	[tilespmem:$0x9C00] =	vst v63  }
0xa3: {  	s30 =	spop (v2sf)  }
0xa4: {  	(v2sf) =	vpush v1, $0xC;
	s31 =	spop (v2sf)  }
0xa5: {  	(v2sf) =	vpush v0, $0xC;
	s28 =	sor.u32 s31, s30  }
0xa6: {  	s28 =	sshrl.u32 s28, $0x3  }
0xa7: {  	s30 =	sadd.s32 $0x6080, s26;
	s31 =	spop (v2sf);
	s28 =	sadd.s32 s3, s28  }
0xa8: {  	(v2sf) =	vpush v1, $0xD;
	[tilespmem:s30], [sflag:$0x2] =	stream.linear.gather [hbm4b:s28+s2], $0x80, $0x38;
	[tilespmem:$0x9C00] =	vst v63  }
0xa9: {  	s30 =	spop (v2sf)  }
0xaa: {  	(v2sf) =	vpush v0, $0xD;
	s28 =	sor.u32 s30, s31  }
0xab: {  	s28 =	sshrl.u32 s28, $0x3  }
0xac: {  	s31 =	sadd.s32 $0x6100, s26;
	s30 =	spop (v2sf);
	s28 =	sadd.s32 s3, s28  }
0xad: {  	(v2sf) =	vpush v1, $0xE;
	[tilespmem:s31], [sflag:$0x2] =	stream.linear.gather [hbm4b:s28+s2], $0x80, $0x38;
	[tilespmem:$0x9C00] =	vst v63  }
0xae: {  	s31 =	spop (v2sf)  }
0xaf: {  	(v2sf) =	vpush v0, $0xE;
	s28 =	sor.u32 s31, s30  }
0xb0: {  	s28 =	sshrl.u32 s28, $0x3  }
0xb1: {  	s30 =	sadd.s32 $0x6180, s26;
	s28 =	sadd.s32 s3, s28  }
0xb2: {  	[tilespmem:s30], [sflag:$0x2] =	stream.linear.gather [hbm4b:s28+s2], $0x80, $0x38;
	[tilespmem:$0x9C00] =	vst v63  }
0xb3: {  	s31 =	spop (v2sf)  }
0xb4: {  	(v2sf) =	vpush v1, $0xF;
	s30 =	spop (v2sf)  }
0xb5: {  	(v2sf) =	vpush v0, $0xF;
	s28 =	sor.u32 s30, s31  }
0xb6: {  	s28 =	sshrl.u32 s28, $0x3  }
0xb7: {  	s31 =	sadd.s32 $0x6200, s26;
	s30 =	spop (v2sf);
	s28 =	sadd.s32 s3, s28  }
0xb8: {  	[tilespmem:s31], [sflag:$0x2] =	stream.linear.gather [hbm4b:s28+s2], $0x80, $0x38;
	[tilespmem:$0x9C00] =	vst v63  }
0xb9: {  	s31 =	spop (v2sf)  }
0xba: {  	s28 =	sor.u32 s31, s30  }
0xbb: {  	s28 =	sshrl.u32 s28, $0x3  }
0xbc: {  	s30 =	sadd.s32 $0x6280, s26;
	s31 =	spop (v2sf);
	s28 =	sadd.s32 s3, s28  }
0xbd: {  	[tilespmem:s30], [sflag:$0x2] =	stream.linear.gather [hbm4b:s28+s2], $0x80, $0x38;
	[tilespmem:$0x9C00] =	vst v63  }
0xbe: {  	s30 =	spop (v2sf)  }
0xbf: {  	s28 =	sor.u32 s30, s31  }
0xc0: {  	s28 =	sshrl.u32 s28, $0x3  }
0xc1: {  	s31 =	sadd.s32 $0x6300, s26;
	s28 =	sadd.s32 s3, s28  }
0xc2: {  	[tilespmem:s31], [sflag:$0x2] =	stream.linear.gather [hbm4b:s28+s2], $0x80, $0x38;
	[tilespmem:$0x9C00] =	vst v63  }
0xc3: {  	p0 =	sne.s32 s25, $0xE000;
	s30 =	spop (v2sf)  }
.Ltmp1:
0xc4: {  	s31 =	spop (v2sf);
	(pc) =	sbr.rel @p0 .LBB2_5-.Ltmp1, $4  }
0xc5: {  	s28 =	sor.u32 s31, s30  }
0xc6: {  	s24 =	sadd.s32 $0x10, s24;
	s28 =	sshrl.u32 s28, $0x3  }
0xc7: {  	s25 =	sadd.s32 $0x2000, s25;
	s26 =	sadd.s32 $0x6380, s26;
	s28 =	sadd.s32 s3, s28  }
0xc8: {  	[tilespmem:s26], [sflag:$0x2] =	stream.linear.gather [hbm4b:s28+s2], $0x80, $0x38;
	[tilespmem:$0x9C00] =	vst v63  }
0xc9: {  	_ =	swait.ge [sflag:s13], $0x4000  }
0xca: {  	[sflag:s13] =	ssyncset.done $0x0  }
0xcb: {  	s24 =	simm.s32 $0x0;
	[sflag:s13] =	ssyncadd.s32 $0xFFFFC000  }
0xcc: {  	v0 =	vld [tilespmem:s24+$0x1C00]  }
0xcd: {  	v1 =	vld [tilespmem:s24+$0x1C10]  }
0xce: {  	v2 =	vld [tilespmem:s24+$0x1C20]  }
0xcf: {  	v3 =	vld [tilespmem:s24+$0x1C30]  }
0xd0: {  	v4 =	vld [tilespmem:s24+$0x1C80]  }
0xd1: {  	v5 =	vld [tilespmem:s24+$0x1C90];
	v0 =	vmul.f32 $8.000000000e+00, v0  }
0xd2: {  	v6 =	vld [tilespmem:s24+$0x1CA0];
	v1 =	vmul.f32 $8.000000000e+00, v1  }
0xd3: {  	v2 =	vmul.f32 $8.000000000e+00, v2;
	[tilespmem:s24+$0x1C00] =	vst v0;
	v0 =	vld [tilespmem:s24+$0x1CB0]  }
0xd4: {  	v3 =	vmul.f32 $8.000000000e+00, v3;
	[tilespmem:s24+$0x1C10] =	vst v1;
	v1 =	vld [tilespmem:s24+$0x1D00]  }
0xd5: {  	v4 =	vmul.f32 $8.000000000e+00, v4;
	[tilespmem:s24+$0x1C20] =	vst v2;
	v2 =	vld [tilespmem:s24+$0x1D10]  }
0xd6: {  	v5 =	vmul.f32 $8.000000000e+00, v5;
	[tilespmem:s24+$0x1C30] =	vst v3;
	v3 =	vld [tilespmem:s24+$0x1D20]  }
0xd7: {  	v6 =	vmul.f32 $8.000000000e+00, v6;
	[tilespmem:s24+$0x1C80] =	vst v4;
	v4 =	vld [tilespmem:s24+$0x1D30]  }
0xd8: {  	[tilespmem:s24+$0x1C90] =	vst v5;
	v5 =	vld [tilespmem:s24+$0x1D80];
	v0 =	vmul.f32 $8.000000000e+00, v0  }
0xd9: {  	[tilespmem:s24+$0x1CA0] =	vst v6;
	v6 =	vld [tilespmem:s24+$0x1D90];
	v1 =	vmul.f32 $8.000000000e+00, v1  }
0xda: {  	v2 =	vmul.f32 $8.000000000e+00, v2;
	[tilespmem:s24+$0x1CB0] =	vst v0;
	v0 =	vld [tilespmem:s24+$0x1DA0]  }
0xdb: {  	v3 =	vmul.f32 $8.000000000e+00, v3;
	[tilespmem:s24+$0x1D00] =	vst v1;
	v1 =	vld [tilespmem:s24+$0x1DB0]  }
0xdc: {  	v4 =	vmul.f32 $8.000000000e+00, v4;
	[tilespmem:s24+$0x1D10] =	vst v2;
	v2 =	vld [tilespmem:s24+$0x1E00]  }
0xdd: {  	v5 =	vmul.f32 $8.000000000e+00, v5;
	[tilespmem:s24+$0x1D20] =	vst v3;
	v3 =	vld [tilespmem:s24+$0x1E10]  }
0xde: {  	v6 =	vmul.f32 $8.000000000e+00, v6;
	[tilespmem:s24+$0x1D30] =	vst v4;
	v4 =	vld [tilespmem:s24+$0x1E20]  }
0xdf: {  	[tilespmem:s24+$0x1D80] =	vst v5;
	v5 =	vld [tilespmem:s24+$0x1E30];
	v0 =	vmul.f32 $8.000000000e+00, v0  }
0xe0: {  	[tilespmem:s24+$0x1D90] =	vst v6;
	v6 =	vld [tilespmem:s24+$0x1E80]  }
0xe1: {  	v1 =	vmul.f32 $8.000000000e+00, v1;
	[tilespmem:s24+$0x1DA0] =	vst v0;
	v0 =	vld [tilespmem:s24+$0x1E90]  }
0xe2: {  	v2 =	vmul.f32 $8.000000000e+00, v2  }
0xe3: {  	[tilespmem:s24+$0x1DB0] =	vst v1;
	v1 =	vmul.f32 $8.000000000e+00, v3;
	v3 =	vld [tilespmem:s24+$0x1EB0]  }
0xe4: {  	v7 =	vld [tilespmem:s24+$0x1EA0];
	[tilespmem:s24+$0x1E00] =	vst v2;
	v2 =	vmul.f32 $8.000000000e+00, v4  }
0xe5: {  	v4 =	vld [tilespmem:s24+$0x1F00];
	[tilespmem:s24+$0x1E10] =	vst v1;
	v1 =	vmul.f32 $8.000000000e+00, v5  }
0xe6: {  	[tilespmem:s24+$0x1E20] =	vst v2;
	v5 =	vld [tilespmem:s24+$0x1F10];
	v2 =	vmul.f32 $8.000000000e+00, v6;
	v6 =	vmul.f32 $8.000000000e+00, v0  }
0xe7: {  	[tilespmem:s24+$0x1E30] =	vst v1;
	v1 =	vld [tilespmem:s24+$0x1F20]  }
0xe8: {  	v0 =	vld [tilespmem:s24+$0x1F30];
	[tilespmem:s24+$0x1E90] =	vst v6;
	v6 =	vmul.f32 $8.000000000e+00, v3  }
0xe9: {  	v7 =	vmul.f32 $8.000000000e+00, v7;
	[tilespmem:s24+$0x1E80] =	vst v2;
	v2 =	vld [tilespmem:s24+$0x1F80]  }
0xea: {  	v3 =	vld [tilespmem:s24+$0x1F90];
	[tilespmem:s24+$0x1EB0] =	vst v6;
	v6 =	vmul.f32 $8.000000000e+00, v4  }
0xeb: {  	s25 =	simm.s32 $0x1000;
	[tilespmem:s24+$0x1EA0] =	vst v7;
	v5 =	vmul.f32 $8.000000000e+00, v5;
	v4 =	vld [tilespmem:s24+$0x1FA0]  }
.LBB2_7:
0xec: {  	s26 =	sshra.s32 s25, $0x2;
	p0 =	sne.s32 s25, $0xF000;
	[tilespmem:s24+$0x1F00] =	vst v6;
	v1 =	vmul.f32 $8.000000000e+00, v1;
	v6 =	vld [tilespmem:s24+$0x1FB0]  }
0xed: {  	v7 =	vld [tilespmem:s26+$0x1C00];
	[tilespmem:s24+$0x1F10] =	vst v5;
	v0 =	vmul.f32 $8.000000000e+00, v0  }
0xee: {  	v5 =	vld [tilespmem:s26+$0x1C10];
	[tilespmem:s24+$0x1F20] =	vst v1;
	v1 =	vmul.f32 $8.000000000e+00, v2  }
0xef: {  	v2 =	vld [tilespmem:s26+$0x1C20];
	[tilespmem:s24+$0x1F30] =	vst v0;
	v0 =	vmul.f32 $8.000000000e+00, v3  }
0xf0: {  	v3 =	vld [tilespmem:s26+$0x1C30];
	[tilespmem:s24+$0x1F80] =	vst v1;
	v1 =	vmul.f32 $8.000000000e+00, v4  }
0xf1: {  	v4 =	vld [tilespmem:s26+$0x1C80];
	[tilespmem:s24+$0x1F90] =	vst v0;
	v0 =	vmul.f32 $8.000000000e+00, v6  }
0xf2: {  	v6 =	vmul.f32 $8.000000000e+00, v7;
	v7 =	vld [tilespmem:s26+$0x1C90];
	[tilespmem:s24+$0x1FA0] =	vst v1  }
0xf3: {  	v1 =	vmul.f32 $8.000000000e+00, v5;
	v5 =	vld [tilespmem:s26+$0x1CA0];
	[tilespmem:s24+$0x1FB0] =	vst v0;
	s24 =	smov.u32 s26  }
0xf4: {  	[tilespmem:s24+$0x1C00] =	vst v6;
	v0 =	vmul.f32 $8.000000000e+00, v2;
	v2 =	vld [tilespmem:s24+$0x1CB0]  }
0xf5: {  	[tilespmem:s24+$0x1C10] =	vst v1;
	v1 =	vmul.f32 $8.000000000e+00, v3;
	v3 =	vld [tilespmem:s24+$0x1D00]  }
0xf6: {  	[tilespmem:s24+$0x1C20] =	vst v0;
	v0 =	vmul.f32 $8.000000000e+00, v4;
	v4 =	vld [tilespmem:s24+$0x1D10]  }
0xf7: {  	[tilespmem:s24+$0x1C30] =	vst v1;
	v1 =	vmul.f32 $8.000000000e+00, v7;
	v6 =	vld [tilespmem:s24+$0x1D20]  }
0xf8: {  	[tilespmem:s24+$0x1C80] =	vst v0;
	v0 =	vmul.f32 $8.000000000e+00, v5;
	v5 =	vld [tilespmem:s24+$0x1D30]  }
0xf9: {  	[tilespmem:s24+$0x1C90] =	vst v1;
	v1 =	vmul.f32 $8.000000000e+00, v2;
	v2 =	vld [tilespmem:s24+$0x1D80]  }
0xfa: {  	[tilespmem:s24+$0x1CA0] =	vst v0;
	v0 =	vmul.f32 $8.000000000e+00, v3;
	v3 =	vld [tilespmem:s24+$0x1D90]  }
0xfb: {  	[tilespmem:s24+$0x1CB0] =	vst v1;
	v1 =	vmul.f32 $8.000000000e+00, v4;
	v4 =	vld [tilespmem:s24+$0x1DA0]  }
0xfc: {  	[tilespmem:s24+$0x1D00] =	vst v0;
	v0 =	vmul.f32 $8.000000000e+00, v6;
	v6 =	vld [tilespmem:s24+$0x1DB0]  }
0xfd: {  	[tilespmem:s24+$0x1D10] =	vst v1;
	v1 =	vmul.f32 $8.000000000e+00, v5;
	v5 =	vld [tilespmem:s24+$0x1E00]  }
0xfe: {  	[tilespmem:s24+$0x1D20] =	vst v0;
	v0 =	vmul.f32 $8.000000000e+00, v2;
	v2 =	vld [tilespmem:s24+$0x1E10]  }
0xff: {  	[tilespmem:s24+$0x1D30] =	vst v1;
	v1 =	vmul.f32 $8.000000000e+00, v3;
	v3 =	vld [tilespmem:s24+$0x1E20]  }
0x100: {  	[tilespmem:s24+$0x1D80] =	vst v0;
	v0 =	vmul.f32 $8.000000000e+00, v4;
	v4 =	vld [tilespmem:s24+$0x1E30]  }
0x101: {  	[tilespmem:s24+$0x1D90] =	vst v1;
	v1 =	vmul.f32 $8.000000000e+00, v6;
	v6 =	vld [tilespmem:s24+$0x1E80]  }
0x102: {  	[tilespmem:s24+$0x1DA0] =	vst v0;
	v0 =	vmul.f32 $8.000000000e+00, v5;
	v5 =	vld [tilespmem:s24+$0x1E90]  }
0x103: {  	[tilespmem:s24+$0x1DB0] =	vst v1;
	v1 =	vmul.f32 $8.000000000e+00, v2;
	v2 =	vld [tilespmem:s24+$0x1EA0]  }
0x104: {  	[tilespmem:s24+$0x1E00] =	vst v0;
	v0 =	vmul.f32 $8.000000000e+00, v3;
	v3 =	vld [tilespmem:s24+$0x1EB0]  }
0x105: {  	[tilespmem:s24+$0x1E10] =	vst v1;
	v1 =	vmul.f32 $8.000000000e+00, v4;
	v4 =	vld [tilespmem:s24+$0x1F00]  }
0x106: {  	[tilespmem:s24+$0x1E20] =	vst v0;
	v0 =	vmul.f32 $8.000000000e+00, v6;
	v7 =	vld [tilespmem:s24+$0x1F10]  }
.Ltmp2:
0x107: {  	[tilespmem:s24+$0x1E30] =	vst v1;
	v5 =	vmul.f32 $8.000000000e+00, v5;
	v1 =	vld [tilespmem:s24+$0x1F20];
	(pc) =	sbr.rel @p0 .LBB2_7-.Ltmp2, $4  }
0x108: {  	[tilespmem:s24+$0x1E80] =	vst v0;
	v6 =	vmul.f32 $8.000000000e+00, v2;
	v0 =	vld [tilespmem:s24+$0x1F30]  }
0x109: {  	[tilespmem:s24+$0x1E90] =	vst v5;
	v5 =	vmul.f32 $8.000000000e+00, v3;
	v2 =	vld [tilespmem:s24+$0x1F80]  }
0x10a: {  	[tilespmem:s24+$0x1EA0] =	vst v6;
	v6 =	vmul.f32 $8.000000000e+00, v4;
	v3 =	vld [tilespmem:s24+$0x1F90]  }
0x10b: {  	s25 =	sadd.s32 $0x1000, s25;
	[tilespmem:s24+$0x1EB0] =	vst v5;
	v5 =	vmul.f32 $8.000000000e+00, v7;
	v4 =	vld [tilespmem:s24+$0x1FA0]  }
0x10c: {  	[tilespmem:s24+$0x1F00] =	vst v6;
	v1 =	vmul.f32 $8.000000000e+00, v1;
	v59 =	vld [tilespmem:s24+$0x1FB0]  }
0x10d: {  	[tilespmem:s24+$0x1F10] =	vst v5;
	v0 =	vmul.f32 $8.000000000e+00, v0  }
0x10e: {  	[tilespmem:s24+$0x1F20] =	vst v1;
	v60 =	vmul.f32 $8.000000000e+00, v2  }
0x10f: {  	p0 =	seq.s32 s20, $0x18;
	[tilespmem:s24+$0x1F30] =	vst v0;
	v61 =	vmul.f32 $8.000000000e+00, v3  }
.Ltmp3:
0x110: {  	s25 =	sshll.u32 s20, $0x14;
	[tilespmem:s24+$0x1F80] =	vst v60;
	v62 =	vmul.f32 $8.000000000e+00, v4;
	(pc) =	sbr.rel @p0 .LBB2_11-.Ltmp3, $4  }
0x111: {  	s25 =	sor.u32 s7, s25;
	[tilespmem:s24+$0x1F90] =	vst v61;
	v63 =	vmul.f32 $8.000000000e+00, v59  }
0x112: {  	s25 =	sshrl.u32 s25, $0x3;
	[tilespmem:s24+$0x1FA0] =	vst v62  }
0x113: {  	s31 =	sadd.s32 s4, s25;
	[tilespmem:s24+$0x1FB0] =	vst v63  }
0x114: {  	[hbm4b:s31+s2] =	stream.linear.scatter [tilespmem:s14], [sflag:$0x3], $0x4000, $0x38;
	[tilespmem:$0x9C00] =	vst v63  }
0x115: {  	_ =	swait.ge [sflag:s17], $0x4000  }
0x116: {  	[sflag:s17] =	ssyncset.done $0x0  }
0x117: {  	s24 =	simm.s32 $0x0;
	s25 =	smov.u32 s22;
	[sflag:s17] =	ssyncadd.s32 $0xFFFFC000  }
.LBB2_10:
0x118: {  	v0 =	vld [tilespmem:s25+$0x0];
	_ =	sdelay $0x4  }
0x119: {  	v1 =	vshrl.u32 v0, $0x3  }
0x11a: {  	v0 =	vand.u32 $0x7, v0;
	v1 =	vshll.u32 v1, $0xA  }
0x11b: {  	v0 =	vshll.u32 v0, $0x7;
	(v2sf) =	vpush v1, $0x0  }
0x11c: {  	(v2sf) =	vpush v0, $0x0;
	_ =	sdelay $0x1  }
0x11d: {  	(v2sf) =	vpush v1, $0x1  }
0x11e: {  	(v2sf) =	vpush v0, $0x1;
	_ =	sdelay $0x3  }
0x11f: {  	(v2sf) =	vpush v1, $0x2;
	_ =	sdelay $0x1  }
0x120: {  	(v2sf) =	vpush v0, $0x2;
	_ =	sdelay $0x4  }
0x121: {  	s26 =	spop (v2sf);
	(v2sf) =	vpush v1, $0x3  }
0x122: {  	s28 =	spop (v2sf);
	(v2sf) =	vpush v0, $0x3  }
0x123: {  	s28 =	sor.u32 s28, s26  }
0x124: {  	s26 =	sshra.s32 s24, $0x2;
	s30 =	spop (v2sf);
	s28 =	sshrl.u32 s28, $0x3  }
0x125: {  	(v2sf) =	vpush v1, $0x4;
	s29 =	sadd.s32 $0x1C00, s26;
	s31 =	spop (v2sf);
	s28 =	sadd.s32 s3, s28  }
0x126: {  	[tilespmem:s29], [sflag:$0x1] =	stream.linear.gather [hbm4b:s28+s2], $0x80, $0x38;
	[tilespmem:$0x9C00] =	vst v63  }
0x127: {  	(v2sf) =	vpush v0, $0x4;
	s28 =	sor.u32 s31, s30  }
0x128: {  	s28 =	sshrl.u32 s28, $0x3  }
0x129: {  	s30 =	sadd.s32 $0x1C80, s26;
	s31 =	spop (v2sf);
	s28 =	sadd.s32 s3, s28  }
0x12a: {  	(v2sf) =	vpush v1, $0x5;
	[tilespmem:s30], [sflag:$0x1] =	stream.linear.gather [hbm4b:s28+s2], $0x80, $0x38;
	[tilespmem:$0x9C00] =	vst v63  }
0x12b: {  	s30 =	spop (v2sf)  }
0x12c: {  	(v2sf) =	vpush v0, $0x5;
	s28 =	sor.u32 s30, s31  }
0x12d: {  	s28 =	sshrl.u32 s28, $0x3  }
0x12e: {  	s31 =	sadd.s32 $0x1D00, s26;
	s28 =	sadd.s32 s3, s28  }
0x12f: {  	[tilespmem:s31], [sflag:$0x1] =	stream.linear.gather [hbm4b:s28+s2], $0x80, $0x38;
	[tilespmem:$0x9C00] =	vst v63  }
0x130: {  	s30 =	spop (v2sf)  }
0x131: {  	(v2sf) =	vpush v1, $0x6;
	s31 =	spop (v2sf)  }
0x132: {  	(v2sf) =	vpush v0, $0x6;
	s28 =	sor.u32 s31, s30  }
0x133: {  	s28 =	sshrl.u32 s28, $0x3  }
0x134: {  	s30 =	sadd.s32 $0x1D80, s26;
	s31 =	spop (v2sf);
	s28 =	sadd.s32 s3, s28  }
0x135: {  	(v2sf) =	vpush v1, $0x7;
	[tilespmem:s30], [sflag:$0x1] =	stream.linear.gather [hbm4b:s28+s2], $0x80, $0x38;
	[tilespmem:$0x9C00] =	vst v63  }
0x136: {  	s30 =	spop (v2sf)  }
0x137: {  	(v2sf) =	vpush v0, $0x7;
	s28 =	sor.u32 s30, s31  }
0x138: {  	s28 =	sshrl.u32 s28, $0x3  }
0x139: {  	s31 =	sadd.s32 $0x1E00, s26;
	s30 =	spop (v2sf);
	s28 =	sadd.s32 s3, s28  }
0x13a: {  	(v2sf) =	vpush v1, $0x8;
	[tilespmem:s31], [sflag:$0x1] =	stream.linear.gather [hbm4b:s28+s2], $0x80, $0x38;
	[tilespmem:$0x9C00] =	vst v63  }
0x13b: {  	s31 =	spop (v2sf)  }
0x13c: {  	(v2sf) =	vpush v0, $0x8;
	s28 =	sor.u32 s31, s30  }
0x13d: {  	s28 =	sshrl.u32 s28, $0x3  }
0x13e: {  	s30 =	sadd.s32 $0x1E80, s26;
	s28 =	sadd.s32 s3, s28  }
0x13f: {  	[tilespmem:s30], [sflag:$0x1] =	stream.linear.gather [hbm4b:s28+s2], $0x80, $0x38;
	[tilespmem:$0x9C00] =	vst v63  }
0x140: {  	s31 =	spop (v2sf)  }
0x141: {  	(v2sf) =	vpush v1, $0x9;
	s30 =	spop (v2sf)  }
0x142: {  	(v2sf) =	vpush v0, $0x9;
	s28 =	sor.u32 s30, s31  }
0x143: {  	s28 =	sshrl.u32 s28, $0x3  }
0x144: {  	s31 =	sadd.s32 $0x1F00, s26;
	s30 =	spop (v2sf);
	s28 =	sadd.s32 s3, s28  }
0x145: {  	(v2sf) =	vpush v1, $0xA;
	[tilespmem:s31], [sflag:$0x1] =	stream.linear.gather [hbm4b:s28+s2], $0x80, $0x38;
	[tilespmem:$0x9C00] =	vst v63  }
0x146: {  	s31 =	spop (v2sf)  }
0x147: {  	(v2sf) =	vpush v0, $0xA;
	s28 =	sor.u32 s31, s30  }
0x148: {  	s28 =	sshrl.u32 s28, $0x3  }
0x149: {  	s30 =	sadd.s32 $0x1F80, s26;
	s31 =	spop (v2sf);
	s28 =	sadd.s32 s3, s28  }
0x14a: {  	(v2sf) =	vpush v1, $0xB;
	[tilespmem:s30], [sflag:$0x1] =	stream.linear.gather [hbm4b:s28+s2], $0x80, $0x38;
	[tilespmem:$0x9C00] =	vst v63  }
0x14b: {  	s30 =	spop (v2sf)  }
0x14c: {  	(v2sf) =	vpush v0, $0xB;
	s28 =	sor.u32 s30, s31  }
0x14d: {  	s28 =	sshrl.u32 s28, $0x3  }
0x14e: {  	s31 =	sadd.s32 $0x2000, s26;
	s28 =	sadd.s32 s3, s28  }
0x14f: {  	[tilespmem:s31], [sflag:$0x1] =	stream.linear.gather [hbm4b:s28+s2], $0x80, $0x38;
	[tilespmem:$0x9C00] =	vst v63  }
0x150: {  	s30 =	spop (v2sf)  }
0x151: {  	(v2sf) =	vpush v1, $0xC;
	s31 =	spop (v2sf)  }
0x152: {  	(v2sf) =	vpush v0, $0xC;
	s28 =	sor.u32 s31, s30  }
0x153: {  	s28 =	sshrl.u32 s28, $0x3  }
0x154: {  	s30 =	sadd.s32 $0x2080, s26;
	s31 =	spop (v2sf);
	s28 =	sadd.s32 s3, s28  }
0x155: {  	(v2sf) =	vpush v1, $0xD;
	[tilespmem:s30], [sflag:$0x1] =	stream.linear.gather [hbm4b:s28+s2], $0x80, $0x38;
	[tilespmem:$0x9C00] =	vst v63  }
0x156: {  	s30 =	spop (v2sf)  }
0x157: {  	(v2sf) =	vpush v0, $0xD;
	s28 =	sor.u32 s30, s31  }
0x158: {  	s28 =	sshrl.u32 s28, $0x3  }
0x159: {  	s31 =	sadd.s32 $0x2100, s26;
	s30 =	spop (v2sf);
	s28 =	sadd.s32 s3, s28  }
0x15a: {  	(v2sf) =	vpush v1, $0xE;
	[tilespmem:s31], [sflag:$0x1] =	stream.linear.gather [hbm4b:s28+s2], $0x80, $0x38;
	[tilespmem:$0x9C00] =	vst v63  }
0x15b: {  	s31 =	spop (v2sf)  }
0x15c: {  	(v2sf) =	vpush v0, $0xE;
	s28 =	sor.u32 s31, s30  }
0x15d: {  	s28 =	sshrl.u32 s28, $0x3  }
0x15e: {  	s30 =	sadd.s32 $0x2180, s26;
	s28 =	sadd.s32 s3, s28  }
0x15f: {  	[tilespmem:s30], [sflag:$0x1] =	stream.linear.gather [hbm4b:s28+s2], $0x80, $0x38;
	[tilespmem:$0x9C00] =	vst v63  }
0x160: {  	s31 =	spop (v2sf)  }
0x161: {  	(v2sf) =	vpush v1, $0xF;
	s30 =	spop (v2sf)  }
0x162: {  	(v2sf) =	vpush v0, $0xF;
	s28 =	sor.u32 s30, s31  }
0x163: {  	s28 =	sshrl.u32 s28, $0x3  }
0x164: {  	s31 =	sadd.s32 $0x2200, s26;
	s30 =	spop (v2sf);
	s28 =	sadd.s32 s3, s28  }
0x165: {  	[tilespmem:s31], [sflag:$0x1] =	stream.linear.gather [hbm4b:s28+s2], $0x80, $0x38;
	[tilespmem:$0x9C00] =	vst v63  }
0x166: {  	s31 =	spop (v2sf)  }
0x167: {  	s28 =	sor.u32 s31, s30  }
0x168: {  	s28 =	sshrl.u32 s28, $0x3  }
0x169: {  	s30 =	sadd.s32 $0x2280, s26;
	s31 =	spop (v2sf);
	s28 =	sadd.s32 s3, s28  }
0x16a: {  	[tilespmem:s30], [sflag:$0x1] =	stream.linear.gather [hbm4b:s28+s2], $0x80, $0x38;
	[tilespmem:$0x9C00] =	vst v63  }
0x16b: {  	s30 =	spop (v2sf)  }
0x16c: {  	s28 =	sor.u32 s30, s31  }
0x16d: {  	s28 =	sshrl.u32 s28, $0x3  }
0x16e: {  	s31 =	sadd.s32 $0x2300, s26;
	s28 =	sadd.s32 s3, s28  }
0x16f: {  	[tilespmem:s31], [sflag:$0x1] =	stream.linear.gather [hbm4b:s28+s2], $0x80, $0x38;
	[tilespmem:$0x9C00] =	vst v63  }
0x170: {  	p0 =	sne.s32 s24, $0xE000;
	s30 =	spop (v2sf)  }
.Ltmp4:
0x171: {  	s31 =	spop (v2sf);
	(pc) =	sbr.rel @p0 .LBB2_10-.Ltmp4, $4  }
0x172: {  	s28 =	sor.u32 s31, s30  }
0x173: {  	s25 =	sadd.s32 $0x10, s25;
	s28 =	sshrl.u32 s28, $0x3  }
0x174: {  	s24 =	sadd.s32 $0x2000, s24;
	s26 =	sadd.s32 $0x2380, s26;
	s28 =	sadd.s32 s3, s28  }
0x175: {  	[tilespmem:s26], [sflag:$0x1] =	stream.linear.gather [hbm4b:s28+s2], $0x80, $0x38;
	[tilespmem:$0x9C00] =	vst v63  }
.LBB2_11:
0x176: {  	_ =	swait.ge [sflag:s15], $0x4000  }
0x177: {  	[sflag:s15] =	ssyncset.done $0x0  }
0x178: {  	s24 =	simm.s32 $0x0;
	[sflag:s15] =	ssyncadd.s32 $0xFFFFC000  }
0x179: {  	v0 =	vld [tilespmem:s24+$0x5C00]  }
0x17a: {  	v1 =	vld [tilespmem:s24+$0x5C10]  }
0x17b: {  	v2 =	vld [tilespmem:s24+$0x5C20]  }
0x17c: {  	v3 =	vld [tilespmem:s24+$0x5C30]  }
0x17d: {  	v4 =	vld [tilespmem:s24+$0x5C80]  }
0x17e: {  	v5 =	vld [tilespmem:s24+$0x5C90];
	v0 =	vmul.f32 $8.000000000e+00, v0  }
0x17f: {  	v6 =	vld [tilespmem:s24+$0x5CA0];
	v1 =	vmul.f32 $8.000000000e+00, v1  }
0x180: {  	v2 =	vmul.f32 $8.000000000e+00, v2;
	[tilespmem:s24+$0x5C00] =	vst v0;
	v0 =	vld [tilespmem:s24+$0x5CB0]  }
0x181: {  	v3 =	vmul.f32 $8.000000000e+00, v3;
	[tilespmem:s24+$0x5C10] =	vst v1;
	v1 =	vld [tilespmem:s24+$0x5D00]  }
0x182: {  	v4 =	vmul.f32 $8.000000000e+00, v4;
	[tilespmem:s24+$0x5C20] =	vst v2;
	v2 =	vld [tilespmem:s24+$0x5D10]  }
0x183: {  	v5 =	vmul.f32 $8.000000000e+00, v5;
	[tilespmem:s24+$0x5C30] =	vst v3;
	v3 =	vld [tilespmem:s24+$0x5D20]  }
0x184: {  	v6 =	vmul.f32 $8.000000000e+00, v6;
	[tilespmem:s24+$0x5C80] =	vst v4;
	v4 =	vld [tilespmem:s24+$0x5D30]  }
0x185: {  	[tilespmem:s24+$0x5C90] =	vst v5;
	v5 =	vld [tilespmem:s24+$0x5D80];
	v0 =	vmul.f32 $8.000000000e+00, v0  }
0x186: {  	[tilespmem:s24+$0x5CA0] =	vst v6;
	v6 =	vld [tilespmem:s24+$0x5D90];
	v1 =	vmul.f32 $8.000000000e+00, v1  }
0x187: {  	v2 =	vmul.f32 $8.000000000e+00, v2;
	[tilespmem:s24+$0x5CB0] =	vst v0;
	v0 =	vld [tilespmem:s24+$0x5DA0]  }
0x188: {  	v3 =	vmul.f32 $8.000000000e+00, v3;
	[tilespmem:s24+$0x5D00] =	vst v1;
	v1 =	vld [tilespmem:s24+$0x5DB0]  }
0x189: {  	v4 =	vmul.f32 $8.000000000e+00, v4;
	[tilespmem:s24+$0x5D10] =	vst v2;
	v2 =	vld [tilespmem:s24+$0x5E00]  }
0x18a: {  	v5 =	vmul.f32 $8.000000000e+00, v5;
	[tilespmem:s24+$0x5D20] =	vst v3;
	v3 =	vld [tilespmem:s24+$0x5E10]  }
0x18b: {  	v6 =	vmul.f32 $8.000000000e+00, v6;
	[tilespmem:s24+$0x5D30] =	vst v4;
	v4 =	vld [tilespmem:s24+$0x5E20]  }
0x18c: {  	[tilespmem:s24+$0x5D80] =	vst v5;
	v5 =	vld [tilespmem:s24+$0x5E30];
	v0 =	vmul.f32 $8.000000000e+00, v0  }
0x18d: {  	[tilespmem:s24+$0x5D90] =	vst v6;
	v6 =	vld [tilespmem:s24+$0x5E80]  }
0x18e: {  	v1 =	vmul.f32 $8.000000000e+00, v1;
	[tilespmem:s24+$0x5DA0] =	vst v0;
	v0 =	vld [tilespmem:s24+$0x5E90]  }
0x18f: {  	v2 =	vmul.f32 $8.000000000e+00, v2  }
0x190: {  	[tilespmem:s24+$0x5DB0] =	vst v1;
	v1 =	vmul.f32 $8.000000000e+00, v3;
	v3 =	vld [tilespmem:s24+$0x5EB0]  }
0x191: {  	v7 =	vld [tilespmem:s24+$0x5EA0];
	[tilespmem:s24+$0x5E00] =	vst v2;
	v2 =	vmul.f32 $8.000000000e+00, v4  }
0x192: {  	v4 =	vld [tilespmem:s24+$0x5F00];
	[tilespmem:s24+$0x5E10] =	vst v1;
	v1 =	vmul.f32 $8.000000000e+00, v5  }
0x193: {  	[tilespmem:s24+$0x5E20] =	vst v2;
	v5 =	vld [tilespmem:s24+$0x5F10];
	v2 =	vmul.f32 $8.000000000e+00, v6;
	v6 =	vmul.f32 $8.000000000e+00, v0  }
0x194: {  	[tilespmem:s24+$0x5E30] =	vst v1;
	v1 =	vld [tilespmem:s24+$0x5F20]  }
0x195: {  	v0 =	vld [tilespmem:s24+$0x5F30];
	[tilespmem:s24+$0x5E90] =	vst v6;
	v6 =	vmul.f32 $8.000000000e+00, v3  }
0x196: {  	v7 =	vmul.f32 $8.000000000e+00, v7;
	[tilespmem:s24+$0x5E80] =	vst v2;
	v2 =	vld [tilespmem:s24+$0x5F80]  }
0x197: {  	v3 =	vld [tilespmem:s24+$0x5F90];
	[tilespmem:s24+$0x5EB0] =	vst v6;
	v6 =	vmul.f32 $8.000000000e+00, v4  }
0x198: {  	s25 =	simm.s32 $0x1000;
	[tilespmem:s24+$0x5EA0] =	vst v7;
	v5 =	vmul.f32 $8.000000000e+00, v5;
	v4 =	vld [tilespmem:s24+$0x5FA0]  }
.LBB2_12:
0x199: {  	s26 =	sshra.s32 s25, $0x2;
	p0 =	sne.s32 s25, $0xF000;
	[tilespmem:s24+$0x5F00] =	vst v6;
	v1 =	vmul.f32 $8.000000000e+00, v1;
	v6 =	vld [tilespmem:s24+$0x5FB0]  }
0x19a: {  	v7 =	vld [tilespmem:s26+$0x5C00];
	[tilespmem:s24+$0x5F10] =	vst v5;
	v0 =	vmul.f32 $8.000000000e+00, v0  }
0x19b: {  	v5 =	vld [tilespmem:s26+$0x5C10];
	[tilespmem:s24+$0x5F20] =	vst v1;
	v1 =	vmul.f32 $8.000000000e+00, v2  }
0x19c: {  	v2 =	vld [tilespmem:s26+$0x5C20];
	[tilespmem:s24+$0x5F30] =	vst v0;
	v0 =	vmul.f32 $8.000000000e+00, v3  }
0x19d: {  	v3 =	vld [tilespmem:s26+$0x5C30];
	[tilespmem:s24+$0x5F80] =	vst v1;
	v1 =	vmul.f32 $8.000000000e+00, v4  }
0x19e: {  	v4 =	vld [tilespmem:s26+$0x5C80];
	[tilespmem:s24+$0x5F90] =	vst v0;
	v0 =	vmul.f32 $8.000000000e+00, v6  }
0x19f: {  	v6 =	vmul.f32 $8.000000000e+00, v7;
	v7 =	vld [tilespmem:s26+$0x5C90];
	[tilespmem:s24+$0x5FA0] =	vst v1  }
0x1a0: {  	v1 =	vmul.f32 $8.000000000e+00, v5;
	v5 =	vld [tilespmem:s26+$0x5CA0];
	[tilespmem:s24+$0x5FB0] =	vst v0;
	s24 =	smov.u32 s26  }
0x1a1: {  	[tilespmem:s24+$0x5C00] =	vst v6;
	v0 =	vmul.f32 $8.000000000e+00, v2;
	v2 =	vld [tilespmem:s24+$0x5CB0]  }
0x1a2: {  	[tilespmem:s24+$0x5C10] =	vst v1;
	v1 =	vmul.f32 $8.000000000e+00, v3;
	v3 =	vld [tilespmem:s24+$0x5D00]  }
0x1a3: {  	[tilespmem:s24+$0x5C20] =	vst v0;
	v0 =	vmul.f32 $8.000000000e+00, v4;
	v4 =	vld [tilespmem:s24+$0x5D10]  }
0x1a4: {  	[tilespmem:s24+$0x5C30] =	vst v1;
	v1 =	vmul.f32 $8.000000000e+00, v7;
	v6 =	vld [tilespmem:s24+$0x5D20]  }
0x1a5: {  	[tilespmem:s24+$0x5C80] =	vst v0;
	v0 =	vmul.f32 $8.000000000e+00, v5;
	v5 =	vld [tilespmem:s24+$0x5D30]  }
0x1a6: {  	[tilespmem:s24+$0x5C90] =	vst v1;
	v1 =	vmul.f32 $8.000000000e+00, v2;
	v2 =	vld [tilespmem:s24+$0x5D80]  }
0x1a7: {  	[tilespmem:s24+$0x5CA0] =	vst v0;
	v0 =	vmul.f32 $8.000000000e+00, v3;
	v3 =	vld [tilespmem:s24+$0x5D90]  }
0x1a8: {  	[tilespmem:s24+$0x5CB0] =	vst v1;
	v1 =	vmul.f32 $8.000000000e+00, v4;
	v4 =	vld [tilespmem:s24+$0x5DA0]  }
0x1a9: {  	[tilespmem:s24+$0x5D00] =	vst v0;
	v0 =	vmul.f32 $8.000000000e+00, v6;
	v6 =	vld [tilespmem:s24+$0x5DB0]  }
0x1aa: {  	[tilespmem:s24+$0x5D10] =	vst v1;
	v1 =	vmul.f32 $8.000000000e+00, v5;
	v5 =	vld [tilespmem:s24+$0x5E00]  }
0x1ab: {  	[tilespmem:s24+$0x5D20] =	vst v0;
	v0 =	vmul.f32 $8.000000000e+00, v2;
	v2 =	vld [tilespmem:s24+$0x5E10]  }
0x1ac: {  	[tilespmem:s24+$0x5D30] =	vst v1;
	v1 =	vmul.f32 $8.000000000e+00, v3;
	v3 =	vld [tilespmem:s24+$0x5E20]  }
0x1ad: {  	[tilespmem:s24+$0x5D80] =	vst v0;
	v0 =	vmul.f32 $8.000000000e+00, v4;
	v4 =	vld [tilespmem:s24+$0x5E30]  }
0x1ae: {  	[tilespmem:s24+$0x5D90] =	vst v1;
	v1 =	vmul.f32 $8.000000000e+00, v6;
	v6 =	vld [tilespmem:s24+$0x5E80]  }
0x1af: {  	[tilespmem:s24+$0x5DA0] =	vst v0;
	v0 =	vmul.f32 $8.000000000e+00, v5;
	v5 =	vld [tilespmem:s24+$0x5E90]  }
0x1b0: {  	[tilespmem:s24+$0x5DB0] =	vst v1;
	v1 =	vmul.f32 $8.000000000e+00, v2;
	v2 =	vld [tilespmem:s24+$0x5EA0]  }
0x1b1: {  	[tilespmem:s24+$0x5E00] =	vst v0;
	v0 =	vmul.f32 $8.000000000e+00, v3;
	v3 =	vld [tilespmem:s24+$0x5EB0]  }
0x1b2: {  	[tilespmem:s24+$0x5E10] =	vst v1;
	v1 =	vmul.f32 $8.000000000e+00, v4;
	v4 =	vld [tilespmem:s24+$0x5F00]  }
0x1b3: {  	[tilespmem:s24+$0x5E20] =	vst v0;
	v0 =	vmul.f32 $8.000000000e+00, v6;
	v7 =	vld [tilespmem:s24+$0x5F10]  }
.Ltmp5:
0x1b4: {  	[tilespmem:s24+$0x5E30] =	vst v1;
	v5 =	vmul.f32 $8.000000000e+00, v5;
	v1 =	vld [tilespmem:s24+$0x5F20];
	(pc) =	sbr.rel @p0 .LBB2_12-.Ltmp5, $4  }
0x1b5: {  	[tilespmem:s24+$0x5E80] =	vst v0;
	v6 =	vmul.f32 $8.000000000e+00, v2;
	v0 =	vld [tilespmem:s24+$0x5F30]  }
0x1b6: {  	[tilespmem:s24+$0x5E90] =	vst v5;
	v5 =	vmul.f32 $8.000000000e+00, v3;
	v2 =	vld [tilespmem:s24+$0x5F80]  }
0x1b7: {  	[tilespmem:s24+$0x5EA0] =	vst v6;
	v6 =	vmul.f32 $8.000000000e+00, v4;
	v3 =	vld [tilespmem:s24+$0x5F90]  }
0x1b8: {  	s25 =	sadd.s32 $0x1000, s25;
	[tilespmem:s24+$0x5EB0] =	vst v5;
	v5 =	vmul.f32 $8.000000000e+00, v7;
	v4 =	vld [tilespmem:s24+$0x5FA0]  }
0x1b9: {  	[tilespmem:s24+$0x5F00] =	vst v6;
	v1 =	vmul.f32 $8.000000000e+00, v1;
	v59 =	vld [tilespmem:s24+$0x5FB0]  }
0x1ba: {  	[tilespmem:s24+$0x5F10] =	vst v5;
	v0 =	vmul.f32 $8.000000000e+00, v0  }
0x1bb: {  	s20 =	sadd.s32 $0x1, s20;
	[tilespmem:s24+$0x5F20] =	vst v1;
	v60 =	vmul.f32 $8.000000000e+00, v2  }
0x1bc: {  	p0 =	sne.s32 s20, $0x19;
	[tilespmem:s24+$0x5F30] =	vst v0;
	v61 =	vmul.f32 $8.000000000e+00, v3  }
.Ltmp6:
0x1bd: {  	s23 =	sshll.u32 s23, $0x13;
	[tilespmem:s24+$0x5F80] =	vst v60;
	v62 =	vmul.f32 $8.000000000e+00, v4;
	(pc) =	sbr.rel @p0 .LBB2_4-.Ltmp6, $4  }
0x1be: {  	s23 =	sor.u32 s7, s23;
	[tilespmem:s24+$0x5F90] =	vst v61;
	v63 =	vmul.f32 $8.000000000e+00, v59  }
0x1bf: {  	s23 =	sshrl.u32 s23, $0x3;
	[tilespmem:s24+$0x5FA0] =	vst v62  }
0x1c0: {  	s21 =	sadd.s32 $0x100, s21;
	s22 =	sadd.s32 $0x100, s22;
	s23 =	sadd.s32 s4, s23;
	[tilespmem:s24+$0x5FB0] =	vst v63  }
0x1c1: {  	[hbm4b:s23+s2] =	stream.linear.scatter [tilespmem:s16], [sflag:$0x4], $0x4000, $0x38;
	[tilespmem:$0x9C00] =	vst v63  }
0x1c2: {  	s19 =	sadd.s32 $0x1, s19  }
0x1c3: {  	_ =	swait.ge [sflag:s17], $0x4000;
	p0 =	sne.s32 s19, s8  }
.Ltmp7:
0x1c4: {  	[sflag:s17] =	ssyncset.done $0x0;
	(pc) =	sbr.rel @p0 .LBB2_1-.Ltmp7, $4  }
0x1c5: {  	[sflag:s17] =	ssyncadd.s32 $0xFFFFC000  }
0x1c6: {  	_ =	swait.ge [sflag:s18], $0x4000  }
0x1c7: {  	[sflag:s18] =	ssyncset.done $0x0  }
0x1c8: {  	[sflag:s18] =	ssyncadd.s32 $0xFFFFC000  }
0x1c9: {  	_ =	sfence.sel $0x180000  }
0x1ca: {  	[bflag:$0x0] =	sbarrier.arrive $0xFFFF  }
0x1cb: {  	p0 =	sne.s32 s1, $0x0;
	_ =	strace $0x90000047  }
0x1cc: {  	s0 =	sadd.s32 @!p0 $0x100000, s0;
	[bflag:$0x2] =	sbarrier.arrive $0xFFFF  }
0x1cd: {  	[sflag:s0] =	ssyncadd.tile.s32 @!p0 $0x1;
	_ =	shalt  }
.Lfunc_end2:
_tile_overlayer_lowered:
.L_overlay_start_2:
0x1ce: {  	(tag) =	ssettag $0x2  }
0x1cf: {  	s0 =	rddreg [dreg:$0x0];
	s2 =	stileid.u32  }
0x1d0: {  	s1 =	rddreg [dreg:$0x1];
	p0 =	sne.s32 s2, $0x0  }
0x1d1: {  	s3 =	rddreg [dreg:$0x2];
	[bflag:$0x3] =	sbarrier.arrive $0xFFFF;
	s2 =	simm.s32 @!p0 $0x1C05  }
0x1d2: {  	[timem:s3], [sflag:s2] =	dma.local @!p0 [hbm:s0], s1  }
0x1d3: {  	s0 =	simm.s32 @!p0 $0x5  }
0x1d4: {  	_ =	swait.ge @!p0 [sflag:s0], s1  }
0x1d5: {  	s1 =	ssub.s32 @!p0 $0x0, s1;
	[sflag:s0] =	ssyncset.done @!p0 $0x0  }
0x1d6: {  	[sflag:s0] =	ssyncadd.s32 @!p0 s1  }
0x1d7: {  	[bflag:$0x3] =	sbarrier.arrive $0xFFFF  }
0x1d8: {  	_ =	shalt  }

// kernel: sparse-core-data-format-call.cloned.1.call-start
scs
called_computation_lowered:
.L_overlay_start_0:
0x0: {  	s2 =	sld [smem:$0x3FD9]  }
0x1: {  	s3 =	sld [smem:$0x3FFE];
	_ =	sdelay $0x1  }
0x2: {  	s1 =	srdreg.scid  }
0x3: {  	s0 =	sand.u32 $0x1, s1  }
0x4: {  	s18 =	sshll.u32 s0, $0xA;
	s2 =	sadd.s32 s3, s2  }
0x5: {  	s2 =	sadd.s32 s2, s18  }
0x6: {  	[smem:$0x3FC6] =	sst s2  }
0x7: {  	_ = 	snop  }
0x8: {  	s2 =	sld [smem:$0x3FD0];
	(tm) =	ssettm $0x1  }
0x9: {  	s19 =	sld [smem:$0x3FFB];
	_ =	sdelay $0x3  }
0xa: {  	_ =	strace s19  }
0xb: {  	s3 =	sld [smem:$0x3FFC];
	_ =	sdelay $0x3  }
0xc: {  	_ =	strace s3  }
0xd: {  	s3 =	sld [smem:$0x3FFD];
	_ =	sdelay $0x3  }
0xe: {  	_ =	strace s3  }
0xf: {  	_ =	strace $0x8FFFFFFF  }
0x10: {  	s20 =	sld [smem:$0x3FDB];
	_ =	sdelay $0x1  }
0x11: {  	s4 =	simm.s32 $_scs_section_size  }
0x12: {  	s5 =	simm.s32 $_size__tile_overlayer_lowered;
	s6 =	simm.s32 $_tile_overlayer_lowered  }
0x13: {  	s23 =	simm.s32 $0x1BFF;
	s22 =	sshll.u32 s6, $0x1;
	s3 =	sadd.s32 s4, s20  }
0x14: {  	s7 =	simm.s32 $0x0;
	s21 =	sshll.u32 s5, $0x1;
	s5 =	sadd.s32 s22, s3  }
0x15: {  	[timem:s7], [sflag:s23] =	dma.local [hbm:s5], s21  }
0x16: {  	_ =	swait.ge [sflag:s23], s21  }
0x17: {  	s4 =	ssub.s32 $0x0, s21;
	[sflag:s23] =	ssyncset.done $0x0  }
0x18: {  	[sflag:s23] =	ssyncadd.s32 s4;
	_ =	sdelay $0x1  }
0x19: {  	s24 =	simm.s32 $0x1B8B  }
0x1a: {  	_ =	swait.ge [sflag:s24], $0x1  }
0x1b: {  	[sflag:s24] =	ssyncset.done $0x0  }
0x1c: {  	s26 =	simm.s32 $0x1B8E;
	s25 =	sld [smem:$0x3FFE];
	[sflag:s24] =	ssyncadd.s32 $0xFFFFFFFF  }
0x1d: {  	s27 =	simm.s32 $execute0_lowered;
	[smem:$0x3FD2] =	sst s26  }
0x1e: {  	s5 =	sshll.u32 s27, $0x1;
	_ =	strace $0x80000049;
	[dreg:$0x1] =	wrdreg $0xFFFFFFFF  }
0x1f: {  	s28 =	simm.s32 $_size_execute0_lowered;
	s3 =	sadd.s32 s3, s5;
	[dreg:$0x0] =	wrdreg $0x0  }
0x20: {  	s5 =	sshll.u32 s28, $0x1;
	[dreg:$0x2] =	wrdreg s3  }
0x21: {  	[dreg:$0x3] =	wrdreg s5  }
0x22: {  	[dreg:$0x4] =	wrdreg $0xC0  }
0x23: {  	_ =	task [dreg:s7], $0x5FFFF  }
0x24: {  	[dreg:$0x1] =	wrdreg $0xFFFFFFFF  }
0x25: {  	[dreg:$0x0] =	wrdreg $0x60  }
0x26: {  	[dreg:$0x2] =	wrdreg s25  }
0x27: {  	[dreg:$0x3] =	wrdreg s2  }
0x28: {  	[dreg:$0x4] =	wrdreg $0x9  }
0x29: {  	_ =	task.clear_ibuf [dreg:s7], $0x5FFFF;
	_ =	strace $0x90000049  }
0x2a: {  	s29 =	simm.s32 $0x9;
	_ =	strace $0x8000004B  }
0x2b: {  	_ =	swait.ge [sflag:s29], $0x1  }
0x2c: {  	[sflag:s29] =	ssyncadd.s32 $0xFFFFFFFF  }
0x2d: {  	_ =	strace $0x9000004B  }
0x2e: {  	_ =	sfence  }
0x2f: {  	s30 =	sld [smem:$0x0];
	_ =	sdelay $0x2  }
0x30: {  	s31 =	sshll.u32 s1, $0xD;
	s1 =	sshrl.u32 s1, $0x2  }
0x31: {  	s3 =	sand.u32 $0x4000, s31;
	s1 =	sadd.s32 s1, s30  }
0x32: {  	s0 =	sor.u32 s3, s0;
	s1 =	sshll.u32 s1, $0x11  }
0x33: {  	s0 =	sor.u32 s1, s0  }
0x34: {  	s0 =	sadd.s32 $0x8F2B, s0  }
0x35: {  	[sflag:s0] =	ssyncadd.remote.s32 $0x1  }
0x36: {  	_ =	sfence.sel $0xFFFF  }
0x37: {  	[dreg:$0x0] =	wrdreg $0xFFFFFFFF;
	(pc) =	sbr.abs _section_cstart, $3  }
0x38: {  	[dreg:$0x1] =	wrdreg $0xFFFFFFFF  }
0x39: {  	_ =	task.clear_ibuf [dreg:s7], $0x2FFFF;
	_ =	strace $0x9FFFFFFF  }
0x3a: {  	(tm) =	ssettm $0x7FFFFFFF  }
0x3b: {  	_ =	shalt  }
tec
execute0_lowered:
.L_overlay_start_1:
0x0: {  	(tag) =	ssettag $0x1  }
0x1: {  	s0 =	srdreg.scid  }
0x2: {  	s1 =	sshll.u32 s0, $0x4  }
0x3: {  	s5 =	rddreg [dreg:$0x0];
	s0 =	stileid.u32;
	s1 =	sand.u32 $0x10, s1  }
0x4: {  	s3 =	rddreg [dreg:$0x1];
	s31 =	simm.s32 $0x2;
	s4 =	sor.u32 s0, s1  }
0x5: {  	s13 =	simm.s32 $0x0;
	s9 =	simm.s32 $0x400;
	s2 =	sshll.u32 s4, $0x7  }
0x6: {  	s10 =	simm.s32 $0x8000;
	s14 =	simm.s32 $0x0;
	s6 =	ssub.s32 $0x1000, s2  }
0x7: {  	s1 =	rddreg [dreg:$0x2];
	_ =	strace $0x8000004A;
	s7 =	sand.u32 $0xF80, s6  }
0x8: {  	s4 =	sshll.u32 s4, $0xB;
	p0 =	sne.s32 s7, $0x0;
	s7 =	simm.s32 $0x1  }
.Ltmp0:
0x9: {  	s6 =	sshrl.u32 s6, $0xC;
	s7 =	simm.s32 @!p0 $0x0;
	(pc) =	sbr.rel .LBB1_1-.Ltmp0, $4  }
0xa: {  	s8 =	sadd.s32 s4, s5;
	s4 =	simm.s32 $0x1;
	s30 =	sadd.s32 s7, s6  }
0xb: {  	s11 =	simm.s32 $0x0;
	[sflag:s4] =	ssyncpa.u1 $0x0;
	s5 =	smul.u32 $0x19, s30  }
0xc: {  	s12 =	simm.s32 $0x0;
	[sflag:s31] =	ssyncpa.u1 $0x0;
	p0 =	por $0x0, $0x0  }
0xd: {  	s6 =	sadd.s32 $0xF42C00, s8;
	s7 =	sadd.s32 $0xF52C00, s8;
	s8 =	sadd.s32 $0x1, s5  }
.LBB1_7:
0xe: {  	s15 =	sadd.s32 $0x2, s11  }
0xf: {  	p2 =	sgt.s32 s15, $0x31  }
0x10: {  	s15 =	simm.s32 @p2 $0x0;
	p2 =	sne.s32 s12, s8  }
.Ltmp1:
0x11: {  	p1 =	slt.u32 s12, $0x2;
	(pc) =	sbr.rel @!p2 .LBB1_8-.Ltmp1, $4  }
0x12: {  	s13 =	simm.s32 @!p1 $0x2  }
0x13: {  	s16 =	sadd.s32 $0x1, s12;
	s14 =	smov.u32 s11;
	_ =	swait.ge @!p1 [sflag:s13], $0x4000  }
0x14: {  	p0 =	por !p0, !p0;
	s12 =	smov.u32 s16;
	[sflag:s13] =	ssyncset.done @!p1 $0x0  }
0x15: {  	s11 =	smov.u32 s15;
	[sflag:s13] =	ssyncadd.s32 @!p1 $0xFFFFC000;
	s13 =	smov.u32 s2  }
.LBB1_1:
0x16: {  	p1 =	sge.u32 s12, s5  }
0x17: {  	s15 =	sxor.u32 @!p1 $0xFFFFFFFF, s12  }
0x18: {  	s16 =	sshll.u32 @!p1 s11, $0x10;
	s18 =	simm.s32 @!p1 $0x40;
	s15 =	sshll.u32 @!p1 s15, $0xE  }
0x19: {  	s19 =	simm.s32 @!p1 $0x80;
	s17 =	sadd.s32 @!p1 s16, s6;
	s15 =	sand.u32 @!p1 $0x4000, s15  }
0x1a: {  	[tilespmem:s15], [sflag:$0x1] =	stream.strided.gather @!p1 [hbm4b:s17+s18], $0x2000, s19, s18, $0x38;
	[tilespmem:$0x10100] =	vst v63  }
0x1b: {  	s31 =	sadd.s32 $0xFFFFFFFF, s12;
	s16 =	sadd.s32 @!p1 s16, s7;
	s15 =	sor.u32 @!p1 $0x2000, s15  }
0x1c: {  	[tilespmem:s15], [sflag:$0x1] =	stream.strided.gather @!p1 [hbm4b:s16+s18], $0x2000, s19, s18, $0x38;
	[tilespmem:$0x10100] =	vst v63  }
0x1d: {  	p1 =	sge.u32 s31, s5  }
.Ltmp2:
0x1e: {  	_ = 	snop;
	(pc) =	sbr.rel @p1 .LBB1_7-.Ltmp2, $1  }
0x1f: {  	_ =	sdelay $0x3  }
0x20: {  	s15 =	simm.s32 $0x1;
	s17 =	sand.u32 $0x1, s12  }
0x21: {  	_ =	swait.ge [sflag:s4], $0x4000;
	s15 =	simm.s32 @!p0 $0x0;
	s17 =	smul.u32 $0x10200, s17  }
0x22: {  	p2 =	por $0x1, $0x1;
	[sflag:s4] =	ssyncset.done $0x0;
	s16 =	smul.u32 $0x10200, s15  }
0x23: {  	s18 =	sshll.u32 s15, $0x10;
	[sflag:s4] =	ssyncadd.s32 $0xFFFFC000;
	s30 =	sshrl.u32 s17, $0x2  }
0x24: {  	s31 =	sshrl.u32 s18, $0x2;
	s18 =	simm.s32 $0x0;
	s16 =	sshrl.u32 s16, $0x2  }
0x25: {  	s15 =	sor.u32 $0x8000, s30;
	s17 =	sadd.s32 $0x20, s31;
	s16 =	sor.u32 $0x8000, s16  }
.LBB1_3:
0x26: {  	s19 =	sshll.u32 s18, $0xD  }
0x27: {  	s19 =	sand.u32 $0x3FFFE000, s19  }
0x28: {  	s21 =	sadd.s32 s19, s17  }
0x29: {  	s31 =	smul.u32 $0x8100, s18;
	v3 =	vld [tilespmem:s21+$0x10]  }
0x2a: {  	v1 =	vld [tilespmem:s21+$0xFFFFFFF0]  }
0x2b: {  	s18 =	sshra.s32 s31, $0x2;
	v0 =	vld [tilespmem:s21+$0x0]  }
0x2c: {  	s18 =	sadd.s32 s18, s16;
	v2 =	vld [tilespmem:s21+$0xFFFFFFE0]  }
0x2d: {  	s19 =	sadd.s32 $0x0, s18  }
0x2e: {  	p1 =	por p2, p2;
	s20 =	simm.s32 $0x4;
	s21 =	sadd.s32 $0x40, s21;
	[tilespmem:s19+$0x1830 ss:$0x81] =	vst.msk $0xffff, v3  }
.LBB1_4:
0x2f: {  	v3 =	vld [tilespmem:s21+$0x10];
	p2 =	sne.s32 s20, $0x1FC;
	[tilespmem:s19+$0x810 ss:$0x81] =	vst.msk $0xffff, v1;
	s22 =	smov.u32 s20;
	s20 =	sadd.s32 $0x4, s20  }
.Ltmp3:
0x30: {  	v1 =	vld [tilespmem:s21+$0xFFFFFFF0];
	[tilespmem:s19+$0x1020 ss:$0x81] =	vst.msk $0xffff, v0;
	(pc) =	sbr.rel @p2 .LBB1_4-.Ltmp3, $4  }
0x31: {  	v0 =	vld [tilespmem:s21+$0x0];
	[tilespmem:s19+$0x0 ss:$0x81] =	vst.msk $0xffff, v2  }
0x32: {  	s19 =	sshra.s32 s22, $0x2;
	v2 =	vld [tilespmem:s21+$0xFFFFFFE0]  }
0x33: {  	s19 =	sadd.s32 s19, s18  }
0x34: {  	s21 =	sadd.s32 $0x40, s21;
	[tilespmem:s19+$0x1830 ss:$0x81] =	vst.msk $0xffff, v3  }
.Ltmp4:
0x35: {  	(pc) =	sbr.rel @p1 .LBB1_3-.Ltmp4, $4  }
0x36: {  	_ = 	snop  }
0x37: {  	[tilespmem:s19+$0x810 ss:$0x81] =	vst.msk $0xffff, v1  }
0x38: {  	[tilespmem:s19+$0x1020 ss:$0x81] =	vst.msk $0xffff, v0  }
0x39: {  	s18 =	simm.s32 $0x1;
	p2 =	por $0x0, $0x0;
	[tilespmem:s19+$0x0 ss:$0x81] =	vst.msk $0xffff, v2  }
.Ltmp5:
0x3a: {  	(pc) =	sbr.rel .LBB1_7-.Ltmp5, $4  }
0x3b: {  	s14 =	sshll.u32 s14, $0xF  }
0x3c: {  	s14 =	sadd.s32 s3, s14  }
0x3d: {  	s13 =	sadd.s32 s13, s14  }
0x3e: {  	[hbm4b:s13+s9] =	stream.strided.scatter [tilespmem:s15], [sflag:$0x2], $0x4000, s10, s9, $0x20;
	[tilespmem:$0x10100] =	vst v63  }
.LBB1_8:
0x3f: {  	_ =	sfence.sel $0x180000  }
0x40: {  	s2 =	simm.s32 $0x1;
	[bflag:$0x0] =	sbarrier.arrive $0xFFFF  }
0x41: {  	s31 =	simm.s32 $0x2;
	[sflag:s2] =	ssyncpa.u1 $0x1  }
0x42: {  	[sflag:s31] =	ssyncpa.u1 $0x1  }
0x43: {  	p0 =	sne.s32 s0, $0x0;
	_ =	strace $0x9000004A  }
0x44: {  	s0 =	sadd.s32 @!p0 $0x100000, s1;
	[bflag:$0x2] =	sbarrier.arrive $0xFFFF  }
0x45: {  	[sflag:s0] =	ssyncadd.tile.s32 @!p0 $0x1;
	_ =	shalt  }
.Lfunc_end1:
_tile_overlayer_lowered:
.L_overlay_start_2:
0x46: {  	(tag) =	ssettag $0x2  }
0x47: {  	s0 =	rddreg [dreg:$0x0];
	s2 =	stileid.u32  }
0x48: {  	s1 =	rddreg [dreg:$0x1];
	p0 =	sne.s32 s2, $0x0  }
0x49: {  	s3 =	rddreg [dreg:$0x2];
	[bflag:$0x3] =	sbarrier.arrive $0xFFFF;
	s2 =	simm.s32 @!p0 $0x1C01  }
0x4a: {  	[timem:s3], [sflag:s2] =	dma.local @!p0 [hbm:s0], s1  }
0x4b: {  	s0 =	simm.s32 @!p0 $0x1  }
0x4c: {  	_ =	swait.ge @!p0 [sflag:s0], s1  }
0x4d: {  	s1 =	ssub.s32 @!p0 $0x0, s1;
	[sflag:s0] =	ssyncset.done @!p0 $0x0  }
0x4e: {  	[sflag:s0] =	ssyncadd.s32 @!p0 s1  }
0x4f: {  	[bflag:$0x3] =	sbarrier.arrive $0xFFFF  }
0x50: {  	_ =	shalt  }

</sc_bundles>
